<compile_context>
chip_gen: v7x
topology: tpu7x:2x2x1
jax: 0.10.2.dev20260603
libtpu: 0.0.44.dev20260713+nightly
codegen_flags: <defaults>
</compile_context>

<pallas_src>
import jax
import jax.numpy as jnp
from jax import lax
from jax.experimental import pallas as pl
from jax.experimental.pallas import tpu as pltpu
from jax.experimental.pallas import tpu_sc as plsc

B = 4096
WL = 5
D = 64
DP = 128
H = 128
T = 50
NI = B * WL

NC, NS = 2, 16
NW = NC * NS
ROWS_W = B // NW

BB = 2048


def _prep_body(ep, es, epo, eso):
    zt = jnp.zeros((ep.shape[0], DP - D), dtype=jnp.float32)
    epo[...] = jnp.concatenate([ep[...], zt], axis=1)
    eso[...] = jnp.concatenate([es[...], zt], axis=1)


def _prep(emb_pref, emb_suff):
    n = emb_pref.shape[0]
    return pl.pallas_call(
        _prep_body,
        out_shape=[
            jax.ShapeDtypeStruct((n, DP), jnp.float32),
            jax.ShapeDtypeStruct((n, DP), jnp.float32),
        ],
    )(emb_pref, emb_suff)


def _sc_gather_body(ew, ep, es, wi, pi, si, ow, op_, os_,
                    wv2, pv2, sv2, wv, pv, sv, rw, pb, sb,
                    semi, semw, gp0, gp1, gs0, gs1, ws0, ws1):
    wid = lax.axis_index("s") * NC + lax.axis_index("c")
    b0 = wid * ROWS_W
    rsl2 = pl.ds(b0, ROWS_W)

    idx_cps = [
        pltpu.async_copy(wi.at[rsl2, :], wv2, semi),
        pltpu.async_copy(pi.at[rsl2, :], pv2, semi),
        pltpu.async_copy(si.at[rsl2, :], sv2, semi),
    ]
    for cp in idx_cps:
        cp.wait()
    for src, dst in ((wv2, wv), (pv2, pv), (sv2, sv)):
        for w in range(WL):
            cols = jnp.full((16,), w, dtype=jnp.int32)
            for j in range(ROWS_W // 16):
                rows = jnp.arange(16, dtype=jnp.int32) + (16 * j)
                dst[w, pl.ds(j * 16, 16)] = plsc.load_gather(src,
                                                             [rows, cols])

    word_cps = []
    for w in range(WL):
        rsl = pl.ds(w * ROWS_W, ROWS_W)
        word_cps.append(pltpu.async_copy(ew.at[wv.at[w]], rw.at[rsl], semw))

    gsem_p, gsem_s, wsem = (gp0, gp1), (gs0, gs1), (ws0, ws1)
    live = {}
    for w in range(WL):
        par = w % 2
        if w >= 2:
            live[(w - 2, "pw")].wait()
            live[(w - 2, "sw")].wait()
        live[(w, "pg")] = pltpu.async_copy(ep.at[pv.at[w]], pb.at[par],
                                           gsem_p[par])
        live[(w, "sg")] = pltpu.async_copy(es.at[sv.at[w]], sb.at[par],
                                           gsem_s[par])
        osl = pl.ds(w * B + b0, ROWS_W)
        live[(w, "pg")].wait()
        live[(w, "pw")] = pltpu.async_copy(pb.at[par], op_.at[osl], wsem[par])
        live[(w, "sg")].wait()
        live[(w, "sw")] = pltpu.async_copy(sb.at[par], os_.at[osl], wsem[par])

    for cp in word_cps:
        cp.wait()
    out_cps = []
    for w in range(WL):
        rsl = pl.ds(w * ROWS_W, ROWS_W)
        osl = pl.ds(w * B + b0, ROWS_W)
        out_cps.append(pltpu.async_copy(rw.at[rsl], ow.at[osl], semw))
    for w in (WL - 2, WL - 1):
        live[(w, "pw")].wait()
        live[(w, "sw")].wait()
    for cp in out_cps:
        cp.wait()


def _sc_gather(emb_word, emb_pref_pad, emb_suff_pad, wip, pip, sip):
    mesh = plsc.VectorSubcoreMesh(core_axis_name="c", subcore_axis_name="s")
    out_t = [
        jax.ShapeDtypeStruct((NI, D), jnp.float32),
        jax.ShapeDtypeStruct((NI, DP), jnp.float32),
        jax.ShapeDtypeStruct((NI, DP), jnp.float32),
    ]
    scratch = [
        pltpu.VMEM((ROWS_W, WL), jnp.int32),
        pltpu.VMEM((ROWS_W, WL), jnp.int32),
        pltpu.VMEM((ROWS_W, WL), jnp.int32),
        pltpu.VMEM((WL, ROWS_W), jnp.int32),
        pltpu.VMEM((WL, ROWS_W), jnp.int32),
        pltpu.VMEM((WL, ROWS_W), jnp.int32),
        pltpu.VMEM((WL * ROWS_W, D), jnp.float32),
        pltpu.VMEM((2, ROWS_W, DP), jnp.float32),
        pltpu.VMEM((2, ROWS_W, DP), jnp.float32),
    ] + [pltpu.SemaphoreType.DMA] * 8
    k = pl.kernel(_sc_gather_body, out_type=out_t, mesh=mesh,
                  scratch_types=scratch,
                  compiler_params=pltpu.CompilerParams(
                      use_tc_tiling_on_sc=False,
                      needs_layout_passes=False))
    return k(emb_word, emb_pref_pad, emb_suff_pad, wip, pip, sip)


def _mlp_body(hw, hp, hs, w1, b1, w2, b2, out):
    acc = jnp.zeros((BB, H), dtype=jnp.float32) + b1[...]
    for w in range(WL):
        avg = (hw[w] + hp[w][:, :D] + hs[w][:, :D]) * (1.0 / 3.0)
        acc = acc + jnp.dot(avg, w1[w * D:(w + 1) * D, :],
                            preferred_element_type=jnp.float32)
    h2 = jnp.tanh(acc)
    o = jnp.dot(h2, w2[...], preferred_element_type=jnp.float32) + b2[...]
    m = jnp.max(o, axis=1, keepdims=True)
    s = o - m
    lse = jnp.log(jnp.sum(jnp.exp(s), axis=1, keepdims=True))
    out[...] = s - lse


def _mlp(hw, hp, hs, W1, b1, W2, b2, *, interpret=False):
    return pl.pallas_call(
        _mlp_body,
        grid=(B // BB,),
        in_specs=[
            pl.BlockSpec((WL, BB, D), lambda i: (0, i, 0)),
            pl.BlockSpec((WL, BB, DP), lambda i: (0, i, 0)),
            pl.BlockSpec((WL, BB, DP), lambda i: (0, i, 0)),
            pl.BlockSpec((WL * D, H), lambda i: (0, 0)),
            pl.BlockSpec((1, H), lambda i: (0, 0)),
            pl.BlockSpec((H, T), lambda i: (0, 0)),
            pl.BlockSpec((1, T), lambda i: (0, 0)),
        ],
        out_specs=pl.BlockSpec((BB, T), lambda i: (i, 0)),
        out_shape=jax.ShapeDtypeStruct((B, T), jnp.float32),
        interpret=interpret,
    )(hw, hp, hs, W1, b1.reshape(1, H), W2, b2.reshape(1, T))


def kernel(words, suffix, prefix, emb_word, emb_pref, emb_suff, W1, b1, W2, b2):
    ppad, spad = _prep(emb_pref, emb_suff)
    hw, hp, hs = _sc_gather(emb_word, ppad, spad, words, prefix, suffix)
    hw = hw.reshape(WL, B, D)
    hp = hp.reshape(WL, B, DP)
    hs = hs.reshape(WL, B, DP)
    return _mlp(hw, hp, hs, W1, b1, W2, b2)

# --- scband reference (transcript-rebuilt; emitter-appended) ---
"""Pipeline reference for scband-nnte-55052890800476 (READ-ONLY COPY).

The authoritative reference and input builder live on the scoring server;
editing this copy changes nothing except your own understanding.
"""

import jax, jax.numpy as jnp
import numpy as np

B = 4096   # batch_size
WL = 5     # window_len
D = 64     # emb_dim
V = 100000 # vocab_size = len(train_data.word_idx)
P = 1000   # prefix_len
S = 1000   # suffix_len
H = 128    # hidden_size
T = 50     # tags_size = len(train_data.tags_idx)


def setup_inputs(seed: int = 0) -> dict:
    key = jax.random.key(seed)
    ks = jax.random.split(key, 10)
    words = jax.random.randint(ks[0], (B, WL), 0, V, dtype=jnp.int32)
    suffix = jax.random.randint(ks[1], (B, WL), 0, S, dtype=jnp.int32)
    prefix = jax.random.randint(ks[2], (B, WL), 0, P, dtype=jnp.int32)
    emb_word = jax.random.normal(ks[3], (V, D), dtype=jnp.float32)
    emb_pref = jax.random.normal(ks[4], (P, D), dtype=jnp.float32)
    emb_suff = jax.random.normal(ks[5], (S, D), dtype=jnp.float32)
    W1 = jax.random.normal(ks[6], (WL * D, H), dtype=jnp.float32) * (1.0 / np.sqrt(WL * D))
    b1 = jnp.zeros((H,), dtype=jnp.float32)
    W2 = jax.random.normal(ks[7], (H, T), dtype=jnp.float32) * (1.0 / np.sqrt(H))
    b2 = jnp.zeros((T,), dtype=jnp.float32)
    return {
        "words": words, "suffix": suffix, "prefix": prefix,
        "emb_word": emb_word, "emb_pref": emb_pref, "emb_suff": emb_suff,
        "W1": W1, "b1": b1, "W2": W2, "b2": b2,
    }


def reference(words, suffix, prefix, emb_word, emb_pref, emb_suff, W1, b1, W2, b2):
    # embedding lookups -> view(batch, window_len * emb_dim)
    h1_words = jnp.take(emb_word, words, axis=0).reshape(B, WL * D)
    h1_prefix = jnp.take(emb_pref, prefix, axis=0).reshape(B, WL * D)
    h1_suffix = jnp.take(emb_suff, suffix, axis=0).reshape(B, WL * D)
    avg = (h1_words + h1_prefix + h1_suffix) / 3.0
    # dropout(p=0.3) is identity in eval mode
    h2 = jnp.tanh(avg @ W1 + b1)
    out = h2 @ W2 + b2
    log_probs = jax.nn.log_softmax(out, axis=1)
    return log_probs

if __name__ == "__main__":
    import jax
    _d = setup_inputs()
    print(jax.jit(kernel)(*tuple(_d.values())))

</pallas_src>

<mosaic_0001>
#map = affine_map<(d0, d1) -> (0, 0)>
module attributes {stable_mosaic.version = 14 : i64} {
  func.func @_sc_gather_body(%arg0: i32, %arg1: i32, %arg2: memref<100000x64xf32, #tpu.memory_space<hbm>>, %arg3: memref<1000x128xf32, #tpu.memory_space<hbm>>, %arg4: memref<1000x128xf32, #tpu.memory_space<hbm>>, %arg5: memref<4096x5xi32, #tpu.memory_space<hbm>>, %arg6: memref<4096x5xi32, #tpu.memory_space<hbm>>, %arg7: memref<4096x5xi32, #tpu.memory_space<hbm>>, %arg8: memref<20480x64xf32, #tpu.memory_space<hbm>>, %arg9: memref<20480x128xf32, #tpu.memory_space<hbm>>, %arg10: memref<20480x128xf32, #tpu.memory_space<hbm>>, %arg11: memref<128x5xi32, #tpu.memory_space<vmem>>, %arg12: memref<128x5xi32, #tpu.memory_space<vmem>>, %arg13: memref<128x5xi32, #tpu.memory_space<vmem>>, %arg14: memref<5x128xi32, #tpu.memory_space<vmem>>, %arg15: memref<5x128xi32, #tpu.memory_space<vmem>>, %arg16: memref<5x128xi32, #tpu.memory_space<vmem>>, %arg17: memref<640x64xf32, #tpu.memory_space<vmem>>, %arg18: memref<2x128x128xf32, #tpu.memory_space<vmem>>, %arg19: memref<2x128x128xf32, #tpu.memory_space<vmem>>, %arg20: memref<!tpu.dma_semaphore, #tpu.memory_space<semaphore_mem>>, %arg21: memref<!tpu.dma_semaphore, #tpu.memory_space<semaphore_mem>>, %arg22: memref<!tpu.dma_semaphore, #tpu.memory_space<semaphore_mem>>, %arg23: memref<!tpu.dma_semaphore, #tpu.memory_space<semaphore_mem>>, %arg24: memref<!tpu.dma_semaphore, #tpu.memory_space<semaphore_mem>>, %arg25: memref<!tpu.dma_semaphore, #tpu.memory_space<semaphore_mem>>, %arg26: memref<!tpu.dma_semaphore, #tpu.memory_space<semaphore_mem>>, %arg27: memref<!tpu.dma_semaphore, #tpu.memory_space<semaphore_mem>>) attributes {dimension_semantics = [#tpu.dimension_semantics<core_parallel>, #tpu.dimension_semantics<subcore_parallel>], iteration_bounds = array<i64: 2, 16>, scalar_prefetch = 0 : i64, scratch_operands = 17 : i64, tpu.core_type = #tpu.core_type<sc_vector_subcore>, window_params = [{transform_indices = #map}, {transform_indices = #map}, {transform_indices = #map}, {transform_indices = #map}, {transform_indices = #map}, {transform_indices = #map}, {transform_indices = #map}, {transform_indices = #map}, {transform_indices = #map}]} {
    %mul3A = arith.constant 2 : i32
    %mul3A_0 = arith.muli %arg1, %mul3A : i32
    %add3A = arith.addi %mul3A_0, %arg0 : i32
    %mul3A_1 = arith.constant 128 : i32
    %mul3A_2 = arith.muli %add3A, %mul3A_1 : i32
    %dma_start3A = arith.constant 0 : i32
    %dma_start3A_3 = tpu.memref_slice %arg5[%mul3A_2, %dma_start3A] : memref<4096x5xi32, #tpu.memory_space<hbm>> -> memref<128x5xi32, #tpu.memory_space<hbm>>
    %dma_start3A_4 = arith.constant 0 : i32
    %dma_start3A_5 = tpu.memref_slice %arg5[%mul3A_2, %dma_start3A_4] : memref<4096x5xi32, #tpu.memory_space<hbm>> -> memref<128x5xi32, #tpu.memory_space<hbm>>
    tpu.enqueue_dma source(%dma_start3A_5 : memref<128x5xi32, #tpu.memory_space<hbm>>) target(%arg11 : memref<128x5xi32, #tpu.memory_space<vmem>>) target_semaphore(%arg20 : memref<!tpu.dma_semaphore, #tpu.memory_space<semaphore_mem>>)
    %dma_start3A_6 = arith.constant 0 : i32
    %dma_start3A_7 = tpu.memref_slice %arg6[%mul3A_2, %dma_start3A_6] : memref<4096x5xi32, #tpu.memory_space<hbm>> -> memref<128x5xi32, #tpu.memory_space<hbm>>
    %dma_start3A_8 = arith.constant 0 : i32
    %dma_start3A_9 = tpu.memref_slice %arg6[%mul3A_2, %dma_start3A_8] : memref<4096x5xi32, #tpu.memory_space<hbm>> -> memref<128x5xi32, #tpu.memory_space<hbm>>
    tpu.enqueue_dma source(%dma_start3A_9 : memref<128x5xi32, #tpu.memory_space<hbm>>) target(%arg12 : memref<128x5xi32, #tpu.memory_space<vmem>>) target_semaphore(%arg20 : memref<!tpu.dma_semaphore, #tpu.memory_space<semaphore_mem>>)
    %dma_start3A_10 = arith.constant 0 : i32
    %dma_start3A_11 = tpu.memref_slice %arg7[%mul3A_2, %dma_start3A_10] : memref<4096x5xi32, #tpu.memory_space<hbm>> -> memref<128x5xi32, #tpu.memory_space<hbm>>
    %dma_start3A_12 = arith.constant 0 : i32
    %dma_start3A_13 = tpu.memref_slice %arg7[%mul3A_2, %dma_start3A_12] : memref<4096x5xi32, #tpu.memory_space<hbm>> -> memref<128x5xi32, #tpu.memory_space<hbm>>
    tpu.enqueue_dma source(%dma_start3A_13 : memref<128x5xi32, #tpu.memory_space<hbm>>) target(%arg13 : memref<128x5xi32, #tpu.memory_space<vmem>>) target_semaphore(%arg20 : memref<!tpu.dma_semaphore, #tpu.memory_space<semaphore_mem>>)
    %dma_wait3A = arith.constant 0 : i32
    %dma_wait3A_14 = tpu.memref_slice %arg5[%mul3A_2, %dma_wait3A] : memref<4096x5xi32, #tpu.memory_space<hbm>> -> memref<128x5xi32, #tpu.memory_space<hbm>>
    %dma_wait3A_15 = arith.constant 0 : i32
    %dma_wait3A_16 = tpu.memref_slice %arg5[%mul3A_2, %dma_wait3A_15] : memref<4096x5xi32, #tpu.memory_space<hbm>> -> memref<128x5xi32, #tpu.memory_space<hbm>>
    tpu.wait_dma2 semaphore(%arg20 : memref<!tpu.dma_semaphore, #tpu.memory_space<semaphore_mem>>) src(%dma_wait3A_16 : memref<128x5xi32, #tpu.memory_space<hbm>>) dst(%arg11 : memref<128x5xi32, #tpu.memory_space<vmem>>)
    %dma_wait3A_17 = arith.constant 0 : i32
    %dma_wait3A_18 = tpu.memref_slice %arg6[%mul3A_2, %dma_wait3A_17] : memref<4096x5xi32, #tpu.memory_space<hbm>> -> memref<128x5xi32, #tpu.memory_space<hbm>>
    %dma_wait3A_19 = arith.constant 0 : i32
    %dma_wait3A_20 = tpu.memref_slice %arg6[%mul3A_2, %dma_wait3A_19] : memref<4096x5xi32, #tpu.memory_space<hbm>> -> memref<128x5xi32, #tpu.memory_space<hbm>>
    tpu.wait_dma2 semaphore(%arg20 : memref<!tpu.dma_semaphore, #tpu.memory_space<semaphore_mem>>) src(%dma_wait3A_20 : memref<128x5xi32, #tpu.memory_space<hbm>>) dst(%arg12 : memref<128x5xi32, #tpu.memory_space<vmem>>)
    %dma_wait3A_21 = arith.constant 0 : i32
    %dma_wait3A_22 = tpu.memref_slice %arg7[%mul3A_2, %dma_wait3A_21] : memref<4096x5xi32, #tpu.memory_space<hbm>> -> memref<128x5xi32, #tpu.memory_space<hbm>>
    %dma_wait3A_23 = arith.constant 0 : i32
    %dma_wait3A_24 = tpu.memref_slice %arg7[%mul3A_2, %dma_wait3A_23] : memref<4096x5xi32, #tpu.memory_space<hbm>> -> memref<128x5xi32, #tpu.memory_space<hbm>>
    tpu.wait_dma2 semaphore(%arg20 : memref<!tpu.dma_semaphore, #tpu.memory_space<semaphore_mem>>) src(%dma_wait3A_24 : memref<128x5xi32, #tpu.memory_space<hbm>>) dst(%arg13 : memref<128x5xi32, #tpu.memory_space<vmem>>)
    %broadcast_in_dim3A = arith.constant 0 : i32
    %broadcast_in_dim3A_25 = vector.broadcast %broadcast_in_dim3A : i32 to vector<16xi32>
    %iota3A = tpu.iota {dimensions = array<i32: 0>} : vector<16xi32>
    %add3A_26 = arith.constant 0 : i32
    %add3A_27 = vector.broadcast %add3A_26 : i32 to vector<16xi32>
    %add3A_28 = arith.addi %iota3A, %add3A_27 : vector<16xi32>
    %gather3A = tpu.vector_load_idx %arg11[%add3A_28, %broadcast_in_dim3A_25] : memref<128x5xi32, #tpu.memory_space<vmem>>[vector<16xi32>, vector<16xi32>], vector<16xi32>,
    %swap3A = arith.constant 0 : i32
    %swap3A_29 = arith.index_cast %swap3A : i32 to index
    %swap3A_30 = arith.constant 0 : index
    %swap3A_31 = tpu.vector_load %arg14[%swap3A_29, %swap3A_30] {strides = array<i32>} : memref<5x128xi32, #tpu.memory_space<vmem>>, vector<16xi32>,
    tpu.vector_store %arg14[%swap3A_29, %swap3A_30], %gather3A {strides = array<i32>} : memref<5x128xi32, #tpu.memory_space<vmem>>, vector<16xi32>,
    %iota3A_32 = tpu.iota {dimensions = array<i32: 0>} : vector<16xi32>
    %add3A_33 = arith.constant 16 : i32
    %add3A_34 = vector.broadcast %add3A_33 : i32 to vector<16xi32>
    %add3A_35 = arith.addi %iota3A_32, %add3A_34 : vector<16xi32>
    %gather3A_36 = tpu.vector_load_idx %arg11[%add3A_35, %broadcast_in_dim3A_25] : memref<128x5xi32, #tpu.memory_space<vmem>>[vector<16xi32>, vector<16xi32>], vector<16xi32>,
    %swap3A_37 = arith.constant 0 : i32
    %swap3A_38 = arith.index_cast %swap3A_37 : i32 to index
    %swap3A_39 = arith.constant 16 : index
    %swap3A_40 = tpu.vector_load %arg14[%swap3A_38, %swap3A_39] {strides = array<i32>} : memref<5x128xi32, #tpu.memory_space<vmem>>, vector<16xi32>,
    tpu.vector_store %arg14[%swap3A_38, %swap3A_39], %gather3A_36 {strides = array<i32>} : memref<5x128xi32, #tpu.memory_space<vmem>>, vector<16xi32>,
    %iota3A_41 = tpu.iota {dimensions = array<i32: 0>} : vector<16xi32>
    %add3A_42 = arith.constant 32 : i32
    %add3A_43 = vector.broadcast %add3A_42 : i32 to vector<16xi32>
    %add3A_44 = arith.addi %iota3A_41, %add3A_43 : vector<16xi32>
    %gather3A_45 = tpu.vector_load_idx %arg11[%add3A_44, %broadcast_in_dim3A_25] : memref<128x5xi32, #tpu.memory_space<vmem>>[vector<16xi32>, vector<16xi32>], vector<16xi32>,
    %swap3A_46 = arith.constant 0 : i32
    %swap3A_47 = arith.index_cast %swap3A_46 : i32 to index
    %swap3A_48 = arith.constant 32 : index
    %swap3A_49 = tpu.vector_load %arg14[%swap3A_47, %swap3A_48] {strides = array<i32>} : memref<5x128xi32, #tpu.memory_space<vmem>>, vector<16xi32>,
    tpu.vector_store %arg14[%swap3A_47, %swap3A_48], %gather3A_45 {strides = array<i32>} : memref<5x128xi32, #tpu.memory_space<vmem>>, vector<16xi32>,
    %iota3A_50 = tpu.iota {dimensions = array<i32: 0>} : vector<16xi32>
    %add3A_51 = arith.constant 48 : i32
    %add3A_52 = vector.broadcast %add3A_51 : i32 to vector<16xi32>
    %add3A_53 = arith.addi %iota3A_50, %add3A_52 : vector<16xi32>
    %gather3A_54 = tpu.vector_load_idx %arg11[%add3A_53, %broadcast_in_dim3A_25] : memref<128x5xi32, #tpu.memory_space<vmem>>[vector<16xi32>, vector<16xi32>], vector<16xi32>,
    %swap3A_55 = arith.constant 0 : i32
    %swap3A_56 = arith.index_cast %swap3A_55 : i32 to index
    %swap3A_57 = arith.constant 48 : index
    %swap3A_58 = tpu.vector_load %arg14[%swap3A_56, %swap3A_57] {strides = array<i32>} : memref<5x128xi32, #tpu.memory_space<vmem>>, vector<16xi32>,
    tpu.vector_store %arg14[%swap3A_56, %swap3A_57], %gather3A_54 {strides = array<i32>} : memref<5x128xi32, #tpu.memory_space<vmem>>, vector<16xi32>,
    %iota3A_59 = tpu.iota {dimensions = array<i32: 0>} : vector<16xi32>
    %add3A_60 = arith.constant 64 : i32
    %add3A_61 = vector.broadcast %add3A_60 : i32 to vector<16xi32>
    %add3A_62 = arith.addi %iota3A_59, %add3A_61 : vector<16xi32>
    %gather3A_63 = tpu.vector_load_idx %arg11[%add3A_62, %broadcast_in_dim3A_25] : memref<128x5xi32, #tpu.memory_space<vmem>>[vector<16xi32>, vector<16xi32>], vector<16xi32>,
    %swap3A_64 = arith.constant 0 : i32
    %swap3A_65 = arith.index_cast %swap3A_64 : i32 to index
    %swap3A_66 = arith.constant 64 : index
    %swap3A_67 = tpu.vector_load %arg14[%swap3A_65, %swap3A_66] {strides = array<i32>} : memref<5x128xi32, #tpu.memory_space<vmem>>, vector<16xi32>,
    tpu.vector_store %arg14[%swap3A_65, %swap3A_66], %gather3A_63 {strides = array<i32>} : memref<5x128xi32, #tpu.memory_space<vmem>>, vector<16xi32>,
    %iota3A_68 = tpu.iota {dimensions = array<i32: 0>} : vector<16xi32>
    %add3A_69 = arith.constant 80 : i32
    %add3A_70 = vector.broadcast %add3A_69 : i32 to vector<16xi32>
    %add3A_71 = arith.addi %iota3A_68, %add3A_70 : vector<16xi32>
    %gather3A_72 = tpu.vector_load_idx %arg11[%add3A_71, %broadcast_in_dim3A_25] : memref<128x5xi32, #tpu.memory_space<vmem>>[vector<16xi32>, vector<16xi32>], vector<16xi32>,
    %swap3A_73 = arith.constant 0 : i32
    %swap3A_74 = arith.index_cast %swap3A_73 : i32 to index
    %swap3A_75 = arith.constant 80 : index
    %swap3A_76 = tpu.vector_load %arg14[%swap3A_74, %swap3A_75] {strides = array<i32>} : memref<5x128xi32, #tpu.memory_space<vmem>>, vector<16xi32>,
    tpu.vector_store %arg14[%swap3A_74, %swap3A_75], %gather3A_72 {strides = array<i32>} : memref<5x128xi32, #tpu.memory_space<vmem>>, vector<16xi32>,
    %iota3A_77 = tpu.iota {dimensions = array<i32: 0>} : vector<16xi32>
    %add3A_78 = arith.constant 96 : i32
    %add3A_79 = vector.broadcast %add3A_78 : i32 to vector<16xi32>
    %add3A_80 = arith.addi %iota3A_77, %add3A_79 : vector<16xi32>
    %gather3A_81 = tpu.vector_load_idx %arg11[%add3A_80, %broadcast_in_dim3A_25] : memref<128x5xi32, #tpu.memory_space<vmem>>[vector<16xi32>, vector<16xi32>], vector<16xi32>,
    %swap3A_82 = arith.constant 0 : i32
    %swap3A_83 = arith.index_cast %swap3A_82 : i32 to index
    %swap3A_84 = arith.constant 96 : index
    %swap3A_85 = tpu.vector_load %arg14[%swap3A_83, %swap3A_84] {strides = array<i32>} : memref<5x128xi32, #tpu.memory_space<vmem>>, vector<16xi32>,
    tpu.vector_store %arg14[%swap3A_83, %swap3A_84], %gather3A_81 {strides = array<i32>} : memref<5x128xi32, #tpu.memory_space<vmem>>, vector<16xi32>,
    %iota3A_86 = tpu.iota {dimensions = array<i32: 0>} : vector<16xi32>
    %add3A_87 = arith.constant 112 : i32
    %add3A_88 = vector.broadcast %add3A_87 : i32 to vector<16xi32>
    %add3A_89 = arith.addi %iota3A_86, %add3A_88 : vector<16xi32>
    %gather3A_90 = tpu.vector_load_idx %arg11[%add3A_89, %broadcast_in_dim3A_25] : memref<128x5xi32, #tpu.memory_space<vmem>>[vector<16xi32>, vector<16xi32>], vector<16xi32>,
    %swap3A_91 = arith.constant 0 : i32
    %swap3A_92 = arith.index_cast %swap3A_91 : i32 to index
    %swap3A_93 = arith.constant 112 : index
    %swap3A_94 = tpu.vector_load %arg14[%swap3A_92, %swap3A_93] {strides = array<i32>} : memref<5x128xi32, #tpu.memory_space<vmem>>, vector<16xi32>,
    tpu.vector_store %arg14[%swap3A_92, %swap3A_93], %gather3A_90 {strides = array<i32>} : memref<5x128xi32, #tpu.memory_space<vmem>>, vector<16xi32>,
    %broadcast_in_dim3A_95 = arith.constant 1 : i32
    %broadcast_in_dim3A_96 = vector.broadcast %broadcast_in_dim3A_95 : i32 to vector<16xi32>
    %iota3A_97 = tpu.iota {dimensions = array<i32: 0>} : vector<16xi32>
    %add3A_98 = arith.constant 0 : i32
    %add3A_99 = vector.broadcast %add3A_98 : i32 to vector<16xi32>
    %add3A_100 = arith.addi %iota3A_97, %add3A_99 : vector<16xi32>
    %gather3A_101 = tpu.vector_load_idx %arg11[%add3A_100, %broadcast_in_dim3A_96] : memref<128x5xi32, #tpu.memory_space<vmem>>[vector<16xi32>, vector<16xi32>], vector<16xi32>,
    %swap3A_102 = arith.constant 1 : i32
    %swap3A_103 = arith.index_cast %swap3A_102 : i32 to index
    %swap3A_104 = arith.constant 0 : index
    %swap3A_105 = tpu.vector_load %arg14[%swap3A_103, %swap3A_104] {strides = array<i32>} : memref<5x128xi32, #tpu.memory_space<vmem>>, vector<16xi32>,
    tpu.vector_store %arg14[%swap3A_103, %swap3A_104], %gather3A_101 {strides = array<i32>} : memref<5x128xi32, #tpu.memory_space<vmem>>, vector<16xi32>,
    %iota3A_106 = tpu.iota {dimensions = array<i32: 0>} : vector<16xi32>
    %add3A_107 = arith.constant 16 : i32
    %add3A_108 = vector.broadcast %add3A_107 : i32 to vector<16xi32>
    %add3A_109 = arith.addi %iota3A_106, %add3A_108 : vector<16xi32>
    %gather3A_110 = tpu.vector_load_idx %arg11[%add3A_109, %broadcast_in_dim3A_96] : memref<128x5xi32, #tpu.memory_space<vmem>>[vector<16xi32>, vector<16xi32>], vector<16xi32>,
    %swap3A_111 = arith.constant 1 : i32
    %swap3A_112 = arith.index_cast %swap3A_111 : i32 to index
    %swap3A_113 = arith.constant 16 : index
    %swap3A_114 = tpu.vector_load %arg14[%swap3A_112, %swap3A_113] {strides = array<i32>} : memref<5x128xi32, #tpu.memory_space<vmem>>, vector<16xi32>,
    tpu.vector_store %arg14[%swap3A_112, %swap3A_113], %gather3A_110 {strides = array<i32>} : memref<5x128xi32, #tpu.memory_space<vmem>>, vector<16xi32>,
    %iota3A_115 = tpu.iota {dimensions = array<i32: 0>} : vector<16xi32>
    %add3A_116 = arith.constant 32 : i32
    %add3A_117 = vector.broadcast %add3A_116 : i32 to vector<16xi32>
    %add3A_118 = arith.addi %iota3A_115, %add3A_117 : vector<16xi32>
    %gather3A_119 = tpu.vector_load_idx %arg11[%add3A_118, %broadcast_in_dim3A_96] : memref<128x5xi32, #tpu.memory_space<vmem>>[vector<16xi32>, vector<16xi32>], vector<16xi32>,
    %swap3A_120 = arith.constant 1 : i32
    %swap3A_121 = arith.index_cast %swap3A_120 : i32 to index
    %swap3A_122 = arith.constant 32 : index
    %swap3A_123 = tpu.vector_load %arg14[%swap3A_121, %swap3A_122] {strides = array<i32>} : memref<5x128xi32, #tpu.memory_space<vmem>>, vector<16xi32>,
    tpu.vector_store %arg14[%swap3A_121, %swap3A_122], %gather3A_119 {strides = array<i32>} : memref<5x128xi32, #tpu.memory_space<vmem>>, vector<16xi32>,
    %iota3A_124 = tpu.iota {dimensions = array<i32: 0>} : vector<16xi32>
    %add3A_125 = arith.constant 48 : i32
    %add3A_126 = vector.broadcast %add3A_125 : i32 to vector<16xi32>
    %add3A_127 = arith.addi %iota3A_124, %add3A_126 : vector<16xi32>
    %gather3A_128 = tpu.vector_load_idx %arg11[%add3A_127, %broadcast_in_dim3A_96] : memref<128x5xi32, #tpu.memory_space<vmem>>[vector<16xi32>, vector<16xi32>], vector<16xi32>,
    %swap3A_129 = arith.constant 1 : i32
    %swap3A_130 = arith.index_cast %swap3A_129 : i32 to index
    %swap3A_131 = arith.constant 48 : index
    %swap3A_132 = tpu.vector_load %arg14[%swap3A_130, %swap3A_131] {strides = array<i32>} : memref<5x128xi32, #tpu.memory_space<vmem>>, vector<16xi32>,
    tpu.vector_store %arg14[%swap3A_130, %swap3A_131], %gather3A_128 {strides = array<i32>} : memref<5x128xi32, #tpu.memory_space<vmem>>, vector<16xi32>,
    %iota3A_133 = tpu.iota {dimensions = array<i32: 0>} : vector<16xi32>
    %add3A_134 = arith.constant 64 : i32
    %add3A_135 = vector.broadcast %add3A_134 : i32 to vector<16xi32>
    %add3A_136 = arith.addi %iota3A_133, %add3A_135 : vector<16xi32>
    %gather3A_137 = tpu.vector_load_idx %arg11[%add3A_136, %broadcast_in_dim3A_96] : memref<128x5xi32, #tpu.memory_space<vmem>>[vector<16xi32>, vector<16xi32>], vector<16xi32>,
    %swap3A_138 = arith.constant 1 : i32
    %swap3A_139 = arith.index_cast %swap3A_138 : i32 to index
    %swap3A_140 = arith.constant 64 : index
    %swap3A_141 = tpu.vector_load %arg14[%swap3A_139, %swap3A_140] {strides = array<i32>} : memref<5x128xi32, #tpu.memory_space<vmem>>, vector<16xi32>,
    tpu.vector_store %arg14[%swap3A_139, %swap3A_140], %gather3A_137 {strides = array<i32>} : memref<5x128xi32, #tpu.memory_space<vmem>>, vector<16xi32>,
    %iota3A_142 = tpu.iota {dimensions = array<i32: 0>} : vector<16xi32>
    %add3A_143 = arith.constant 80 : i32
    %add3A_144 = vector.broadcast %add3A_143 : i32 to vector<16xi32>
    %add3A_145 = arith.addi %iota3A_142, %add3A_144 : vector<16xi32>
    %gather3A_146 = tpu.vector_load_idx %arg11[%add3A_145, %broadcast_in_dim3A_96] : memref<128x5xi32, #tpu.memory_space<vmem>>[vector<16xi32>, vector<16xi32>], vector<16xi32>,
    %swap3A_147 = arith.constant 1 : i32
    %swap3A_148 = arith.index_cast %swap3A_147 : i32 to index
    %swap3A_149 = arith.constant 80 : index
    %swap3A_150 = tpu.vector_load %arg14[%swap3A_148, %swap3A_149] {strides = array<i32>} : memref<5x128xi32, #tpu.memory_space<vmem>>, vector<16xi32>,
    tpu.vector_store %arg14[%swap3A_148, %swap3A_149], %gather3A_146 {strides = array<i32>} : memref<5x128xi32, #tpu.memory_space<vmem>>, vector<16xi32>,
    %iota3A_151 = tpu.iota {dimensions = array<i32: 0>} : vector<16xi32>
    %add3A_152 = arith.constant 96 : i32
    %add3A_153 = vector.broadcast %add3A_152 : i32 to vector<16xi32>
    %add3A_154 = arith.addi %iota3A_151, %add3A_153 : vector<16xi32>
    %gather3A_155 = tpu.vector_load_idx %arg11[%add3A_154, %broadcast_in_dim3A_96] : memref<128x5xi32, #tpu.memory_space<vmem>>[vector<16xi32>, vector<16xi32>], vector<16xi32>,
    %swap3A_156 = arith.constant 1 : i32
    %swap3A_157 = arith.index_cast %swap3A_156 : i32 to index
    %swap3A_158 = arith.constant 96 : index
    %swap3A_159 = tpu.vector_load %arg14[%swap3A_157, %swap3A_158] {strides = array<i32>} : memref<5x128xi32, #tpu.memory_space<vmem>>, vector<16xi32>,
    tpu.vector_store %arg14[%swap3A_157, %swap3A_158], %gather3A_155 {strides = array<i32>} : memref<5x128xi32, #tpu.memory_space<vmem>>, vector<16xi32>,
    %iota3A_160 = tpu.iota {dimensions = array<i32: 0>} : vector<16xi32>
    %add3A_161 = arith.constant 112 : i32
    %add3A_162 = vector.broadcast %add3A_161 : i32 to vector<16xi32>
    %add3A_163 = arith.addi %iota3A_160, %add3A_162 : vector<16xi32>
    %gather3A_164 = tpu.vector_load_idx %arg11[%add3A_163, %broadcast_in_dim3A_96] : memref<128x5xi32, #tpu.memory_space<vmem>>[vector<16xi32>, vector<16xi32>], vector<16xi32>,
    %swap3A_165 = arith.constant 1 : i32
    %swap3A_166 = arith.index_cast %swap3A_165 : i32 to index
    %swap3A_167 = arith.constant 112 : index
    %swap3A_168 = tpu.vector_load %arg14[%swap3A_166, %swap3A_167] {strides = array<i32>} : memref<5x128xi32, #tpu.memory_space<vmem>>, vector<16xi32>,
    tpu.vector_store %arg14[%swap3A_166, %swap3A_167], %gather3A_164 {strides = array<i32>} : memref<5x128xi32, #tpu.memory_space<vmem>>, vector<16xi32>,
    %broadcast_in_dim3A_169 = arith.constant 2 : i32
    %broadcast_in_dim3A_170 = vector.broadcast %broadcast_in_dim3A_169 : i32 to vector<16xi32>
    %iota3A_171 = tpu.iota {dimensions = array<i32: 0>} : vector<16xi32>
    %add3A_172 = arith.constant 0 : i32
    %add3A_173 = vector.broadcast %add3A_172 : i32 to vector<16xi32>
    %add3A_174 = arith.addi %iota3A_171, %add3A_173 : vector<16xi32>
    %gather3A_175 = tpu.vector_load_idx %arg11[%add3A_174, %broadcast_in_dim3A_170] : memref<128x5xi32, #tpu.memory_space<vmem>>[vector<16xi32>, vector<16xi32>], vector<16xi32>,
    %swap3A_176 = arith.constant 2 : i32
    %swap3A_177 = arith.index_cast %swap3A_176 : i32 to index
    %swap3A_178 = arith.constant 0 : index
    %swap3A_179 = tpu.vector_load %arg14[%swap3A_177, %swap3A_178] {strides = array<i32>} : memref<5x128xi32, #tpu.memory_space<vmem>>, vector<16xi32>,
    tpu.vector_store %arg14[%swap3A_177, %swap3A_178], %gather3A_175 {strides = array<i32>} : memref<5x128xi32, #tpu.memory_space<vmem>>, vector<16xi32>,
    %iota3A_180 = tpu.iota {dimensions = array<i32: 0>} : vector<16xi32>
    %add3A_181 = arith.constant 16 : i32
    %add3A_182 = vector.broadcast %add3A_181 : i32 to vector<16xi32>
    %add3A_183 = arith.addi %iota3A_180, %add3A_182 : vector<16xi32>
    %gather3A_184 = tpu.vector_load_idx %arg11[%add3A_183, %broadcast_in_dim3A_170] : memref<128x5xi32, #tpu.memory_space<vmem>>[vector<16xi32>, vector<16xi32>], vector<16xi32>,
    %swap3A_185 = arith.constant 2 : i32
    %swap3A_186 = arith.index_cast %swap3A_185 : i32 to index
    %swap3A_187 = arith.constant 16 : index
    %swap3A_188 = tpu.vector_load %arg14[%swap3A_186, %swap3A_187] {strides = array<i32>} : memref<5x128xi32, #tpu.memory_space<vmem>>, vector<16xi32>,
    tpu.vector_store %arg14[%swap3A_186, %swap3A_187], %gather3A_184 {strides = array<i32>} : memref<5x128xi32, #tpu.memory_space<vmem>>, vector<16xi32>,
    %iota3A_189 = tpu.iota {dimensions = array<i32: 0>} : vector<16xi32>
    %add3A_190 = arith.constant 32 : i32
    %add3A_191 = vector.broadcast %add3A_190 : i32 to vector<16xi32>
    %add3A_192 = arith.addi %iota3A_189, %add3A_191 : vector<16xi32>
    %gather3A_193 = tpu.vector_load_idx %arg11[%add3A_192, %broadcast_in_dim3A_170] : memref<128x5xi32, #tpu.memory_space<vmem>>[vector<16xi32>, vector<16xi32>], vector<16xi32>,
    %swap3A_194 = arith.constant 2 : i32
    %swap3A_195 = arith.index_cast %swap3A_194 : i32 to index
    %swap3A_196 = arith.constant 32 : index
    %swap3A_197 = tpu.vector_load %arg14[%swap3A_195, %swap3A_196] {strides = array<i32>} : memref<5x128xi32, #tpu.memory_space<vmem>>, vector<16xi32>,
    tpu.vector_store %arg14[%swap3A_195, %swap3A_196], %gather3A_193 {strides = array<i32>} : memref<5x128xi32, #tpu.memory_space<vmem>>, vector<16xi32>,
    %iota3A_198 = tpu.iota {dimensions = array<i32: 0>} : vector<16xi32>
    %add3A_199 = arith.constant 48 : i32
    %add3A_200 = vector.broadcast %add3A_199 : i32 to vector<16xi32>
    %add3A_201 = arith.addi %iota3A_198, %add3A_200 : vector<16xi32>
    %gather3A_202 = tpu.vector_load_idx %arg11[%add3A_201, %broadcast_in_dim3A_170] : memref<128x5xi32, #tpu.memory_space<vmem>>[vector<16xi32>, vector<16xi32>], vector<16xi32>,
    %swap3A_203 = arith.constant 2 : i32
    %swap3A_204 = arith.index_cast %swap3A_203 : i32 to index
    %swap3A_205 = arith.constant 48 : index
    %swap3A_206 = tpu.vector_load %arg14[%swap3A_204, %swap3A_205] {strides = array<i32>} : memref<5x128xi32, #tpu.memory_space<vmem>>, vector<16xi32>,
    tpu.vector_store %arg14[%swap3A_204, %swap3A_205], %gather3A_202 {strides = array<i32>} : memref<5x128xi32, #tpu.memory_space<vmem>>, vector<16xi32>,
    %iota3A_207 = tpu.iota {dimensions = array<i32: 0>} : vector<16xi32>
    %add3A_208 = arith.constant 64 : i32
    %add3A_209 = vector.broadcast %add3A_208 : i32 to vector<16xi32>
    %add3A_210 = arith.addi %iota3A_207, %add3A_209 : vector<16xi32>
    %gather3A_211 = tpu.vector_load_idx %arg11[%add3A_210, %broadcast_in_dim3A_170] : memref<128x5xi32, #tpu.memory_space<vmem>>[vector<16xi32>, vector<16xi32>], vector<16xi32>,
    %swap3A_212 = arith.constant 2 : i32
    %swap3A_213 = arith.index_cast %swap3A_212 : i32 to index
    %swap3A_214 = arith.constant 64 : index
    %swap3A_215 = tpu.vector_load %arg14[%swap3A_213, %swap3A_214] {strides = array<i32>} : memref<5x128xi32, #tpu.memory_space<vmem>>, vector<16xi32>,
    tpu.vector_store %arg14[%swap3A_213, %swap3A_214], %gather3A_211 {strides = array<i32>} : memref<5x128xi32, #tpu.memory_space<vmem>>, vector<16xi32>,
    %iota3A_216 = tpu.iota {dimensions = array<i32: 0>} : vector<16xi32>
    %add3A_217 = arith.constant 80 : i32
    %add3A_218 = vector.broadcast %add3A_217 : i32 to vector<16xi32>
    %add3A_219 = arith.addi %iota3A_216, %add3A_218 : vector<16xi32>
    %gather3A_220 = tpu.vector_load_idx %arg11[%add3A_219, %broadcast_in_dim3A_170] : memref<128x5xi32, #tpu.memory_space<vmem>>[vector<16xi32>, vector<16xi32>], vector<16xi32>,
    %swap3A_221 = arith.constant 2 : i32
    %swap3A_222 = arith.index_cast %swap3A_221 : i32 to index
    %swap3A_223 = arith.constant 80 : index
    %swap3A_224 = tpu.vector_load %arg14[%swap3A_222, %swap3A_223] {strides = array<i32>} : memref<5x128xi32, #tpu.memory_space<vmem>>, vector<16xi32>,
    tpu.vector_store %arg14[%swap3A_222, %swap3A_223], %gather3A_220 {strides = array<i32>} : memref<5x128xi32, #tpu.memory_space<vmem>>, vector<16xi32>,
    %iota3A_225 = tpu.iota {dimensions = array<i32: 0>} : vector<16xi32>
    %add3A_226 = arith.constant 96 : i32
    %add3A_227 = vector.broadcast %add3A_226 : i32 to vector<16xi32>
    %add3A_228 = arith.addi %iota3A_225, %add3A_227 : vector<16xi32>
    %gather3A_229 = tpu.vector_load_idx %arg11[%add3A_228, %broadcast_in_dim3A_170] : memref<128x5xi32, #tpu.memory_space<vmem>>[vector<16xi32>, vector<16xi32>], vector<16xi32>,
    %swap3A_230 = arith.constant 2 : i32
    %swap3A_231 = arith.index_cast %swap3A_230 : i32 to index
    %swap3A_232 = arith.constant 96 : index
    %swap3A_233 = tpu.vector_load %arg14[%swap3A_231, %swap3A_232] {strides = array<i32>} : memref<5x128xi32, #tpu.memory_space<vmem>>, vector<16xi32>,
    tpu.vector_store %arg14[%swap3A_231, %swap3A_232], %gather3A_229 {strides = array<i32>} : memref<5x128xi32, #tpu.memory_space<vmem>>, vector<16xi32>,
    %iota3A_234 = tpu.iota {dimensions = array<i32: 0>} : vector<16xi32>
    %add3A_235 = arith.constant 112 : i32
    %add3A_236 = vector.broadcast %add3A_235 : i32 to vector<16xi32>
    %add3A_237 = arith.addi %iota3A_234, %add3A_236 : vector<16xi32>
    %gather3A_238 = tpu.vector_load_idx %arg11[%add3A_237, %broadcast_in_dim3A_170] : memref<128x5xi32, #tpu.memory_space<vmem>>[vector<16xi32>, vector<16xi32>], vector<16xi32>,
    %swap3A_239 = arith.constant 2 : i32
    %swap3A_240 = arith.index_cast %swap3A_239 : i32 to index
    %swap3A_241 = arith.constant 112 : index
    %swap3A_242 = tpu.vector_load %arg14[%swap3A_240, %swap3A_241] {strides = array<i32>} : memref<5x128xi32, #tpu.memory_space<vmem>>, vector<16xi32>,
    tpu.vector_store %arg14[%swap3A_240, %swap3A_241], %gather3A_238 {strides = array<i32>} : memref<5x128xi32, #tpu.memory_space<vmem>>, vector<16xi32>,
    %broadcast_in_dim3A_243 = arith.constant 3 : i32
    %broadcast_in_dim3A_244 = vector.broadcast %broadcast_in_dim3A_243 : i32 to vector<16xi32>
    %iota3A_245 = tpu.iota {dimensions = array<i32: 0>} : vector<16xi32>
    %add3A_246 = arith.constant 0 : i32
    %add3A_247 = vector.broadcast %add3A_246 : i32 to vector<16xi32>
    %add3A_248 = arith.addi %iota3A_245, %add3A_247 : vector<16xi32>
    %gather3A_249 = tpu.vector_load_idx %arg11[%add3A_248, %broadcast_in_dim3A_244] : memref<128x5xi32, #tpu.memory_space<vmem>>[vector<16xi32>, vector<16xi32>], vector<16xi32>,
    %swap3A_250 = arith.constant 3 : i32
    %swap3A_251 = arith.index_cast %swap3A_250 : i32 to index
    %swap3A_252 = arith.constant 0 : index
    %swap3A_253 = tpu.vector_load %arg14[%swap3A_251, %swap3A_252] {strides = array<i32>} : memref<5x128xi32, #tpu.memory_space<vmem>>, vector<16xi32>,
    tpu.vector_store %arg14[%swap3A_251, %swap3A_252], %gather3A_249 {strides = array<i32>} : memref<5x128xi32, #tpu.memory_space<vmem>>, vector<16xi32>,
    %iota3A_254 = tpu.iota {dimensions = array<i32: 0>} : vector<16xi32>
    %add3A_255 = arith.constant 16 : i32
    %add3A_256 = vector.broadcast %add3A_255 : i32 to vector<16xi32>
    %add3A_257 = arith.addi %iota3A_254, %add3A_256 : vector<16xi32>
    %gather3A_258 = tpu.vector_load_idx %arg11[%add3A_257, %broadcast_in_dim3A_244] : memref<128x5xi32, #tpu.memory_space<vmem>>[vector<16xi32>, vector<16xi32>], vector<16xi32>,
    %swap3A_259 = arith.constant 3 : i32
    %swap3A_260 = arith.index_cast %swap3A_259 : i32 to index
    %swap3A_261 = arith.constant 16 : index
    %swap3A_262 = tpu.vector_load %arg14[%swap3A_260, %swap3A_261] {strides = array<i32>} : memref<5x128xi32, #tpu.memory_space<vmem>>, vector<16xi32>,
    tpu.vector_store %arg14[%swap3A_260, %swap3A_261], %gather3A_258 {strides = array<i32>} : memref<5x128xi32, #tpu.memory_space<vmem>>, vector<16xi32>,
    %iota3A_263 = tpu.iota {dimensions = array<i32: 0>} : vector<16xi32>
    %add3A_264 = arith.constant 32 : i32
    %add3A_265 = vector.broadcast %add3A_264 : i32 to vector<16xi32>
    %add3A_266 = arith.addi %iota3A_263, %add3A_265 : vector<16xi32>
    %gather3A_267 = tpu.vector_load_idx %arg11[%add3A_266, %broadcast_in_dim3A_244] : memref<128x5xi32, #tpu.memory_space<vmem>>[vector<16xi32>, vector<16xi32>], vector<16xi32>,
    %swap3A_268 = arith.constant 3 : i32
    %swap3A_269 = arith.index_cast %swap3A_268 : i32 to index
    %swap3A_270 = arith.constant 32 : index
    %swap3A_271 = tpu.vector_load %arg14[%swap3A_269, %swap3A_270] {strides = array<i32>} : memref<5x128xi32, #tpu.memory_space<vmem>>, vector<16xi32>,
    tpu.vector_store %arg14[%swap3A_269, %swap3A_270], %gather3A_267 {strides = array<i32>} : memref<5x128xi32, #tpu.memory_space<vmem>>, vector<16xi32>,
    %iota3A_272 = tpu.iota {dimensions = array<i32: 0>} : vector<16xi32>
    %add3A_273 = arith.constant 48 : i32
    %add3A_274 = vector.broadcast %add3A_273 : i32 to vector<16xi32>
    %add3A_275 = arith.addi %iota3A_272, %add3A_274 : vector<16xi32>
    %gather3A_276 = tpu.vector_load_idx %arg11[%add3A_275, %broadcast_in_dim3A_244] : memref<128x5xi32, #tpu.memory_space<vmem>>[vector<16xi32>, vector<16xi32>], vector<16xi32>,
    %swap3A_277 = arith.constant 3 : i32
    %swap3A_278 = arith.index_cast %swap3A_277 : i32 to index
    %swap3A_279 = arith.constant 48 : index
    %swap3A_280 = tpu.vector_load %arg14[%swap3A_278, %swap3A_279] {strides = array<i32>} : memref<5x128xi32, #tpu.memory_space<vmem>>, vector<16xi32>,
    tpu.vector_store %arg14[%swap3A_278, %swap3A_279], %gather3A_276 {strides = array<i32>} : memref<5x128xi32, #tpu.memory_space<vmem>>, vector<16xi32>,
    %iota3A_281 = tpu.iota {dimensions = array<i32: 0>} : vector<16xi32>
    %add3A_282 = arith.constant 64 : i32
    %add3A_283 = vector.broadcast %add3A_282 : i32 to vector<16xi32>
    %add3A_284 = arith.addi %iota3A_281, %add3A_283 : vector<16xi32>
    %gather3A_285 = tpu.vector_load_idx %arg11[%add3A_284, %broadcast_in_dim3A_244] : memref<128x5xi32, #tpu.memory_space<vmem>>[vector<16xi32>, vector<16xi32>], vector<16xi32>,
    %swap3A_286 = arith.constant 3 : i32
    %swap3A_287 = arith.index_cast %swap3A_286 : i32 to index
    %swap3A_288 = arith.constant 64 : index
    %swap3A_289 = tpu.vector_load %arg14[%swap3A_287, %swap3A_288] {strides = array<i32>} : memref<5x128xi32, #tpu.memory_space<vmem>>, vector<16xi32>,
    tpu.vector_store %arg14[%swap3A_287, %swap3A_288], %gather3A_285 {strides = array<i32>} : memref<5x128xi32, #tpu.memory_space<vmem>>, vector<16xi32>,
    %iota3A_290 = tpu.iota {dimensions = array<i32: 0>} : vector<16xi32>
    %add3A_291 = arith.constant 80 : i32
    %add3A_292 = vector.broadcast %add3A_291 : i32 to vector<16xi32>
    %add3A_293 = arith.addi %iota3A_290, %add3A_292 : vector<16xi32>
    %gather3A_294 = tpu.vector_load_idx %arg11[%add3A_293, %broadcast_in_dim3A_244] : memref<128x5xi32, #tpu.memory_space<vmem>>[vector<16xi32>, vector<16xi32>], vector<16xi32>,
    %swap3A_295 = arith.constant 3 : i32
    %swap3A_296 = arith.index_cast %swap3A_295 : i32 to index
    %swap3A_297 = arith.constant 80 : index
    %swap3A_298 = tpu.vector_load %arg14[%swap3A_296, %swap3A_297] {strides = array<i32>} : memref<5x128xi32, #tpu.memory_space<vmem>>, vector<16xi32>,
    tpu.vector_store %arg14[%swap3A_296, %swap3A_297], %gather3A_294 {strides = array<i32>} : memref<5x128xi32, #tpu.memory_space<vmem>>, vector<16xi32>,
    %iota3A_299 = tpu.iota {dimensions = array<i32: 0>} : vector<16xi32>
    %add3A_300 = arith.constant 96 : i32
    %add3A_301 = vector.broadcast %add3A_300 : i32 to vector<16xi32>
    %add3A_302 = arith.addi %iota3A_299, %add3A_301 : vector<16xi32>
    %gather3A_303 = tpu.vector_load_idx %arg11[%add3A_302, %broadcast_in_dim3A_244] : memref<128x5xi32, #tpu.memory_space<vmem>>[vector<16xi32>, vector<16xi32>], vector<16xi32>,
    %swap3A_304 = arith.constant 3 : i32
    %swap3A_305 = arith.index_cast %swap3A_304 : i32 to index
    %swap3A_306 = arith.constant 96 : index
    %swap3A_307 = tpu.vector_load %arg14[%swap3A_305, %swap3A_306] {strides = array<i32>} : memref<5x128xi32, #tpu.memory_space<vmem>>, vector<16xi32>,
    tpu.vector_store %arg14[%swap3A_305, %swap3A_306], %gather3A_303 {strides = array<i32>} : memref<5x128xi32, #tpu.memory_space<vmem>>, vector<16xi32>,
    %iota3A_308 = tpu.iota {dimensions = array<i32: 0>} : vector<16xi32>
    %add3A_309 = arith.constant 112 : i32
    %add3A_310 = vector.broadcast %add3A_309 : i32 to vector<16xi32>
    %add3A_311 = arith.addi %iota3A_308, %add3A_310 : vector<16xi32>
    %gather3A_312 = tpu.vector_load_idx %arg11[%add3A_311, %broadcast_in_dim3A_244] : memref<128x5xi32, #tpu.memory_space<vmem>>[vector<16xi32>, vector<16xi32>], vector<16xi32>,
    %swap3A_313 = arith.constant 3 : i32
    %swap3A_314 = arith.index_cast %swap3A_313 : i32 to index
    %swap3A_315 = arith.constant 112 : index
    %swap3A_316 = tpu.vector_load %arg14[%swap3A_314, %swap3A_315] {strides = array<i32>} : memref<5x128xi32, #tpu.memory_space<vmem>>, vector<16xi32>,
    tpu.vector_store %arg14[%swap3A_314, %swap3A_315], %gather3A_312 {strides = array<i32>} : memref<5x128xi32, #tpu.memory_space<vmem>>, vector<16xi32>,
    %broadcast_in_dim3A_317 = arith.constant 4 : i32
    %broadcast_in_dim3A_318 = vector.broadcast %broadcast_in_dim3A_317 : i32 to vector<16xi32>
    %iota3A_319 = tpu.iota {dimensions = array<i32: 0>} : vector<16xi32>
    %add3A_320 = arith.constant 0 : i32
    %add3A_321 = vector.broadcast %add3A_320 : i32 to vector<16xi32>
    %add3A_322 = arith.addi %iota3A_319, %add3A_321 : vector<16xi32>
    %gather3A_323 = tpu.vector_load_idx %arg11[%add3A_322, %broadcast_in_dim3A_318] : memref<128x5xi32, #tpu.memory_space<vmem>>[vector<16xi32>, vector<16xi32>], vector<16xi32>,
    %swap3A_324 = arith.constant 4 : i32
    %swap3A_325 = arith.index_cast %swap3A_324 : i32 to index
    %swap3A_326 = arith.constant 0 : index
    %swap3A_327 = tpu.vector_load %arg14[%swap3A_325, %swap3A_326] {strides = array<i32>} : memref<5x128xi32, #tpu.memory_space<vmem>>, vector<16xi32>,
    tpu.vector_store %arg14[%swap3A_325, %swap3A_326], %gather3A_323 {strides = array<i32>} : memref<5x128xi32, #tpu.memory_space<vmem>>, vector<16xi32>,
    %iota3A_328 = tpu.iota {dimensions = array<i32: 0>} : vector<16xi32>
    %add3A_329 = arith.constant 16 : i32
    %add3A_330 = vector.broadcast %add3A_329 : i32 to vector<16xi32>
    %add3A_331 = arith.addi %iota3A_328, %add3A_330 : vector<16xi32>
    %gather3A_332 = tpu.vector_load_idx %arg11[%add3A_331, %broadcast_in_dim3A_318] : memref<128x5xi32, #tpu.memory_space<vmem>>[vector<16xi32>, vector<16xi32>], vector<16xi32>,
    %swap3A_333 = arith.constant 4 : i32
    %swap3A_334 = arith.index_cast %swap3A_333 : i32 to index
    %swap3A_335 = arith.constant 16 : index
    %swap3A_336 = tpu.vector_load %arg14[%swap3A_334, %swap3A_335] {strides = array<i32>} : memref<5x128xi32, #tpu.memory_space<vmem>>, vector<16xi32>,
    tpu.vector_store %arg14[%swap3A_334, %swap3A_335], %gather3A_332 {strides = array<i32>} : memref<5x128xi32, #tpu.memory_space<vmem>>, vector<16xi32>,
    %iota3A_337 = tpu.iota {dimensions = array<i32: 0>} : vector<16xi32>
    %add3A_338 = arith.constant 32 : i32
    %add3A_339 = vector.broadcast %add3A_338 : i32 to vector<16xi32>
    %add3A_340 = arith.addi %iota3A_337, %add3A_339 : vector<16xi32>
    %gather3A_341 = tpu.vector_load_idx %arg11[%add3A_340, %broadcast_in_dim3A_318] : memref<128x5xi32, #tpu.memory_space<vmem>>[vector<16xi32>, vector<16xi32>], vector<16xi32>,
    %swap3A_342 = arith.constant 4 : i32
    %swap3A_343 = arith.index_cast %swap3A_342 : i32 to index
    %swap3A_344 = arith.constant 32 : index
    %swap3A_345 = tpu.vector_load %arg14[%swap3A_343, %swap3A_344] {strides = array<i32>} : memref<5x128xi32, #tpu.memory_space<vmem>>, vector<16xi32>,
    tpu.vector_store %arg14[%swap3A_343, %swap3A_344], %gather3A_341 {strides = array<i32>} : memref<5x128xi32, #tpu.memory_space<vmem>>, vector<16xi32>,
    %iota3A_346 = tpu.iota {dimensions = array<i32: 0>} : vector<16xi32>
    %add3A_347 = arith.constant 48 : i32
    %add3A_348 = vector.broadcast %add3A_347 : i32 to vector<16xi32>
    %add3A_349 = arith.addi %iota3A_346, %add3A_348 : vector<16xi32>
    %gather3A_350 = tpu.vector_load_idx %arg11[%add3A_349, %broadcast_in_dim3A_318] : memref<128x5xi32, #tpu.memory_space<vmem>>[vector<16xi32>, vector<16xi32>], vector<16xi32>,
    %swap3A_351 = arith.constant 4 : i32
    %swap3A_352 = arith.index_cast %swap3A_351 : i32 to index
    %swap3A_353 = arith.constant 48 : index
    %swap3A_354 = tpu.vector_load %arg14[%swap3A_352, %swap3A_353] {strides = array<i32>} : memref<5x128xi32, #tpu.memory_space<vmem>>, vector<16xi32>,
    tpu.vector_store %arg14[%swap3A_352, %swap3A_353], %gather3A_350 {strides = array<i32>} : memref<5x128xi32, #tpu.memory_space<vmem>>, vector<16xi32>,
    %iota3A_355 = tpu.iota {dimensions = array<i32: 0>} : vector<16xi32>
    %add3A_356 = arith.constant 64 : i32
    %add3A_357 = vector.broadcast %add3A_356 : i32 to vector<16xi32>
    %add3A_358 = arith.addi %iota3A_355, %add3A_357 : vector<16xi32>
    %gather3A_359 = tpu.vector_load_idx %arg11[%add3A_358, %broadcast_in_dim3A_318] : memref<128x5xi32, #tpu.memory_space<vmem>>[vector<16xi32>, vector<16xi32>], vector<16xi32>,
    %swap3A_360 = arith.constant 4 : i32
    %swap3A_361 = arith.index_cast %swap3A_360 : i32 to index
    %swap3A_362 = arith.constant 64 : index
    %swap3A_363 = tpu.vector_load %arg14[%swap3A_361, %swap3A_362] {strides = array<i32>} : memref<5x128xi32, #tpu.memory_space<vmem>>, vector<16xi32>,
    tpu.vector_store %arg14[%swap3A_361, %swap3A_362], %gather3A_359 {strides = array<i32>} : memref<5x128xi32, #tpu.memory_space<vmem>>, vector<16xi32>,
    %iota3A_364 = tpu.iota {dimensions = array<i32: 0>} : vector<16xi32>
    %add3A_365 = arith.constant 80 : i32
    %add3A_366 = vector.broadcast %add3A_365 : i32 to vector<16xi32>
    %add3A_367 = arith.addi %iota3A_364, %add3A_366 : vector<16xi32>
    %gather3A_368 = tpu.vector_load_idx %arg11[%add3A_367, %broadcast_in_dim3A_318] : memref<128x5xi32, #tpu.memory_space<vmem>>[vector<16xi32>, vector<16xi32>], vector<16xi32>,
    %swap3A_369 = arith.constant 4 : i32
    %swap3A_370 = arith.index_cast %swap3A_369 : i32 to index
    %swap3A_371 = arith.constant 80 : index
    %swap3A_372 = tpu.vector_load %arg14[%swap3A_370, %swap3A_371] {strides = array<i32>} : memref<5x128xi32, #tpu.memory_space<vmem>>, vector<16xi32>,
    tpu.vector_store %arg14[%swap3A_370, %swap3A_371], %gather3A_368 {strides = array<i32>} : memref<5x128xi32, #tpu.memory_space<vmem>>, vector<16xi32>,
    %iota3A_373 = tpu.iota {dimensions = array<i32: 0>} : vector<16xi32>
    %add3A_374 = arith.constant 96 : i32
    %add3A_375 = vector.broadcast %add3A_374 : i32 to vector<16xi32>
    %add3A_376 = arith.addi %iota3A_373, %add3A_375 : vector<16xi32>
    %gather3A_377 = tpu.vector_load_idx %arg11[%add3A_376, %broadcast_in_dim3A_318] : memref<128x5xi32, #tpu.memory_space<vmem>>[vector<16xi32>, vector<16xi32>], vector<16xi32>,
    %swap3A_378 = arith.constant 4 : i32
    %swap3A_379 = arith.index_cast %swap3A_378 : i32 to index
    %swap3A_380 = arith.constant 96 : index
    %swap3A_381 = tpu.vector_load %arg14[%swap3A_379, %swap3A_380] {strides = array<i32>} : memref<5x128xi32, #tpu.memory_space<vmem>>, vector<16xi32>,
    tpu.vector_store %arg14[%swap3A_379, %swap3A_380], %gather3A_377 {strides = array<i32>} : memref<5x128xi32, #tpu.memory_space<vmem>>, vector<16xi32>,
    %iota3A_382 = tpu.iota {dimensions = array<i32: 0>} : vector<16xi32>
    %add3A_383 = arith.constant 112 : i32
    %add3A_384 = vector.broadcast %add3A_383 : i32 to vector<16xi32>
    %add3A_385 = arith.addi %iota3A_382, %add3A_384 : vector<16xi32>
    %gather3A_386 = tpu.vector_load_idx %arg11[%add3A_385, %broadcast_in_dim3A_318] : memref<128x5xi32, #tpu.memory_space<vmem>>[vector<16xi32>, vector<16xi32>], vector<16xi32>,
    %swap3A_387 = arith.constant 4 : i32
    %swap3A_388 = arith.index_cast %swap3A_387 : i32 to index
    %swap3A_389 = arith.constant 112 : index
    %swap3A_390 = tpu.vector_load %arg14[%swap3A_388, %swap3A_389] {strides = array<i32>} : memref<5x128xi32, #tpu.memory_space<vmem>>, vector<16xi32>,
    tpu.vector_store %arg14[%swap3A_388, %swap3A_389], %gather3A_386 {strides = array<i32>} : memref<5x128xi32, #tpu.memory_space<vmem>>, vector<16xi32>,
    %broadcast_in_dim3A_391 = arith.constant 0 : i32
    %broadcast_in_dim3A_392 = vector.broadcast %broadcast_in_dim3A_391 : i32 to vector<16xi32>
    %iota3A_393 = tpu.iota {dimensions = array<i32: 0>} : vector<16xi32>
    %add3A_394 = arith.constant 0 : i32
    %add3A_395 = vector.broadcast %add3A_394 : i32 to vector<16xi32>
    %add3A_396 = arith.addi %iota3A_393, %add3A_395 : vector<16xi32>
    %gather3A_397 = tpu.vector_load_idx %arg12[%add3A_396, %broadcast_in_dim3A_392] : memref<128x5xi32, #tpu.memory_space<vmem>>[vector<16xi32>, vector<16xi32>], vector<16xi32>,
    %swap3A_398 = arith.constant 0 : i32
    %swap3A_399 = arith.index_cast %swap3A_398 : i32 to index
    %swap3A_400 = arith.constant 0 : index
    %swap3A_401 = tpu.vector_load %arg15[%swap3A_399, %swap3A_400] {strides = array<i32>} : memref<5x128xi32, #tpu.memory_space<vmem>>, vector<16xi32>,
    tpu.vector_store %arg15[%swap3A_399, %swap3A_400], %gather3A_397 {strides = array<i32>} : memref<5x128xi32, #tpu.memory_space<vmem>>, vector<16xi32>,
    %iota3A_402 = tpu.iota {dimensions = array<i32: 0>} : vector<16xi32>
    %add3A_403 = arith.constant 16 : i32
    %add3A_404 = vector.broadcast %add3A_403 : i32 to vector<16xi32>
    %add3A_405 = arith.addi %iota3A_402, %add3A_404 : vector<16xi32>
    %gather3A_406 = tpu.vector_load_idx %arg12[%add3A_405, %broadcast_in_dim3A_392] : memref<128x5xi32, #tpu.memory_space<vmem>>[vector<16xi32>, vector<16xi32>], vector<16xi32>,
    %swap3A_407 = arith.constant 0 : i32
    %swap3A_408 = arith.index_cast %swap3A_407 : i32 to index
    %swap3A_409 = arith.constant 16 : index
    %swap3A_410 = tpu.vector_load %arg15[%swap3A_408, %swap3A_409] {strides = array<i32>} : memref<5x128xi32, #tpu.memory_space<vmem>>, vector<16xi32>,
    tpu.vector_store %arg15[%swap3A_408, %swap3A_409], %gather3A_406 {strides = array<i32>} : memref<5x128xi32, #tpu.memory_space<vmem>>, vector<16xi32>,
    %iota3A_411 = tpu.iota {dimensions = array<i32: 0>} : vector<16xi32>
    %add3A_412 = arith.constant 32 : i32
    %add3A_413 = vector.broadcast %add3A_412 : i32 to vector<16xi32>
    %add3A_414 = arith.addi %iota3A_411, %add3A_413 : vector<16xi32>
    %gather3A_415 = tpu.vector_load_idx %arg12[%add3A_414, %broadcast_in_dim3A_392] : memref<128x5xi32, #tpu.memory_space<vmem>>[vector<16xi32>, vector<16xi32>], vector<16xi32>,
    %swap3A_416 = arith.constant 0 : i32
    %swap3A_417 = arith.index_cast %swap3A_416 : i32 to index
    %swap3A_418 = arith.constant 32 : index
    %swap3A_419 = tpu.vector_load %arg15[%swap3A_417, %swap3A_418] {strides = array<i32>} : memref<5x128xi32, #tpu.memory_space<vmem>>, vector<16xi32>,
    tpu.vector_store %arg15[%swap3A_417, %swap3A_418], %gather3A_415 {strides = array<i32>} : memref<5x128xi32, #tpu.memory_space<vmem>>, vector<16xi32>,
    %iota3A_420 = tpu.iota {dimensions = array<i32: 0>} : vector<16xi32>
    %add3A_421 = arith.constant 48 : i32
    %add3A_422 = vector.broadcast %add3A_421 : i32 to vector<16xi32>
    %add3A_423 = arith.addi %iota3A_420, %add3A_422 : vector<16xi32>
    %gather3A_424 = tpu.vector_load_idx %arg12[%add3A_423, %broadcast_in_dim3A_392] : memref<128x5xi32, #tpu.memory_space<vmem>>[vector<16xi32>, vector<16xi32>], vector<16xi32>,
    %swap3A_425 = arith.constant 0 : i32
    %swap3A_426 = arith.index_cast %swap3A_425 : i32 to index
    %swap3A_427 = arith.constant 48 : index
    %swap3A_428 = tpu.vector_load %arg15[%swap3A_426, %swap3A_427] {strides = array<i32>} : memref<5x128xi32, #tpu.memory_space<vmem>>, vector<16xi32>,
    tpu.vector_store %arg15[%swap3A_426, %swap3A_427], %gather3A_424 {strides = array<i32>} : memref<5x128xi32, #tpu.memory_space<vmem>>, vector<16xi32>,
    %iota3A_429 = tpu.iota {dimensions = array<i32: 0>} : vector<16xi32>
    %add3A_430 = arith.constant 64 : i32
    %add3A_431 = vector.broadcast %add3A_430 : i32 to vector<16xi32>
    %add3A_432 = arith.addi %iota3A_429, %add3A_431 : vector<16xi32>
    %gather3A_433 = tpu.vector_load_idx %arg12[%add3A_432, %broadcast_in_dim3A_392] : memref<128x5xi32, #tpu.memory_space<vmem>>[vector<16xi32>, vector<16xi32>], vector<16xi32>,
    %swap3A_434 = arith.constant 0 : i32
    %swap3A_435 = arith.index_cast %swap3A_434 : i32 to index
    %swap3A_436 = arith.constant 64 : index
    %swap3A_437 = tpu.vector_load %arg15[%swap3A_435, %swap3A_436] {strides = array<i32>} : memref<5x128xi32, #tpu.memory_space<vmem>>, vector<16xi32>,
    tpu.vector_store %arg15[%swap3A_435, %swap3A_436], %gather3A_433 {strides = array<i32>} : memref<5x128xi32, #tpu.memory_space<vmem>>, vector<16xi32>,
    %iota3A_438 = tpu.iota {dimensions = array<i32: 0>} : vector<16xi32>
    %add3A_439 = arith.constant 80 : i32
    %add3A_440 = vector.broadcast %add3A_439 : i32 to vector<16xi32>
    %add3A_441 = arith.addi %iota3A_438, %add3A_440 : vector<16xi32>
    %gather3A_442 = tpu.vector_load_idx %arg12[%add3A_441, %broadcast_in_dim3A_392] : memref<128x5xi32, #tpu.memory_space<vmem>>[vector<16xi32>, vector<16xi32>], vector<16xi32>,
    %swap3A_443 = arith.constant 0 : i32
    %swap3A_444 = arith.index_cast %swap3A_443 : i32 to index
    %swap3A_445 = arith.constant 80 : index
    %swap3A_446 = tpu.vector_load %arg15[%swap3A_444, %swap3A_445] {strides = array<i32>} : memref<5x128xi32, #tpu.memory_space<vmem>>, vector<16xi32>,
    tpu.vector_store %arg15[%swap3A_444, %swap3A_445], %gather3A_442 {strides = array<i32>} : memref<5x128xi32, #tpu.memory_space<vmem>>, vector<16xi32>,
    %iota3A_447 = tpu.iota {dimensions = array<i32: 0>} : vector<16xi32>
    %add3A_448 = arith.constant 96 : i32
    %add3A_449 = vector.broadcast %add3A_448 : i32 to vector<16xi32>
    %add3A_450 = arith.addi %iota3A_447, %add3A_449 : vector<16xi32>
    %gather3A_451 = tpu.vector_load_idx %arg12[%add3A_450, %broadcast_in_dim3A_392] : memref<128x5xi32, #tpu.memory_space<vmem>>[vector<16xi32>, vector<16xi32>], vector<16xi32>,
    %swap3A_452 = arith.constant 0 : i32
    %swap3A_453 = arith.index_cast %swap3A_452 : i32 to index
    %swap3A_454 = arith.constant 96 : index
    %swap3A_455 = tpu.vector_load %arg15[%swap3A_453, %swap3A_454] {strides = array<i32>} : memref<5x128xi32, #tpu.memory_space<vmem>>, vector<16xi32>,
    tpu.vector_store %arg15[%swap3A_453, %swap3A_454], %gather3A_451 {strides = array<i32>} : memref<5x128xi32, #tpu.memory_space<vmem>>, vector<16xi32>,
    %iota3A_456 = tpu.iota {dimensions = array<i32: 0>} : vector<16xi32>
    %add3A_457 = arith.constant 112 : i32
    %add3A_458 = vector.broadcast %add3A_457 : i32 to vector<16xi32>
    %add3A_459 = arith.addi %iota3A_456, %add3A_458 : vector<16xi32>
    %gather3A_460 = tpu.vector_load_idx %arg12[%add3A_459, %broadcast_in_dim3A_392] : memref<128x5xi32, #tpu.memory_space<vmem>>[vector<16xi32>, vector<16xi32>], vector<16xi32>,
    %swap3A_461 = arith.constant 0 : i32
    %swap3A_462 = arith.index_cast %swap3A_461 : i32 to index
    %swap3A_463 = arith.constant 112 : index
    %swap3A_464 = tpu.vector_load %arg15[%swap3A_462, %swap3A_463] {strides = array<i32>} : memref<5x128xi32, #tpu.memory_space<vmem>>, vector<16xi32>,
    tpu.vector_store %arg15[%swap3A_462, %swap3A_463], %gather3A_460 {strides = array<i32>} : memref<5x128xi32, #tpu.memory_space<vmem>>, vector<16xi32>,
    %broadcast_in_dim3A_465 = arith.constant 1 : i32
    %broadcast_in_dim3A_466 = vector.broadcast %broadcast_in_dim3A_465 : i32 to vector<16xi32>
    %iota3A_467 = tpu.iota {dimensions = array<i32: 0>} : vector<16xi32>
    %add3A_468 = arith.constant 0 : i32
    %add3A_469 = vector.broadcast %add3A_468 : i32 to vector<16xi32>
    %add3A_470 = arith.addi %iota3A_467, %add3A_469 : vector<16xi32>
    %gather3A_471 = tpu.vector_load_idx %arg12[%add3A_470, %broadcast_in_dim3A_466] : memref<128x5xi32, #tpu.memory_space<vmem>>[vector<16xi32>, vector<16xi32>], vector<16xi32>,
    %swap3A_472 = arith.constant 1 : i32
    %swap3A_473 = arith.index_cast %swap3A_472 : i32 to index
    %swap3A_474 = arith.constant 0 : index
    %swap3A_475 = tpu.vector_load %arg15[%swap3A_473, %swap3A_474] {strides = array<i32>} : memref<5x128xi32, #tpu.memory_space<vmem>>, vector<16xi32>,
    tpu.vector_store %arg15[%swap3A_473, %swap3A_474], %gather3A_471 {strides = array<i32>} : memref<5x128xi32, #tpu.memory_space<vmem>>, vector<16xi32>,
    %iota3A_476 = tpu.iota {dimensions = array<i32: 0>} : vector<16xi32>
    %add3A_477 = arith.constant 16 : i32
    %add3A_478 = vector.broadcast %add3A_477 : i32 to vector<16xi32>
    %add3A_479 = arith.addi %iota3A_476, %add3A_478 : vector<16xi32>
    %gather3A_480 = tpu.vector_load_idx %arg12[%add3A_479, %broadcast_in_dim3A_466] : memref<128x5xi32, #tpu.memory_space<vmem>>[vector<16xi32>, vector<16xi32>], vector<16xi32>,
    %swap3A_481 = arith.constant 1 : i32
    %swap3A_482 = arith.index_cast %swap3A_481 : i32 to index
    %swap3A_483 = arith.constant 16 : index
    %swap3A_484 = tpu.vector_load %arg15[%swap3A_482, %swap3A_483] {strides = array<i32>} : memref<5x128xi32, #tpu.memory_space<vmem>>, vector<16xi32>,
    tpu.vector_store %arg15[%swap3A_482, %swap3A_483], %gather3A_480 {strides = array<i32>} : memref<5x128xi32, #tpu.memory_space<vmem>>, vector<16xi32>,
    %iota3A_485 = tpu.iota {dimensions = array<i32: 0>} : vector<16xi32>
    %add3A_486 = arith.constant 32 : i32
    %add3A_487 = vector.broadcast %add3A_486 : i32 to vector<16xi32>
    %add3A_488 = arith.addi %iota3A_485, %add3A_487 : vector<16xi32>
    %gather3A_489 = tpu.vector_load_idx %arg12[%add3A_488, %broadcast_in_dim3A_466] : memref<128x5xi32, #tpu.memory_space<vmem>>[vector<16xi32>, vector<16xi32>], vector<16xi32>,
    %swap3A_490 = arith.constant 1 : i32
    %swap3A_491 = arith.index_cast %swap3A_490 : i32 to index
    %swap3A_492 = arith.constant 32 : index
    %swap3A_493 = tpu.vector_load %arg15[%swap3A_491, %swap3A_492] {strides = array<i32>} : memref<5x128xi32, #tpu.memory_space<vmem>>, vector<16xi32>,
    tpu.vector_store %arg15[%swap3A_491, %swap3A_492], %gather3A_489 {strides = array<i32>} : memref<5x128xi32, #tpu.memory_space<vmem>>, vector<16xi32>,
    %iota3A_494 = tpu.iota {dimensions = array<i32: 0>} : vector<16xi32>
    %add3A_495 = arith.constant 48 : i32
    %add3A_496 = vector.broadcast %add3A_495 : i32 to vector<16xi32>
    %add3A_497 = arith.addi %iota3A_494, %add3A_496 : vector<16xi32>
    %gather3A_498 = tpu.vector_load_idx %arg12[%add3A_497, %broadcast_in_dim3A_466] : memref<128x5xi32, #tpu.memory_space<vmem>>[vector<16xi32>, vector<16xi32>], vector<16xi32>,
    %swap3A_499 = arith.constant 1 : i32
    %swap3A_500 = arith.index_cast %swap3A_499 : i32 to index
    %swap3A_501 = arith.constant 48 : index
    %swap3A_502 = tpu.vector_load %arg15[%swap3A_500, %swap3A_501] {strides = array<i32>} : memref<5x128xi32, #tpu.memory_space<vmem>>, vector<16xi32>,
    tpu.vector_store %arg15[%swap3A_500, %swap3A_501], %gather3A_498 {strides = array<i32>} : memref<5x128xi32, #tpu.memory_space<vmem>>, vector<16xi32>,
    %iota3A_503 = tpu.iota {dimensions = array<i32: 0>} : vector<16xi32>
    %add3A_504 = arith.constant 64 : i32
    %add3A_505 = vector.broadcast %add3A_504 : i32 to vector<16xi32>
    %add3A_506 = arith.addi %iota3A_503, %add3A_505 : vector<16xi32>
    %gather3A_507 = tpu.vector_load_idx %arg12[%add3A_506, %broadcast_in_dim3A_466] : memref<128x5xi32, #tpu.memory_space<vmem>>[vector<16xi32>, vector<16xi32>], vector<16xi32>,
    %swap3A_508 = arith.constant 1 : i32
    %swap3A_509 = arith.index_cast %swap3A_508 : i32 to index
    %swap3A_510 = arith.constant 64 : index
    %swap3A_511 = tpu.vector_load %arg15[%swap3A_509, %swap3A_510] {strides = array<i32>} : memref<5x128xi32, #tpu.memory_space<vmem>>, vector<16xi32>,
    tpu.vector_store %arg15[%swap3A_509, %swap3A_510], %gather3A_507 {strides = array<i32>} : memref<5x128xi32, #tpu.memory_space<vmem>>, vector<16xi32>,
    %iota3A_512 = tpu.iota {dimensions = array<i32: 0>} : vector<16xi32>
    %add3A_513 = arith.constant 80 : i32
    %add3A_514 = vector.broadcast %add3A_513 : i32 to vector<16xi32>
    %add3A_515 = arith.addi %iota3A_512, %add3A_514 : vector<16xi32>
    %gather3A_516 = tpu.vector_load_idx %arg12[%add3A_515, %broadcast_in_dim3A_466] : memref<128x5xi32, #tpu.memory_space<vmem>>[vector<16xi32>, vector<16xi32>], vector<16xi32>,
    %swap3A_517 = arith.constant 1 : i32
    %swap3A_518 = arith.index_cast %swap3A_517 : i32 to index
    %swap3A_519 = arith.constant 80 : index
    %swap3A_520 = tpu.vector_load %arg15[%swap3A_518, %swap3A_519] {strides = array<i32>} : memref<5x128xi32, #tpu.memory_space<vmem>>, vector<16xi32>,
    tpu.vector_store %arg15[%swap3A_518, %swap3A_519], %gather3A_516 {strides = array<i32>} : memref<5x128xi32, #tpu.memory_space<vmem>>, vector<16xi32>,
    %iota3A_521 = tpu.iota {dimensions = array<i32: 0>} : vector<16xi32>
    %add3A_522 = arith.constant 96 : i32
    %add3A_523 = vector.broadcast %add3A_522 : i32 to vector<16xi32>
    %add3A_524 = arith.addi %iota3A_521, %add3A_523 : vector<16xi32>
    %gather3A_525 = tpu.vector_load_idx %arg12[%add3A_524, %broadcast_in_dim3A_466] : memref<128x5xi32, #tpu.memory_space<vmem>>[vector<16xi32>, vector<16xi32>], vector<16xi32>,
    %swap3A_526 = arith.constant 1 : i32
    %swap3A_527 = arith.index_cast %swap3A_526 : i32 to index
    %swap3A_528 = arith.constant 96 : index
    %swap3A_529 = tpu.vector_load %arg15[%swap3A_527, %swap3A_528] {strides = array<i32>} : memref<5x128xi32, #tpu.memory_space<vmem>>, vector<16xi32>,
    tpu.vector_store %arg15[%swap3A_527, %swap3A_528], %gather3A_525 {strides = array<i32>} : memref<5x128xi32, #tpu.memory_space<vmem>>, vector<16xi32>,
    %iota3A_530 = tpu.iota {dimensions = array<i32: 0>} : vector<16xi32>
    %add3A_531 = arith.constant 112 : i32
    %add3A_532 = vector.broadcast %add3A_531 : i32 to vector<16xi32>
    %add3A_533 = arith.addi %iota3A_530, %add3A_532 : vector<16xi32>
    %gather3A_534 = tpu.vector_load_idx %arg12[%add3A_533, %broadcast_in_dim3A_466] : memref<128x5xi32, #tpu.memory_space<vmem>>[vector<16xi32>, vector<16xi32>], vector<16xi32>,
    %swap3A_535 = arith.constant 1 : i32
    %swap3A_536 = arith.index_cast %swap3A_535 : i32 to index
    %swap3A_537 = arith.constant 112 : index
    %swap3A_538 = tpu.vector_load %arg15[%swap3A_536, %swap3A_537] {strides = array<i32>} : memref<5x128xi32, #tpu.memory_space<vmem>>, vector<16xi32>,
    tpu.vector_store %arg15[%swap3A_536, %swap3A_537], %gather3A_534 {strides = array<i32>} : memref<5x128xi32, #tpu.memory_space<vmem>>, vector<16xi32>,
    %broadcast_in_dim3A_539 = arith.constant 2 : i32
    %broadcast_in_dim3A_540 = vector.broadcast %broadcast_in_dim3A_539 : i32 to vector<16xi32>
    %iota3A_541 = tpu.iota {dimensions = array<i32: 0>} : vector<16xi32>
    %add3A_542 = arith.constant 0 : i32
    %add3A_543 = vector.broadcast %add3A_542 : i32 to vector<16xi32>
    %add3A_544 = arith.addi %iota3A_541, %add3A_543 : vector<16xi32>
    %gather3A_545 = tpu.vector_load_idx %arg12[%add3A_544, %broadcast_in_dim3A_540] : memref<128x5xi32, #tpu.memory_space<vmem>>[vector<16xi32>, vector<16xi32>], vector<16xi32>,
    %swap3A_546 = arith.constant 2 : i32
    %swap3A_547 = arith.index_cast %swap3A_546 : i32 to index
    %swap3A_548 = arith.constant 0 : index
    %swap3A_549 = tpu.vector_load %arg15[%swap3A_547, %swap3A_548] {strides = array<i32>} : memref<5x128xi32, #tpu.memory_space<vmem>>, vector<16xi32>,
    tpu.vector_store %arg15[%swap3A_547, %swap3A_548], %gather3A_545 {strides = array<i32>} : memref<5x128xi32, #tpu.memory_space<vmem>>, vector<16xi32>,
    %iota3A_550 = tpu.iota {dimensions = array<i32: 0>} : vector<16xi32>
    %add3A_551 = arith.constant 16 : i32
    %add3A_552 = vector.broadcast %add3A_551 : i32 to vector<16xi32>
    %add3A_553 = arith.addi %iota3A_550, %add3A_552 : vector<16xi32>
    %gather3A_554 = tpu.vector_load_idx %arg12[%add3A_553, %broadcast_in_dim3A_540] : memref<128x5xi32, #tpu.memory_space<vmem>>[vector<16xi32>, vector<16xi32>], vector<16xi32>,
    %swap3A_555 = arith.constant 2 : i32
    %swap3A_556 = arith.index_cast %swap3A_555 : i32 to index
    %swap3A_557 = arith.constant 16 : index
    %swap3A_558 = tpu.vector_load %arg15[%swap3A_556, %swap3A_557] {strides = array<i32>} : memref<5x128xi32, #tpu.memory_space<vmem>>, vector<16xi32>,
    tpu.vector_store %arg15[%swap3A_556, %swap3A_557], %gather3A_554 {strides = array<i32>} : memref<5x128xi32, #tpu.memory_space<vmem>>, vector<16xi32>,
    %iota3A_559 = tpu.iota {dimensions = array<i32: 0>} : vector<16xi32>
    %add3A_560 = arith.constant 32 : i32
    %add3A_561 = vector.broadcast %add3A_560 : i32 to vector<16xi32>
    %add3A_562 = arith.addi %iota3A_559, %add3A_561 : vector<16xi32>
    %gather3A_563 = tpu.vector_load_idx %arg12[%add3A_562, %broadcast_in_dim3A_540] : memref<128x5xi32, #tpu.memory_space<vmem>>[vector<16xi32>, vector<16xi32>], vector<16xi32>,
    %swap3A_564 = arith.constant 2 : i32
    %swap3A_565 = arith.index_cast %swap3A_564 : i32 to index
    %swap3A_566 = arith.constant 32 : index
    %swap3A_567 = tpu.vector_load %arg15[%swap3A_565, %swap3A_566] {strides = array<i32>} : memref<5x128xi32, #tpu.memory_space<vmem>>, vector<16xi32>,
    tpu.vector_store %arg15[%swap3A_565, %swap3A_566], %gather3A_563 {strides = array<i32>} : memref<5x128xi32, #tpu.memory_space<vmem>>, vector<16xi32>,
    %iota3A_568 = tpu.iota {dimensions = array<i32: 0>} : vector<16xi32>
    %add3A_569 = arith.constant 48 : i32
    %add3A_570 = vector.broadcast %add3A_569 : i32 to vector<16xi32>
    %add3A_571 = arith.addi %iota3A_568, %add3A_570 : vector<16xi32>
    %gather3A_572 = tpu.vector_load_idx %arg12[%add3A_571, %broadcast_in_dim3A_540] : memref<128x5xi32, #tpu.memory_space<vmem>>[vector<16xi32>, vector<16xi32>], vector<16xi32>,
    %swap3A_573 = arith.constant 2 : i32
    %swap3A_574 = arith.index_cast %swap3A_573 : i32 to index
    %swap3A_575 = arith.constant 48 : index
    %swap3A_576 = tpu.vector_load %arg15[%swap3A_574, %swap3A_575] {strides = array<i32>} : memref<5x128xi32, #tpu.memory_space<vmem>>, vector<16xi32>,
    tpu.vector_store %arg15[%swap3A_574, %swap3A_575], %gather3A_572 {strides = array<i32>} : memref<5x128xi32, #tpu.memory_space<vmem>>, vector<16xi32>,
    %iota3A_577 = tpu.iota {dimensions = array<i32: 0>} : vector<16xi32>
    %add3A_578 = arith.constant 64 : i32
    %add3A_579 = vector.broadcast %add3A_578 : i32 to vector<16xi32>
    %add3A_580 = arith.addi %iota3A_577, %add3A_579 : vector<16xi32>
    %gather3A_581 = tpu.vector_load_idx %arg12[%add3A_580, %broadcast_in_dim3A_540] : memref<128x5xi32, #tpu.memory_space<vmem>>[vector<16xi32>, vector<16xi32>], vector<16xi32>,
    %swap3A_582 = arith.constant 2 : i32
    %swap3A_583 = arith.index_cast %swap3A_582 : i32 to index
    %swap3A_584 = arith.constant 64 : index
    %swap3A_585 = tpu.vector_load %arg15[%swap3A_583, %swap3A_584] {strides = array<i32>} : memref<5x128xi32, #tpu.memory_space<vmem>>, vector<16xi32>,
    tpu.vector_store %arg15[%swap3A_583, %swap3A_584], %gather3A_581 {strides = array<i32>} : memref<5x128xi32, #tpu.memory_space<vmem>>, vector<16xi32>,
    %iota3A_586 = tpu.iota {dimensions = array<i32: 0>} : vector<16xi32>
    %add3A_587 = arith.constant 80 : i32
    %add3A_588 = vector.broadcast %add3A_587 : i32 to vector<16xi32>
    %add3A_589 = arith.addi %iota3A_586, %add3A_588 : vector<16xi32>
    %gather3A_590 = tpu.vector_load_idx %arg12[%add3A_589, %broadcast_in_dim3A_540] : memref<128x5xi32, #tpu.memory_space<vmem>>[vector<16xi32>, vector<16xi32>], vector<16xi32>,
    %swap3A_591 = arith.constant 2 : i32
    %swap3A_592 = arith.index_cast %swap3A_591 : i32 to index
    %swap3A_593 = arith.constant 80 : index
    %swap3A_594 = tpu.vector_load %arg15[%swap3A_592, %swap3A_593] {strides = array<i32>} : memref<5x128xi32, #tpu.memory_space<vmem>>, vector<16xi32>,
    tpu.vector_store %arg15[%swap3A_592, %swap3A_593], %gather3A_590 {strides = array<i32>} : memref<5x128xi32, #tpu.memory_space<vmem>>, vector<16xi32>,
    %iota3A_595 = tpu.iota {dimensions = array<i32: 0>} : vector<16xi32>
    %add3A_596 = arith.constant 96 : i32
    %add3A_597 = vector.broadcast %add3A_596 : i32 to vector<16xi32>
    %add3A_598 = arith.addi %iota3A_595, %add3A_597 : vector<16xi32>
    %gather3A_599 = tpu.vector_load_idx %arg12[%add3A_598, %broadcast_in_dim3A_540] : memref<128x5xi32, #tpu.memory_space<vmem>>[vector<16xi32>, vector<16xi32>], vector<16xi32>,
    %swap3A_600 = arith.constant 2 : i32
    %swap3A_601 = arith.index_cast %swap3A_600 : i32 to index
    %swap3A_602 = arith.constant 96 : index
    %swap3A_603 = tpu.vector_load %arg15[%swap3A_601, %swap3A_602] {strides = array<i32>} : memref<5x128xi32, #tpu.memory_space<vmem>>, vector<16xi32>,
    tpu.vector_store %arg15[%swap3A_601, %swap3A_602], %gather3A_599 {strides = array<i32>} : memref<5x128xi32, #tpu.memory_space<vmem>>, vector<16xi32>,
    %iota3A_604 = tpu.iota {dimensions = array<i32: 0>} : vector<16xi32>
    %add3A_605 = arith.constant 112 : i32
    %add3A_606 = vector.broadcast %add3A_605 : i32 to vector<16xi32>
    %add3A_607 = arith.addi %iota3A_604, %add3A_606 : vector<16xi32>
    %gather3A_608 = tpu.vector_load_idx %arg12[%add3A_607, %broadcast_in_dim3A_540] : memref<128x5xi32, #tpu.memory_space<vmem>>[vector<16xi32>, vector<16xi32>], vector<16xi32>,
    %swap3A_609 = arith.constant 2 : i32
    %swap3A_610 = arith.index_cast %swap3A_609 : i32 to index
    %swap3A_611 = arith.constant 112 : index
    %swap3A_612 = tpu.vector_load %arg15[%swap3A_610, %swap3A_611] {strides = array<i32>} : memref<5x128xi32, #tpu.memory_space<vmem>>, vector<16xi32>,
    tpu.vector_store %arg15[%swap3A_610, %swap3A_611], %gather3A_608 {strides = array<i32>} : memref<5x128xi32, #tpu.memory_space<vmem>>, vector<16xi32>,
    %broadcast_in_dim3A_613 = arith.constant 3 : i32
    %broadcast_in_dim3A_614 = vector.broadcast %broadcast_in_dim3A_613 : i32 to vector<16xi32>
    %iota3A_615 = tpu.iota {dimensions = array<i32: 0>} : vector<16xi32>
    %add3A_616 = arith.constant 0 : i32
    %add3A_617 = vector.broadcast %add3A_616 : i32 to vector<16xi32>
    %add3A_618 = arith.addi %iota3A_615, %add3A_617 : vector<16xi32>
    %gather3A_619 = tpu.vector_load_idx %arg12[%add3A_618, %broadcast_in_dim3A_614] : memref<128x5xi32, #tpu.memory_space<vmem>>[vector<16xi32>, vector<16xi32>], vector<16xi32>,
    %swap3A_620 = arith.constant 3 : i32
    %swap3A_621 = arith.index_cast %swap3A_620 : i32 to index
    %swap3A_622 = arith.constant 0 : index
    %swap3A_623 = tpu.vector_load %arg15[%swap3A_621, %swap3A_622] {strides = array<i32>} : memref<5x128xi32, #tpu.memory_space<vmem>>, vector<16xi32>,
    tpu.vector_store %arg15[%swap3A_621, %swap3A_622], %gather3A_619 {strides = array<i32>} : memref<5x128xi32, #tpu.memory_space<vmem>>, vector<16xi32>,
    %iota3A_624 = tpu.iota {dimensions = array<i32: 0>} : vector<16xi32>
    %add3A_625 = arith.constant 16 : i32
    %add3A_626 = vector.broadcast %add3A_625 : i32 to vector<16xi32>
    %add3A_627 = arith.addi %iota3A_624, %add3A_626 : vector<16xi32>
    %gather3A_628 = tpu.vector_load_idx %arg12[%add3A_627, %broadcast_in_dim3A_614] : memref<128x5xi32, #tpu.memory_space<vmem>>[vector<16xi32>, vector<16xi32>], vector<16xi32>,
    %swap3A_629 = arith.constant 3 : i32
    %swap3A_630 = arith.index_cast %swap3A_629 : i32 to index
    %swap3A_631 = arith.constant 16 : index
    %swap3A_632 = tpu.vector_load %arg15[%swap3A_630, %swap3A_631] {strides = array<i32>} : memref<5x128xi32, #tpu.memory_space<vmem>>, vector<16xi32>,
    tpu.vector_store %arg15[%swap3A_630, %swap3A_631], %gather3A_628 {strides = array<i32>} : memref<5x128xi32, #tpu.memory_space<vmem>>, vector<16xi32>,
    %iota3A_633 = tpu.iota {dimensions = array<i32: 0>} : vector<16xi32>
    %add3A_634 = arith.constant 32 : i32
    %add3A_635 = vector.broadcast %add3A_634 : i32 to vector<16xi32>
    %add3A_636 = arith.addi %iota3A_633, %add3A_635 : vector<16xi32>
    %gather3A_637 = tpu.vector_load_idx %arg12[%add3A_636, %broadcast_in_dim3A_614] : memref<128x5xi32, #tpu.memory_space<vmem>>[vector<16xi32>, vector<16xi32>], vector<16xi32>,
    %swap3A_638 = arith.constant 3 : i32
    %swap3A_639 = arith.index_cast %swap3A_638 : i32 to index
    %swap3A_640 = arith.constant 32 : index
    %swap3A_641 = tpu.vector_load %arg15[%swap3A_639, %swap3A_640] {strides = array<i32>} : memref<5x128xi32, #tpu.memory_space<vmem>>, vector<16xi32>,
    tpu.vector_store %arg15[%swap3A_639, %swap3A_640], %gather3A_637 {strides = array<i32>} : memref<5x128xi32, #tpu.memory_space<vmem>>, vector<16xi32>,
    %iota3A_642 = tpu.iota {dimensions = array<i32: 0>} : vector<16xi32>
    %add3A_643 = arith.constant 48 : i32
    %add3A_644 = vector.broadcast %add3A_643 : i32 to vector<16xi32>
    %add3A_645 = arith.addi %iota3A_642, %add3A_644 : vector<16xi32>
    %gather3A_646 = tpu.vector_load_idx %arg12[%add3A_645, %broadcast_in_dim3A_614] : memref<128x5xi32, #tpu.memory_space<vmem>>[vector<16xi32>, vector<16xi32>], vector<16xi32>,
    %swap3A_647 = arith.constant 3 : i32
    %swap3A_648 = arith.index_cast %swap3A_647 : i32 to index
    %swap3A_649 = arith.constant 48 : index
    %swap3A_650 = tpu.vector_load %arg15[%swap3A_648, %swap3A_649] {strides = array<i32>} : memref<5x128xi32, #tpu.memory_space<vmem>>, vector<16xi32>,
    tpu.vector_store %arg15[%swap3A_648, %swap3A_649], %gather3A_646 {strides = array<i32>} : memref<5x128xi32, #tpu.memory_space<vmem>>, vector<16xi32>,
    %iota3A_651 = tpu.iota {dimensions = array<i32: 0>} : vector<16xi32>
    %add3A_652 = arith.constant 64 : i32
    %add3A_653 = vector.broadcast %add3A_652 : i32 to vector<16xi32>
    %add3A_654 = arith.addi %iota3A_651, %add3A_653 : vector<16xi32>
    %gather3A_655 = tpu.vector_load_idx %arg12[%add3A_654, %broadcast_in_dim3A_614] : memref<128x5xi32, #tpu.memory_space<vmem>>[vector<16xi32>, vector<16xi32>], vector<16xi32>,
    %swap3A_656 = arith.constant 3 : i32
    %swap3A_657 = arith.index_cast %swap3A_656 : i32 to index
    %swap3A_658 = arith.constant 64 : index
    %swap3A_659 = tpu.vector_load %arg15[%swap3A_657, %swap3A_658] {strides = array<i32>} : memref<5x128xi32, #tpu.memory_space<vmem>>, vector<16xi32>,
    tpu.vector_store %arg15[%swap3A_657, %swap3A_658], %gather3A_655 {strides = array<i32>} : memref<5x128xi32, #tpu.memory_space<vmem>>, vector<16xi32>,
    %iota3A_660 = tpu.iota {dimensions = array<i32: 0>} : vector<16xi32>
    %add3A_661 = arith.constant 80 : i32
    %add3A_662 = vector.broadcast %add3A_661 : i32 to vector<16xi32>
    %add3A_663 = arith.addi %iota3A_660, %add3A_662 : vector<16xi32>
    %gather3A_664 = tpu.vector_load_idx %arg12[%add3A_663, %broadcast_in_dim3A_614] : memref<128x5xi32, #tpu.memory_space<vmem>>[vector<16xi32>, vector<16xi32>], vector<16xi32>,
    %swap3A_665 = arith.constant 3 : i32
    %swap3A_666 = arith.index_cast %swap3A_665 : i32 to index
    %swap3A_667 = arith.constant 80 : index
    %swap3A_668 = tpu.vector_load %arg15[%swap3A_666, %swap3A_667] {strides = array<i32>} : memref<5x128xi32, #tpu.memory_space<vmem>>, vector<16xi32>,
    tpu.vector_store %arg15[%swap3A_666, %swap3A_667], %gather3A_664 {strides = array<i32>} : memref<5x128xi32, #tpu.memory_space<vmem>>, vector<16xi32>,
    %iota3A_669 = tpu.iota {dimensions = array<i32: 0>} : vector<16xi32>
    %add3A_670 = arith.constant 96 : i32
    %add3A_671 = vector.broadcast %add3A_670 : i32 to vector<16xi32>
    %add3A_672 = arith.addi %iota3A_669, %add3A_671 : vector<16xi32>
    %gather3A_673 = tpu.vector_load_idx %arg12[%add3A_672, %broadcast_in_dim3A_614] : memref<128x5xi32, #tpu.memory_space<vmem>>[vector<16xi32>, vector<16xi32>], vector<16xi32>,
    %swap3A_674 = arith.constant 3 : i32
    %swap3A_675 = arith.index_cast %swap3A_674 : i32 to index
    %swap3A_676 = arith.constant 96 : index
    %swap3A_677 = tpu.vector_load %arg15[%swap3A_675, %swap3A_676] {strides = array<i32>} : memref<5x128xi32, #tpu.memory_space<vmem>>, vector<16xi32>,
    tpu.vector_store %arg15[%swap3A_675, %swap3A_676], %gather3A_673 {strides = array<i32>} : memref<5x128xi32, #tpu.memory_space<vmem>>, vector<16xi32>,
    %iota3A_678 = tpu.iota {dimensions = array<i32: 0>} : vector<16xi32>
    %add3A_679 = arith.constant 112 : i32
    %add3A_680 = vector.broadcast %add3A_679 : i32 to vector<16xi32>
    %add3A_681 = arith.addi %iota3A_678, %add3A_680 : vector<16xi32>
    %gather3A_682 = tpu.vector_load_idx %arg12[%add3A_681, %broadcast_in_dim3A_614] : memref<128x5xi32, #tpu.memory_space<vmem>>[vector<16xi32>, vector<16xi32>], vector<16xi32>,
    %swap3A_683 = arith.constant 3 : i32
    %swap3A_684 = arith.index_cast %swap3A_683 : i32 to index
    %swap3A_685 = arith.constant 112 : index
    %swap3A_686 = tpu.vector_load %arg15[%swap3A_684, %swap3A_685] {strides = array<i32>} : memref<5x128xi32, #tpu.memory_space<vmem>>, vector<16xi32>,
    tpu.vector_store %arg15[%swap3A_684, %swap3A_685], %gather3A_682 {strides = array<i32>} : memref<5x128xi32, #tpu.memory_space<vmem>>, vector<16xi32>,
    %broadcast_in_dim3A_687 = arith.constant 4 : i32
    %broadcast_in_dim3A_688 = vector.broadcast %broadcast_in_dim3A_687 : i32 to vector<16xi32>
    %iota3A_689 = tpu.iota {dimensions = array<i32: 0>} : vector<16xi32>
    %add3A_690 = arith.constant 0 : i32
    %add3A_691 = vector.broadcast %add3A_690 : i32 to vector<16xi32>
    %add3A_692 = arith.addi %iota3A_689, %add3A_691 : vector<16xi32>
    %gather3A_693 = tpu.vector_load_idx %arg12[%add3A_692, %broadcast_in_dim3A_688] : memref<128x5xi32, #tpu.memory_space<vmem>>[vector<16xi32>, vector<16xi32>], vector<16xi32>,
    %swap3A_694 = arith.constant 4 : i32
    %swap3A_695 = arith.index_cast %swap3A_694 : i32 to index
    %swap3A_696 = arith.constant 0 : index
    %swap3A_697 = tpu.vector_load %arg15[%swap3A_695, %swap3A_696] {strides = array<i32>} : memref<5x128xi32, #tpu.memory_space<vmem>>, vector<16xi32>,
    tpu.vector_store %arg15[%swap3A_695, %swap3A_696], %gather3A_693 {strides = array<i32>} : memref<5x128xi32, #tpu.memory_space<vmem>>, vector<16xi32>,
    %iota3A_698 = tpu.iota {dimensions = array<i32: 0>} : vector<16xi32>
    %add3A_699 = arith.constant 16 : i32
    %add3A_700 = vector.broadcast %add3A_699 : i32 to vector<16xi32>
    %add3A_701 = arith.addi %iota3A_698, %add3A_700 : vector<16xi32>
    %gather3A_702 = tpu.vector_load_idx %arg12[%add3A_701, %broadcast_in_dim3A_688] : memref<128x5xi32, #tpu.memory_space<vmem>>[vector<16xi32>, vector<16xi32>], vector<16xi32>,
    %swap3A_703 = arith.constant 4 : i32
    %swap3A_704 = arith.index_cast %swap3A_703 : i32 to index
    %swap3A_705 = arith.constant 16 : index
    %swap3A_706 = tpu.vector_load %arg15[%swap3A_704, %swap3A_705] {strides = array<i32>} : memref<5x128xi32, #tpu.memory_space<vmem>>, vector<16xi32>,
    tpu.vector_store %arg15[%swap3A_704, %swap3A_705], %gather3A_702 {strides = array<i32>} : memref<5x128xi32, #tpu.memory_space<vmem>>, vector<16xi32>,
    %iota3A_707 = tpu.iota {dimensions = array<i32: 0>} : vector<16xi32>
    %add3A_708 = arith.constant 32 : i32
    %add3A_709 = vector.broadcast %add3A_708 : i32 to vector<16xi32>
    %add3A_710 = arith.addi %iota3A_707, %add3A_709 : vector<16xi32>
    %gather3A_711 = tpu.vector_load_idx %arg12[%add3A_710, %broadcast_in_dim3A_688] : memref<128x5xi32, #tpu.memory_space<vmem>>[vector<16xi32>, vector<16xi32>], vector<16xi32>,
    %swap3A_712 = arith.constant 4 : i32
    %swap3A_713 = arith.index_cast %swap3A_712 : i32 to index
    %swap3A_714 = arith.constant 32 : index
    %swap3A_715 = tpu.vector_load %arg15[%swap3A_713, %swap3A_714] {strides = array<i32>} : memref<5x128xi32, #tpu.memory_space<vmem>>, vector<16xi32>,
    tpu.vector_store %arg15[%swap3A_713, %swap3A_714], %gather3A_711 {strides = array<i32>} : memref<5x128xi32, #tpu.memory_space<vmem>>, vector<16xi32>,
    %iota3A_716 = tpu.iota {dimensions = array<i32: 0>} : vector<16xi32>
    %add3A_717 = arith.constant 48 : i32
    %add3A_718 = vector.broadcast %add3A_717 : i32 to vector<16xi32>
    %add3A_719 = arith.addi %iota3A_716, %add3A_718 : vector<16xi32>
    %gather3A_720 = tpu.vector_load_idx %arg12[%add3A_719, %broadcast_in_dim3A_688] : memref<128x5xi32, #tpu.memory_space<vmem>>[vector<16xi32>, vector<16xi32>], vector<16xi32>,
    %swap3A_721 = arith.constant 4 : i32
    %swap3A_722 = arith.index_cast %swap3A_721 : i32 to index
    %swap3A_723 = arith.constant 48 : index
    %swap3A_724 = tpu.vector_load %arg15[%swap3A_722, %swap3A_723] {strides = array<i32>} : memref<5x128xi32, #tpu.memory_space<vmem>>, vector<16xi32>,
    tpu.vector_store %arg15[%swap3A_722, %swap3A_723], %gather3A_720 {strides = array<i32>} : memref<5x128xi32, #tpu.memory_space<vmem>>, vector<16xi32>,
    %iota3A_725 = tpu.iota {dimensions = array<i32: 0>} : vector<16xi32>
    %add3A_726 = arith.constant 64 : i32
    %add3A_727 = vector.broadcast %add3A_726 : i32 to vector<16xi32>
    %add3A_728 = arith.addi %iota3A_725, %add3A_727 : vector<16xi32>
    %gather3A_729 = tpu.vector_load_idx %arg12[%add3A_728, %broadcast_in_dim3A_688] : memref<128x5xi32, #tpu.memory_space<vmem>>[vector<16xi32>, vector<16xi32>], vector<16xi32>,
    %swap3A_730 = arith.constant 4 : i32
    %swap3A_731 = arith.index_cast %swap3A_730 : i32 to index
    %swap3A_732 = arith.constant 64 : index
    %swap3A_733 = tpu.vector_load %arg15[%swap3A_731, %swap3A_732] {strides = array<i32>} : memref<5x128xi32, #tpu.memory_space<vmem>>, vector<16xi32>,
    tpu.vector_store %arg15[%swap3A_731, %swap3A_732], %gather3A_729 {strides = array<i32>} : memref<5x128xi32, #tpu.memory_space<vmem>>, vector<16xi32>,
    %iota3A_734 = tpu.iota {dimensions = array<i32: 0>} : vector<16xi32>
    %add3A_735 = arith.constant 80 : i32
    %add3A_736 = vector.broadcast %add3A_735 : i32 to vector<16xi32>
    %add3A_737 = arith.addi %iota3A_734, %add3A_736 : vector<16xi32>
    %gather3A_738 = tpu.vector_load_idx %arg12[%add3A_737, %broadcast_in_dim3A_688] : memref<128x5xi32, #tpu.memory_space<vmem>>[vector<16xi32>, vector<16xi32>], vector<16xi32>,
    %swap3A_739 = arith.constant 4 : i32
    %swap3A_740 = arith.index_cast %swap3A_739 : i32 to index
    %swap3A_741 = arith.constant 80 : index
    %swap3A_742 = tpu.vector_load %arg15[%swap3A_740, %swap3A_741] {strides = array<i32>} : memref<5x128xi32, #tpu.memory_space<vmem>>, vector<16xi32>,
    tpu.vector_store %arg15[%swap3A_740, %swap3A_741], %gather3A_738 {strides = array<i32>} : memref<5x128xi32, #tpu.memory_space<vmem>>, vector<16xi32>,
    %iota3A_743 = tpu.iota {dimensions = array<i32: 0>} : vector<16xi32>
    %add3A_744 = arith.constant 96 : i32
    %add3A_745 = vector.broadcast %add3A_744 : i32 to vector<16xi32>
    %add3A_746 = arith.addi %iota3A_743, %add3A_745 : vector<16xi32>
    %gather3A_747 = tpu.vector_load_idx %arg12[%add3A_746, %broadcast_in_dim3A_688] : memref<128x5xi32, #tpu.memory_space<vmem>>[vector<16xi32>, vector<16xi32>], vector<16xi32>,
    %swap3A_748 = arith.constant 4 : i32
    %swap3A_749 = arith.index_cast %swap3A_748 : i32 to index
    %swap3A_750 = arith.constant 96 : index
    %swap3A_751 = tpu.vector_load %arg15[%swap3A_749, %swap3A_750] {strides = array<i32>} : memref<5x128xi32, #tpu.memory_space<vmem>>, vector<16xi32>,
    tpu.vector_store %arg15[%swap3A_749, %swap3A_750], %gather3A_747 {strides = array<i32>} : memref<5x128xi32, #tpu.memory_space<vmem>>, vector<16xi32>,
    %iota3A_752 = tpu.iota {dimensions = array<i32: 0>} : vector<16xi32>
    %add3A_753 = arith.constant 112 : i32
    %add3A_754 = vector.broadcast %add3A_753 : i32 to vector<16xi32>
    %add3A_755 = arith.addi %iota3A_752, %add3A_754 : vector<16xi32>
    %gather3A_756 = tpu.vector_load_idx %arg12[%add3A_755, %broadcast_in_dim3A_688] : memref<128x5xi32, #tpu.memory_space<vmem>>[vector<16xi32>, vector<16xi32>], vector<16xi32>,
    %swap3A_757 = arith.constant 4 : i32
    %swap3A_758 = arith.index_cast %swap3A_757 : i32 to index
    %swap3A_759 = arith.constant 112 : index
    %swap3A_760 = tpu.vector_load %arg15[%swap3A_758, %swap3A_759] {strides = array<i32>} : memref<5x128xi32, #tpu.memory_space<vmem>>, vector<16xi32>,
    tpu.vector_store %arg15[%swap3A_758, %swap3A_759], %gather3A_756 {strides = array<i32>} : memref<5x128xi32, #tpu.memory_space<vmem>>, vector<16xi32>,
    %broadcast_in_dim3A_761 = arith.constant 0 : i32
    %broadcast_in_dim3A_762 = vector.broadcast %broadcast_in_dim3A_761 : i32 to vector<16xi32>
    %iota3A_763 = tpu.iota {dimensions = array<i32: 0>} : vector<16xi32>
    %add3A_764 = arith.constant 0 : i32
    %add3A_765 = vector.broadcast %add3A_764 : i32 to vector<16xi32>
    %add3A_766 = arith.addi %iota3A_763, %add3A_765 : vector<16xi32>
    %gather3A_767 = tpu.vector_load_idx %arg13[%add3A_766, %broadcast_in_dim3A_762] : memref<128x5xi32, #tpu.memory_space<vmem>>[vector<16xi32>, vector<16xi32>], vector<16xi32>,
    %swap3A_768 = arith.constant 0 : i32
    %swap3A_769 = arith.index_cast %swap3A_768 : i32 to index
    %swap3A_770 = arith.constant 0 : index
    %swap3A_771 = tpu.vector_load %arg16[%swap3A_769, %swap3A_770] {strides = array<i32>} : memref<5x128xi32, #tpu.memory_space<vmem>>, vector<16xi32>,
    tpu.vector_store %arg16[%swap3A_769, %swap3A_770], %gather3A_767 {strides = array<i32>} : memref<5x128xi32, #tpu.memory_space<vmem>>, vector<16xi32>,
    %iota3A_772 = tpu.iota {dimensions = array<i32: 0>} : vector<16xi32>
    %add3A_773 = arith.constant 16 : i32
    %add3A_774 = vector.broadcast %add3A_773 : i32 to vector<16xi32>
    %add3A_775 = arith.addi %iota3A_772, %add3A_774 : vector<16xi32>
    %gather3A_776 = tpu.vector_load_idx %arg13[%add3A_775, %broadcast_in_dim3A_762] : memref<128x5xi32, #tpu.memory_space<vmem>>[vector<16xi32>, vector<16xi32>], vector<16xi32>,
    %swap3A_777 = arith.constant 0 : i32
    %swap3A_778 = arith.index_cast %swap3A_777 : i32 to index
    %swap3A_779 = arith.constant 16 : index
    %swap3A_780 = tpu.vector_load %arg16[%swap3A_778, %swap3A_779] {strides = array<i32>} : memref<5x128xi32, #tpu.memory_space<vmem>>, vector<16xi32>,
    tpu.vector_store %arg16[%swap3A_778, %swap3A_779], %gather3A_776 {strides = array<i32>} : memref<5x128xi32, #tpu.memory_space<vmem>>, vector<16xi32>,
    %iota3A_781 = tpu.iota {dimensions = array<i32: 0>} : vector<16xi32>
    %add3A_782 = arith.constant 32 : i32
    %add3A_783 = vector.broadcast %add3A_782 : i32 to vector<16xi32>
    %add3A_784 = arith.addi %iota3A_781, %add3A_783 : vector<16xi32>
    %gather3A_785 = tpu.vector_load_idx %arg13[%add3A_784, %broadcast_in_dim3A_762] : memref<128x5xi32, #tpu.memory_space<vmem>>[vector<16xi32>, vector<16xi32>], vector<16xi32>,
    %swap3A_786 = arith.constant 0 : i32
    %swap3A_787 = arith.index_cast %swap3A_786 : i32 to index
    %swap3A_788 = arith.constant 32 : index
    %swap3A_789 = tpu.vector_load %arg16[%swap3A_787, %swap3A_788] {strides = array<i32>} : memref<5x128xi32, #tpu.memory_space<vmem>>, vector<16xi32>,
    tpu.vector_store %arg16[%swap3A_787, %swap3A_788], %gather3A_785 {strides = array<i32>} : memref<5x128xi32, #tpu.memory_space<vmem>>, vector<16xi32>,
    %iota3A_790 = tpu.iota {dimensions = array<i32: 0>} : vector<16xi32>
    %add3A_791 = arith.constant 48 : i32
    %add3A_792 = vector.broadcast %add3A_791 : i32 to vector<16xi32>
    %add3A_793 = arith.addi %iota3A_790, %add3A_792 : vector<16xi32>
    %gather3A_794 = tpu.vector_load_idx %arg13[%add3A_793, %broadcast_in_dim3A_762] : memref<128x5xi32, #tpu.memory_space<vmem>>[vector<16xi32>, vector<16xi32>], vector<16xi32>,
    %swap3A_795 = arith.constant 0 : i32
    %swap3A_796 = arith.index_cast %swap3A_795 : i32 to index
    %swap3A_797 = arith.constant 48 : index
    %swap3A_798 = tpu.vector_load %arg16[%swap3A_796, %swap3A_797] {strides = array<i32>} : memref<5x128xi32, #tpu.memory_space<vmem>>, vector<16xi32>,
    tpu.vector_store %arg16[%swap3A_796, %swap3A_797], %gather3A_794 {strides = array<i32>} : memref<5x128xi32, #tpu.memory_space<vmem>>, vector<16xi32>,
    %iota3A_799 = tpu.iota {dimensions = array<i32: 0>} : vector<16xi32>
    %add3A_800 = arith.constant 64 : i32
    %add3A_801 = vector.broadcast %add3A_800 : i32 to vector<16xi32>
    %add3A_802 = arith.addi %iota3A_799, %add3A_801 : vector<16xi32>
    %gather3A_803 = tpu.vector_load_idx %arg13[%add3A_802, %broadcast_in_dim3A_762] : memref<128x5xi32, #tpu.memory_space<vmem>>[vector<16xi32>, vector<16xi32>], vector<16xi32>,
    %swap3A_804 = arith.constant 0 : i32
    %swap3A_805 = arith.index_cast %swap3A_804 : i32 to index
    %swap3A_806 = arith.constant 64 : index
    %swap3A_807 = tpu.vector_load %arg16[%swap3A_805, %swap3A_806] {strides = array<i32>} : memref<5x128xi32, #tpu.memory_space<vmem>>, vector<16xi32>,
    tpu.vector_store %arg16[%swap3A_805, %swap3A_806], %gather3A_803 {strides = array<i32>} : memref<5x128xi32, #tpu.memory_space<vmem>>, vector<16xi32>,
    %iota3A_808 = tpu.iota {dimensions = array<i32: 0>} : vector<16xi32>
    %add3A_809 = arith.constant 80 : i32
    %add3A_810 = vector.broadcast %add3A_809 : i32 to vector<16xi32>
    %add3A_811 = arith.addi %iota3A_808, %add3A_810 : vector<16xi32>
    %gather3A_812 = tpu.vector_load_idx %arg13[%add3A_811, %broadcast_in_dim3A_762] : memref<128x5xi32, #tpu.memory_space<vmem>>[vector<16xi32>, vector<16xi32>], vector<16xi32>,
    %swap3A_813 = arith.constant 0 : i32
    %swap3A_814 = arith.index_cast %swap3A_813 : i32 to index
    %swap3A_815 = arith.constant 80 : index
    %swap3A_816 = tpu.vector_load %arg16[%swap3A_814, %swap3A_815] {strides = array<i32>} : memref<5x128xi32, #tpu.memory_space<vmem>>, vector<16xi32>,
    tpu.vector_store %arg16[%swap3A_814, %swap3A_815], %gather3A_812 {strides = array<i32>} : memref<5x128xi32, #tpu.memory_space<vmem>>, vector<16xi32>,
    %iota3A_817 = tpu.iota {dimensions = array<i32: 0>} : vector<16xi32>
    %add3A_818 = arith.constant 96 : i32
    %add3A_819 = vector.broadcast %add3A_818 : i32 to vector<16xi32>
    %add3A_820 = arith.addi %iota3A_817, %add3A_819 : vector<16xi32>
    %gather3A_821 = tpu.vector_load_idx %arg13[%add3A_820, %broadcast_in_dim3A_762] : memref<128x5xi32, #tpu.memory_space<vmem>>[vector<16xi32>, vector<16xi32>], vector<16xi32>,
    %swap3A_822 = arith.constant 0 : i32
    %swap3A_823 = arith.index_cast %swap3A_822 : i32 to index
    %swap3A_824 = arith.constant 96 : index
    %swap3A_825 = tpu.vector_load %arg16[%swap3A_823, %swap3A_824] {strides = array<i32>} : memref<5x128xi32, #tpu.memory_space<vmem>>, vector<16xi32>,
    tpu.vector_store %arg16[%swap3A_823, %swap3A_824], %gather3A_821 {strides = array<i32>} : memref<5x128xi32, #tpu.memory_space<vmem>>, vector<16xi32>,
    %iota3A_826 = tpu.iota {dimensions = array<i32: 0>} : vector<16xi32>
    %add3A_827 = arith.constant 112 : i32
    %add3A_828 = vector.broadcast %add3A_827 : i32 to vector<16xi32>
    %add3A_829 = arith.addi %iota3A_826, %add3A_828 : vector<16xi32>
    %gather3A_830 = tpu.vector_load_idx %arg13[%add3A_829, %broadcast_in_dim3A_762] : memref<128x5xi32, #tpu.memory_space<vmem>>[vector<16xi32>, vector<16xi32>], vector<16xi32>,
    %swap3A_831 = arith.constant 0 : i32
    %swap3A_832 = arith.index_cast %swap3A_831 : i32 to index
    %swap3A_833 = arith.constant 112 : index
    %swap3A_834 = tpu.vector_load %arg16[%swap3A_832, %swap3A_833] {strides = array<i32>} : memref<5x128xi32, #tpu.memory_space<vmem>>, vector<16xi32>,
    tpu.vector_store %arg16[%swap3A_832, %swap3A_833], %gather3A_830 {strides = array<i32>} : memref<5x128xi32, #tpu.memory_space<vmem>>, vector<16xi32>,
    %broadcast_in_dim3A_835 = arith.constant 1 : i32
    %broadcast_in_dim3A_836 = vector.broadcast %broadcast_in_dim3A_835 : i32 to vector<16xi32>
    %iota3A_837 = tpu.iota {dimensions = array<i32: 0>} : vector<16xi32>
    %add3A_838 = arith.constant 0 : i32
    %add3A_839 = vector.broadcast %add3A_838 : i32 to vector<16xi32>
    %add3A_840 = arith.addi %iota3A_837, %add3A_839 : vector<16xi32>
    %gather3A_841 = tpu.vector_load_idx %arg13[%add3A_840, %broadcast_in_dim3A_836] : memref<128x5xi32, #tpu.memory_space<vmem>>[vector<16xi32>, vector<16xi32>], vector<16xi32>,
    %swap3A_842 = arith.constant 1 : i32
    %swap3A_843 = arith.index_cast %swap3A_842 : i32 to index
    %swap3A_844 = arith.constant 0 : index
    %swap3A_845 = tpu.vector_load %arg16[%swap3A_843, %swap3A_844] {strides = array<i32>} : memref<5x128xi32, #tpu.memory_space<vmem>>, vector<16xi32>,
    tpu.vector_store %arg16[%swap3A_843, %swap3A_844], %gather3A_841 {strides = array<i32>} : memref<5x128xi32, #tpu.memory_space<vmem>>, vector<16xi32>,
    %iota3A_846 = tpu.iota {dimensions = array<i32: 0>} : vector<16xi32>
    %add3A_847 = arith.constant 16 : i32
    %add3A_848 = vector.broadcast %add3A_847 : i32 to vector<16xi32>
    %add3A_849 = arith.addi %iota3A_846, %add3A_848 : vector<16xi32>
    %gather3A_850 = tpu.vector_load_idx %arg13[%add3A_849, %broadcast_in_dim3A_836] : memref<128x5xi32, #tpu.memory_space<vmem>>[vector<16xi32>, vector<16xi32>], vector<16xi32>,
    %swap3A_851 = arith.constant 1 : i32
    %swap3A_852 = arith.index_cast %swap3A_851 : i32 to index
    %swap3A_853 = arith.constant 16 : index
    %swap3A_854 = tpu.vector_load %arg16[%swap3A_852, %swap3A_853] {strides = array<i32>} : memref<5x128xi32, #tpu.memory_space<vmem>>, vector<16xi32>,
    tpu.vector_store %arg16[%swap3A_852, %swap3A_853], %gather3A_850 {strides = array<i32>} : memref<5x128xi32, #tpu.memory_space<vmem>>, vector<16xi32>,
    %iota3A_855 = tpu.iota {dimensions = array<i32: 0>} : vector<16xi32>
    %add3A_856 = arith.constant 32 : i32
    %add3A_857 = vector.broadcast %add3A_856 : i32 to vector<16xi32>
    %add3A_858 = arith.addi %iota3A_855, %add3A_857 : vector<16xi32>
    %gather3A_859 = tpu.vector_load_idx %arg13[%add3A_858, %broadcast_in_dim3A_836] : memref<128x5xi32, #tpu.memory_space<vmem>>[vector<16xi32>, vector<16xi32>], vector<16xi32>,
    %swap3A_860 = arith.constant 1 : i32
    %swap3A_861 = arith.index_cast %swap3A_860 : i32 to index
    %swap3A_862 = arith.constant 32 : index
    %swap3A_863 = tpu.vector_load %arg16[%swap3A_861, %swap3A_862] {strides = array<i32>} : memref<5x128xi32, #tpu.memory_space<vmem>>, vector<16xi32>,
    tpu.vector_store %arg16[%swap3A_861, %swap3A_862], %gather3A_859 {strides = array<i32>} : memref<5x128xi32, #tpu.memory_space<vmem>>, vector<16xi32>,
    %iota3A_864 = tpu.iota {dimensions = array<i32: 0>} : vector<16xi32>
    %add3A_865 = arith.constant 48 : i32
    %add3A_866 = vector.broadcast %add3A_865 : i32 to vector<16xi32>
    %add3A_867 = arith.addi %iota3A_864, %add3A_866 : vector<16xi32>
    %gather3A_868 = tpu.vector_load_idx %arg13[%add3A_867, %broadcast_in_dim3A_836] : memref<128x5xi32, #tpu.memory_space<vmem>>[vector<16xi32>, vector<16xi32>], vector<16xi32>,
    %swap3A_869 = arith.constant 1 : i32
    %swap3A_870 = arith.index_cast %swap3A_869 : i32 to index
    %swap3A_871 = arith.constant 48 : index
    %swap3A_872 = tpu.vector_load %arg16[%swap3A_870, %swap3A_871] {strides = array<i32>} : memref<5x128xi32, #tpu.memory_space<vmem>>, vector<16xi32>,
    tpu.vector_store %arg16[%swap3A_870, %swap3A_871], %gather3A_868 {strides = array<i32>} : memref<5x128xi32, #tpu.memory_space<vmem>>, vector<16xi32>,
    %iota3A_873 = tpu.iota {dimensions = array<i32: 0>} : vector<16xi32>
    %add3A_874 = arith.constant 64 : i32
    %add3A_875 = vector.broadcast %add3A_874 : i32 to vector<16xi32>
    %add3A_876 = arith.addi %iota3A_873, %add3A_875 : vector<16xi32>
    %gather3A_877 = tpu.vector_load_idx %arg13[%add3A_876, %broadcast_in_dim3A_836] : memref<128x5xi32, #tpu.memory_space<vmem>>[vector<16xi32>, vector<16xi32>], vector<16xi32>,
    %swap3A_878 = arith.constant 1 : i32
    %swap3A_879 = arith.index_cast %swap3A_878 : i32 to index
    %swap3A_880 = arith.constant 64 : index
    %swap3A_881 = tpu.vector_load %arg16[%swap3A_879, %swap3A_880] {strides = array<i32>} : memref<5x128xi32, #tpu.memory_space<vmem>>, vector<16xi32>,
    tpu.vector_store %arg16[%swap3A_879, %swap3A_880], %gather3A_877 {strides = array<i32>} : memref<5x128xi32, #tpu.memory_space<vmem>>, vector<16xi32>,
    %iota3A_882 = tpu.iota {dimensions = array<i32: 0>} : vector<16xi32>
    %add3A_883 = arith.constant 80 : i32
    %add3A_884 = vector.broadcast %add3A_883 : i32 to vector<16xi32>
    %add3A_885 = arith.addi %iota3A_882, %add3A_884 : vector<16xi32>
    %gather3A_886 = tpu.vector_load_idx %arg13[%add3A_885, %broadcast_in_dim3A_836] : memref<128x5xi32, #tpu.memory_space<vmem>>[vector<16xi32>, vector<16xi32>], vector<16xi32>,
    %swap3A_887 = arith.constant 1 : i32
    %swap3A_888 = arith.index_cast %swap3A_887 : i32 to index
    %swap3A_889 = arith.constant 80 : index
    %swap3A_890 = tpu.vector_load %arg16[%swap3A_888, %swap3A_889] {strides = array<i32>} : memref<5x128xi32, #tpu.memory_space<vmem>>, vector<16xi32>,
    tpu.vector_store %arg16[%swap3A_888, %swap3A_889], %gather3A_886 {strides = array<i32>} : memref<5x128xi32, #tpu.memory_space<vmem>>, vector<16xi32>,
    %iota3A_891 = tpu.iota {dimensions = array<i32: 0>} : vector<16xi32>
    %add3A_892 = arith.constant 96 : i32
    %add3A_893 = vector.broadcast %add3A_892 : i32 to vector<16xi32>
    %add3A_894 = arith.addi %iota3A_891, %add3A_893 : vector<16xi32>
    %gather3A_895 = tpu.vector_load_idx %arg13[%add3A_894, %broadcast_in_dim3A_836] : memref<128x5xi32, #tpu.memory_space<vmem>>[vector<16xi32>, vector<16xi32>], vector<16xi32>,
    %swap3A_896 = arith.constant 1 : i32
    %swap3A_897 = arith.index_cast %swap3A_896 : i32 to index
    %swap3A_898 = arith.constant 96 : index
    %swap3A_899 = tpu.vector_load %arg16[%swap3A_897, %swap3A_898] {strides = array<i32>} : memref<5x128xi32, #tpu.memory_space<vmem>>, vector<16xi32>,
    tpu.vector_store %arg16[%swap3A_897, %swap3A_898], %gather3A_895 {strides = array<i32>} : memref<5x128xi32, #tpu.memory_space<vmem>>, vector<16xi32>,
    %iota3A_900 = tpu.iota {dimensions = array<i32: 0>} : vector<16xi32>
    %add3A_901 = arith.constant 112 : i32
    %add3A_902 = vector.broadcast %add3A_901 : i32 to vector<16xi32>
    %add3A_903 = arith.addi %iota3A_900, %add3A_902 : vector<16xi32>
    %gather3A_904 = tpu.vector_load_idx %arg13[%add3A_903, %broadcast_in_dim3A_836] : memref<128x5xi32, #tpu.memory_space<vmem>>[vector<16xi32>, vector<16xi32>], vector<16xi32>,
    %swap3A_905 = arith.constant 1 : i32
    %swap3A_906 = arith.index_cast %swap3A_905 : i32 to index
    %swap3A_907 = arith.constant 112 : index
    %swap3A_908 = tpu.vector_load %arg16[%swap3A_906, %swap3A_907] {strides = array<i32>} : memref<5x128xi32, #tpu.memory_space<vmem>>, vector<16xi32>,
    tpu.vector_store %arg16[%swap3A_906, %swap3A_907], %gather3A_904 {strides = array<i32>} : memref<5x128xi32, #tpu.memory_space<vmem>>, vector<16xi32>,
    %broadcast_in_dim3A_909 = arith.constant 2 : i32
    %broadcast_in_dim3A_910 = vector.broadcast %broadcast_in_dim3A_909 : i32 to vector<16xi32>
    %iota3A_911 = tpu.iota {dimensions = array<i32: 0>} : vector<16xi32>
    %add3A_912 = arith.constant 0 : i32
    %add3A_913 = vector.broadcast %add3A_912 : i32 to vector<16xi32>
    %add3A_914 = arith.addi %iota3A_911, %add3A_913 : vector<16xi32>
    %gather3A_915 = tpu.vector_load_idx %arg13[%add3A_914, %broadcast_in_dim3A_910] : memref<128x5xi32, #tpu.memory_space<vmem>>[vector<16xi32>, vector<16xi32>], vector<16xi32>,
    %swap3A_916 = arith.constant 2 : i32
    %swap3A_917 = arith.index_cast %swap3A_916 : i32 to index
    %swap3A_918 = arith.constant 0 : index
    %swap3A_919 = tpu.vector_load %arg16[%swap3A_917, %swap3A_918] {strides = array<i32>} : memref<5x128xi32, #tpu.memory_space<vmem>>, vector<16xi32>,
    tpu.vector_store %arg16[%swap3A_917, %swap3A_918], %gather3A_915 {strides = array<i32>} : memref<5x128xi32, #tpu.memory_space<vmem>>, vector<16xi32>,
    %iota3A_920 = tpu.iota {dimensions = array<i32: 0>} : vector<16xi32>
    %add3A_921 = arith.constant 16 : i32
    %add3A_922 = vector.broadcast %add3A_921 : i32 to vector<16xi32>
    %add3A_923 = arith.addi %iota3A_920, %add3A_922 : vector<16xi32>
    %gather3A_924 = tpu.vector_load_idx %arg13[%add3A_923, %broadcast_in_dim3A_910] : memref<128x5xi32, #tpu.memory_space<vmem>>[vector<16xi32>, vector<16xi32>], vector<16xi32>,
    %swap3A_925 = arith.constant 2 : i32
    %swap3A_926 = arith.index_cast %swap3A_925 : i32 to index
    %swap3A_927 = arith.constant 16 : index
    %swap3A_928 = tpu.vector_load %arg16[%swap3A_926, %swap3A_927] {strides = array<i32>} : memref<5x128xi32, #tpu.memory_space<vmem>>, vector<16xi32>,
    tpu.vector_store %arg16[%swap3A_926, %swap3A_927], %gather3A_924 {strides = array<i32>} : memref<5x128xi32, #tpu.memory_space<vmem>>, vector<16xi32>,
    %iota3A_929 = tpu.iota {dimensions = array<i32: 0>} : vector<16xi32>
    %add3A_930 = arith.constant 32 : i32
    %add3A_931 = vector.broadcast %add3A_930 : i32 to vector<16xi32>
    %add3A_932 = arith.addi %iota3A_929, %add3A_931 : vector<16xi32>
    %gather3A_933 = tpu.vector_load_idx %arg13[%add3A_932, %broadcast_in_dim3A_910] : memref<128x5xi32, #tpu.memory_space<vmem>>[vector<16xi32>, vector<16xi32>], vector<16xi32>,
    %swap3A_934 = arith.constant 2 : i32
    %swap3A_935 = arith.index_cast %swap3A_934 : i32 to index
    %swap3A_936 = arith.constant 32 : index
    %swap3A_937 = tpu.vector_load %arg16[%swap3A_935, %swap3A_936] {strides = array<i32>} : memref<5x128xi32, #tpu.memory_space<vmem>>, vector<16xi32>,
    tpu.vector_store %arg16[%swap3A_935, %swap3A_936], %gather3A_933 {strides = array<i32>} : memref<5x128xi32, #tpu.memory_space<vmem>>, vector<16xi32>,
    %iota3A_938 = tpu.iota {dimensions = array<i32: 0>} : vector<16xi32>
    %add3A_939 = arith.constant 48 : i32
    %add3A_940 = vector.broadcast %add3A_939 : i32 to vector<16xi32>
    %add3A_941 = arith.addi %iota3A_938, %add3A_940 : vector<16xi32>
    %gather3A_942 = tpu.vector_load_idx %arg13[%add3A_941, %broadcast_in_dim3A_910] : memref<128x5xi32, #tpu.memory_space<vmem>>[vector<16xi32>, vector<16xi32>], vector<16xi32>,
    %swap3A_943 = arith.constant 2 : i32
    %swap3A_944 = arith.index_cast %swap3A_943 : i32 to index
    %swap3A_945 = arith.constant 48 : index
    %swap3A_946 = tpu.vector_load %arg16[%swap3A_944, %swap3A_945] {strides = array<i32>} : memref<5x128xi32, #tpu.memory_space<vmem>>, vector<16xi32>,
    tpu.vector_store %arg16[%swap3A_944, %swap3A_945], %gather3A_942 {strides = array<i32>} : memref<5x128xi32, #tpu.memory_space<vmem>>, vector<16xi32>,
    %iota3A_947 = tpu.iota {dimensions = array<i32: 0>} : vector<16xi32>
    %add3A_948 = arith.constant 64 : i32
    %add3A_949 = vector.broadcast %add3A_948 : i32 to vector<16xi32>
    %add3A_950 = arith.addi %iota3A_947, %add3A_949 : vector<16xi32>
    %gather3A_951 = tpu.vector_load_idx %arg13[%add3A_950, %broadcast_in_dim3A_910] : memref<128x5xi32, #tpu.memory_space<vmem>>[vector<16xi32>, vector<16xi32>], vector<16xi32>,
    %swap3A_952 = arith.constant 2 : i32
    %swap3A_953 = arith.index_cast %swap3A_952 : i32 to index
    %swap3A_954 = arith.constant 64 : index
    %swap3A_955 = tpu.vector_load %arg16[%swap3A_953, %swap3A_954] {strides = array<i32>} : memref<5x128xi32, #tpu.memory_space<vmem>>, vector<16xi32>,
    tpu.vector_store %arg16[%swap3A_953, %swap3A_954], %gather3A_951 {strides = array<i32>} : memref<5x128xi32, #tpu.memory_space<vmem>>, vector<16xi32>,
    %iota3A_956 = tpu.iota {dimensions = array<i32: 0>} : vector<16xi32>
    %add3A_957 = arith.constant 80 : i32
    %add3A_958 = vector.broadcast %add3A_957 : i32 to vector<16xi32>
    %add3A_959 = arith.addi %iota3A_956, %add3A_958 : vector<16xi32>
    %gather3A_960 = tpu.vector_load_idx %arg13[%add3A_959, %broadcast_in_dim3A_910] : memref<128x5xi32, #tpu.memory_space<vmem>>[vector<16xi32>, vector<16xi32>], vector<16xi32>,
    %swap3A_961 = arith.constant 2 : i32
    %swap3A_962 = arith.index_cast %swap3A_961 : i32 to index
    %swap3A_963 = arith.constant 80 : index
    %swap3A_964 = tpu.vector_load %arg16[%swap3A_962, %swap3A_963] {strides = array<i32>} : memref<5x128xi32, #tpu.memory_space<vmem>>, vector<16xi32>,
    tpu.vector_store %arg16[%swap3A_962, %swap3A_963], %gather3A_960 {strides = array<i32>} : memref<5x128xi32, #tpu.memory_space<vmem>>, vector<16xi32>,
    %iota3A_965 = tpu.iota {dimensions = array<i32: 0>} : vector<16xi32>
    %add3A_966 = arith.constant 96 : i32
    %add3A_967 = vector.broadcast %add3A_966 : i32 to vector<16xi32>
    %add3A_968 = arith.addi %iota3A_965, %add3A_967 : vector<16xi32>
    %gather3A_969 = tpu.vector_load_idx %arg13[%add3A_968, %broadcast_in_dim3A_910] : memref<128x5xi32, #tpu.memory_space<vmem>>[vector<16xi32>, vector<16xi32>], vector<16xi32>,
    %swap3A_970 = arith.constant 2 : i32
    %swap3A_971 = arith.index_cast %swap3A_970 : i32 to index
    %swap3A_972 = arith.constant 96 : index
    %swap3A_973 = tpu.vector_load %arg16[%swap3A_971, %swap3A_972] {strides = array<i32>} : memref<5x128xi32, #tpu.memory_space<vmem>>, vector<16xi32>,
    tpu.vector_store %arg16[%swap3A_971, %swap3A_972], %gather3A_969 {strides = array<i32>} : memref<5x128xi32, #tpu.memory_space<vmem>>, vector<16xi32>,
    %iota3A_974 = tpu.iota {dimensions = array<i32: 0>} : vector<16xi32>
    %add3A_975 = arith.constant 112 : i32
    %add3A_976 = vector.broadcast %add3A_975 : i32 to vector<16xi32>
    %add3A_977 = arith.addi %iota3A_974, %add3A_976 : vector<16xi32>
    %gather3A_978 = tpu.vector_load_idx %arg13[%add3A_977, %broadcast_in_dim3A_910] : memref<128x5xi32, #tpu.memory_space<vmem>>[vector<16xi32>, vector<16xi32>], vector<16xi32>,
    %swap3A_979 = arith.constant 2 : i32
    %swap3A_980 = arith.index_cast %swap3A_979 : i32 to index
    %swap3A_981 = arith.constant 112 : index
    %swap3A_982 = tpu.vector_load %arg16[%swap3A_980, %swap3A_981] {strides = array<i32>} : memref<5x128xi32, #tpu.memory_space<vmem>>, vector<16xi32>,
    tpu.vector_store %arg16[%swap3A_980, %swap3A_981], %gather3A_978 {strides = array<i32>} : memref<5x128xi32, #tpu.memory_space<vmem>>, vector<16xi32>,
    %broadcast_in_dim3A_983 = arith.constant 3 : i32
    %broadcast_in_dim3A_984 = vector.broadcast %broadcast_in_dim3A_983 : i32 to vector<16xi32>
    %iota3A_985 = tpu.iota {dimensions = array<i32: 0>} : vector<16xi32>
    %add3A_986 = arith.constant 0 : i32
    %add3A_987 = vector.broadcast %add3A_986 : i32 to vector<16xi32>
    %add3A_988 = arith.addi %iota3A_985, %add3A_987 : vector<16xi32>
    %gather3A_989 = tpu.vector_load_idx %arg13[%add3A_988, %broadcast_in_dim3A_984] : memref<128x5xi32, #tpu.memory_space<vmem>>[vector<16xi32>, vector<16xi32>], vector<16xi32>,
    %swap3A_990 = arith.constant 3 : i32
    %swap3A_991 = arith.index_cast %swap3A_990 : i32 to index
    %swap3A_992 = arith.constant 0 : index
    %swap3A_993 = tpu.vector_load %arg16[%swap3A_991, %swap3A_992] {strides = array<i32>} : memref<5x128xi32, #tpu.memory_space<vmem>>, vector<16xi32>,
    tpu.vector_store %arg16[%swap3A_991, %swap3A_992], %gather3A_989 {strides = array<i32>} : memref<5x128xi32, #tpu.memory_space<vmem>>, vector<16xi32>,
    %iota3A_994 = tpu.iota {dimensions = array<i32: 0>} : vector<16xi32>
    %add3A_995 = arith.constant 16 : i32
    %add3A_996 = vector.broadcast %add3A_995 : i32 to vector<16xi32>
    %add3A_997 = arith.addi %iota3A_994, %add3A_996 : vector<16xi32>
    %gather3A_998 = tpu.vector_load_idx %arg13[%add3A_997, %broadcast_in_dim3A_984] : memref<128x5xi32, #tpu.memory_space<vmem>>[vector<16xi32>, vector<16xi32>], vector<16xi32>,
    %swap3A_999 = arith.constant 3 : i32
    %swap3A_1000 = arith.index_cast %swap3A_999 : i32 to index
    %swap3A_1001 = arith.constant 16 : index
    %swap3A_1002 = tpu.vector_load %arg16[%swap3A_1000, %swap3A_1001] {strides = array<i32>} : memref<5x128xi32, #tpu.memory_space<vmem>>, vector<16xi32>,
    tpu.vector_store %arg16[%swap3A_1000, %swap3A_1001], %gather3A_998 {strides = array<i32>} : memref<5x128xi32, #tpu.memory_space<vmem>>, vector<16xi32>,
    %iota3A_1003 = tpu.iota {dimensions = array<i32: 0>} : vector<16xi32>
    %add3A_1004 = arith.constant 32 : i32
    %add3A_1005 = vector.broadcast %add3A_1004 : i32 to vector<16xi32>
    %add3A_1006 = arith.addi %iota3A_1003, %add3A_1005 : vector<16xi32>
    %gather3A_1007 = tpu.vector_load_idx %arg13[%add3A_1006, %broadcast_in_dim3A_984] : memref<128x5xi32, #tpu.memory_space<vmem>>[vector<16xi32>, vector<16xi32>], vector<16xi32>,
    %swap3A_1008 = arith.constant 3 : i32
    %swap3A_1009 = arith.index_cast %swap3A_1008 : i32 to index
    %swap3A_1010 = arith.constant 32 : index
    %swap3A_1011 = tpu.vector_load %arg16[%swap3A_1009, %swap3A_1010] {strides = array<i32>} : memref<5x128xi32, #tpu.memory_space<vmem>>, vector<16xi32>,
    tpu.vector_store %arg16[%swap3A_1009, %swap3A_1010], %gather3A_1007 {strides = array<i32>} : memref<5x128xi32, #tpu.memory_space<vmem>>, vector<16xi32>,
    %iota3A_1012 = tpu.iota {dimensions = array<i32: 0>} : vector<16xi32>
    %add3A_1013 = arith.constant 48 : i32
    %add3A_1014 = vector.broadcast %add3A_1013 : i32 to vector<16xi32>
    %add3A_1015 = arith.addi %iota3A_1012, %add3A_1014 : vector<16xi32>
    %gather3A_1016 = tpu.vector_load_idx %arg13[%add3A_1015, %broadcast_in_dim3A_984] : memref<128x5xi32, #tpu.memory_space<vmem>>[vector<16xi32>, vector<16xi32>], vector<16xi32>,
    %swap3A_1017 = arith.constant 3 : i32
    %swap3A_1018 = arith.index_cast %swap3A_1017 : i32 to index
    %swap3A_1019 = arith.constant 48 : index
    %swap3A_1020 = tpu.vector_load %arg16[%swap3A_1018, %swap3A_1019] {strides = array<i32>} : memref<5x128xi32, #tpu.memory_space<vmem>>, vector<16xi32>,
    tpu.vector_store %arg16[%swap3A_1018, %swap3A_1019], %gather3A_1016 {strides = array<i32>} : memref<5x128xi32, #tpu.memory_space<vmem>>, vector<16xi32>,
    %iota3A_1021 = tpu.iota {dimensions = array<i32: 0>} : vector<16xi32>
    %add3A_1022 = arith.constant 64 : i32
    %add3A_1023 = vector.broadcast %add3A_1022 : i32 to vector<16xi32>
    %add3A_1024 = arith.addi %iota3A_1021, %add3A_1023 : vector<16xi32>
    %gather3A_1025 = tpu.vector_load_idx %arg13[%add3A_1024, %broadcast_in_dim3A_984] : memref<128x5xi32, #tpu.memory_space<vmem>>[vector<16xi32>, vector<16xi32>], vector<16xi32>,
    %swap3A_1026 = arith.constant 3 : i32
    %swap3A_1027 = arith.index_cast %swap3A_1026 : i32 to index
    %swap3A_1028 = arith.constant 64 : index
    %swap3A_1029 = tpu.vector_load %arg16[%swap3A_1027, %swap3A_1028] {strides = array<i32>} : memref<5x128xi32, #tpu.memory_space<vmem>>, vector<16xi32>,
    tpu.vector_store %arg16[%swap3A_1027, %swap3A_1028], %gather3A_1025 {strides = array<i32>} : memref<5x128xi32, #tpu.memory_space<vmem>>, vector<16xi32>,
    %iota3A_1030 = tpu.iota {dimensions = array<i32: 0>} : vector<16xi32>
    %add3A_1031 = arith.constant 80 : i32
    %add3A_1032 = vector.broadcast %add3A_1031 : i32 to vector<16xi32>
    %add3A_1033 = arith.addi %iota3A_1030, %add3A_1032 : vector<16xi32>
    %gather3A_1034 = tpu.vector_load_idx %arg13[%add3A_1033, %broadcast_in_dim3A_984] : memref<128x5xi32, #tpu.memory_space<vmem>>[vector<16xi32>, vector<16xi32>], vector<16xi32>,
    %swap3A_1035 = arith.constant 3 : i32
    %swap3A_1036 = arith.index_cast %swap3A_1035 : i32 to index
    %swap3A_1037 = arith.constant 80 : index
    %swap3A_1038 = tpu.vector_load %arg16[%swap3A_1036, %swap3A_1037] {strides = array<i32>} : memref<5x128xi32, #tpu.memory_space<vmem>>, vector<16xi32>,
    tpu.vector_store %arg16[%swap3A_1036, %swap3A_1037], %gather3A_1034 {strides = array<i32>} : memref<5x128xi32, #tpu.memory_space<vmem>>, vector<16xi32>,
    %iota3A_1039 = tpu.iota {dimensions = array<i32: 0>} : vector<16xi32>
    %add3A_1040 = arith.constant 96 : i32
    %add3A_1041 = vector.broadcast %add3A_1040 : i32 to vector<16xi32>
    %add3A_1042 = arith.addi %iota3A_1039, %add3A_1041 : vector<16xi32>
    %gather3A_1043 = tpu.vector_load_idx %arg13[%add3A_1042, %broadcast_in_dim3A_984] : memref<128x5xi32, #tpu.memory_space<vmem>>[vector<16xi32>, vector<16xi32>], vector<16xi32>,
    %swap3A_1044 = arith.constant 3 : i32
    %swap3A_1045 = arith.index_cast %swap3A_1044 : i32 to index
    %swap3A_1046 = arith.constant 96 : index
    %swap3A_1047 = tpu.vector_load %arg16[%swap3A_1045, %swap3A_1046] {strides = array<i32>} : memref<5x128xi32, #tpu.memory_space<vmem>>, vector<16xi32>,
    tpu.vector_store %arg16[%swap3A_1045, %swap3A_1046], %gather3A_1043 {strides = array<i32>} : memref<5x128xi32, #tpu.memory_space<vmem>>, vector<16xi32>,
    %iota3A_1048 = tpu.iota {dimensions = array<i32: 0>} : vector<16xi32>
    %add3A_1049 = arith.constant 112 : i32
    %add3A_1050 = vector.broadcast %add3A_1049 : i32 to vector<16xi32>
    %add3A_1051 = arith.addi %iota3A_1048, %add3A_1050 : vector<16xi32>
    %gather3A_1052 = tpu.vector_load_idx %arg13[%add3A_1051, %broadcast_in_dim3A_984] : memref<128x5xi32, #tpu.memory_space<vmem>>[vector<16xi32>, vector<16xi32>], vector<16xi32>,
    %swap3A_1053 = arith.constant 3 : i32
    %swap3A_1054 = arith.index_cast %swap3A_1053 : i32 to index
    %swap3A_1055 = arith.constant 112 : index
    %swap3A_1056 = tpu.vector_load %arg16[%swap3A_1054, %swap3A_1055] {strides = array<i32>} : memref<5x128xi32, #tpu.memory_space<vmem>>, vector<16xi32>,
    tpu.vector_store %arg16[%swap3A_1054, %swap3A_1055], %gather3A_1052 {strides = array<i32>} : memref<5x128xi32, #tpu.memory_space<vmem>>, vector<16xi32>,
    %broadcast_in_dim3A_1057 = arith.constant 4 : i32
    %broadcast_in_dim3A_1058 = vector.broadcast %broadcast_in_dim3A_1057 : i32 to vector<16xi32>
    %iota3A_1059 = tpu.iota {dimensions = array<i32: 0>} : vector<16xi32>
    %add3A_1060 = arith.constant 0 : i32
    %add3A_1061 = vector.broadcast %add3A_1060 : i32 to vector<16xi32>
    %add3A_1062 = arith.addi %iota3A_1059, %add3A_1061 : vector<16xi32>
    %gather3A_1063 = tpu.vector_load_idx %arg13[%add3A_1062, %broadcast_in_dim3A_1058] : memref<128x5xi32, #tpu.memory_space<vmem>>[vector<16xi32>, vector<16xi32>], vector<16xi32>,
    %swap3A_1064 = arith.constant 4 : i32
    %swap3A_1065 = arith.index_cast %swap3A_1064 : i32 to index
    %swap3A_1066 = arith.constant 0 : index
    %swap3A_1067 = tpu.vector_load %arg16[%swap3A_1065, %swap3A_1066] {strides = array<i32>} : memref<5x128xi32, #tpu.memory_space<vmem>>, vector<16xi32>,
    tpu.vector_store %arg16[%swap3A_1065, %swap3A_1066], %gather3A_1063 {strides = array<i32>} : memref<5x128xi32, #tpu.memory_space<vmem>>, vector<16xi32>,
    %iota3A_1068 = tpu.iota {dimensions = array<i32: 0>} : vector<16xi32>
    %add3A_1069 = arith.constant 16 : i32
    %add3A_1070 = vector.broadcast %add3A_1069 : i32 to vector<16xi32>
    %add3A_1071 = arith.addi %iota3A_1068, %add3A_1070 : vector<16xi32>
    %gather3A_1072 = tpu.vector_load_idx %arg13[%add3A_1071, %broadcast_in_dim3A_1058] : memref<128x5xi32, #tpu.memory_space<vmem>>[vector<16xi32>, vector<16xi32>], vector<16xi32>,
    %swap3A_1073 = arith.constant 4 : i32
    %swap3A_1074 = arith.index_cast %swap3A_1073 : i32 to index
    %swap3A_1075 = arith.constant 16 : index
    %swap3A_1076 = tpu.vector_load %arg16[%swap3A_1074, %swap3A_1075] {strides = array<i32>} : memref<5x128xi32, #tpu.memory_space<vmem>>, vector<16xi32>,
    tpu.vector_store %arg16[%swap3A_1074, %swap3A_1075], %gather3A_1072 {strides = array<i32>} : memref<5x128xi32, #tpu.memory_space<vmem>>, vector<16xi32>,
    %iota3A_1077 = tpu.iota {dimensions = array<i32: 0>} : vector<16xi32>
    %add3A_1078 = arith.constant 32 : i32
    %add3A_1079 = vector.broadcast %add3A_1078 : i32 to vector<16xi32>
    %add3A_1080 = arith.addi %iota3A_1077, %add3A_1079 : vector<16xi32>
    %gather3A_1081 = tpu.vector_load_idx %arg13[%add3A_1080, %broadcast_in_dim3A_1058] : memref<128x5xi32, #tpu.memory_space<vmem>>[vector<16xi32>, vector<16xi32>], vector<16xi32>,
    %swap3A_1082 = arith.constant 4 : i32
    %swap3A_1083 = arith.index_cast %swap3A_1082 : i32 to index
    %swap3A_1084 = arith.constant 32 : index
    %swap3A_1085 = tpu.vector_load %arg16[%swap3A_1083, %swap3A_1084] {strides = array<i32>} : memref<5x128xi32, #tpu.memory_space<vmem>>, vector<16xi32>,
    tpu.vector_store %arg16[%swap3A_1083, %swap3A_1084], %gather3A_1081 {strides = array<i32>} : memref<5x128xi32, #tpu.memory_space<vmem>>, vector<16xi32>,
    %iota3A_1086 = tpu.iota {dimensions = array<i32: 0>} : vector<16xi32>
    %add3A_1087 = arith.constant 48 : i32
    %add3A_1088 = vector.broadcast %add3A_1087 : i32 to vector<16xi32>
    %add3A_1089 = arith.addi %iota3A_1086, %add3A_1088 : vector<16xi32>
    %gather3A_1090 = tpu.vector_load_idx %arg13[%add3A_1089, %broadcast_in_dim3A_1058] : memref<128x5xi32, #tpu.memory_space<vmem>>[vector<16xi32>, vector<16xi32>], vector<16xi32>,
    %swap3A_1091 = arith.constant 4 : i32
    %swap3A_1092 = arith.index_cast %swap3A_1091 : i32 to index
    %swap3A_1093 = arith.constant 48 : index
    %swap3A_1094 = tpu.vector_load %arg16[%swap3A_1092, %swap3A_1093] {strides = array<i32>} : memref<5x128xi32, #tpu.memory_space<vmem>>, vector<16xi32>,
    tpu.vector_store %arg16[%swap3A_1092, %swap3A_1093], %gather3A_1090 {strides = array<i32>} : memref<5x128xi32, #tpu.memory_space<vmem>>, vector<16xi32>,
    %iota3A_1095 = tpu.iota {dimensions = array<i32: 0>} : vector<16xi32>
    %add3A_1096 = arith.constant 64 : i32
    %add3A_1097 = vector.broadcast %add3A_1096 : i32 to vector<16xi32>
    %add3A_1098 = arith.addi %iota3A_1095, %add3A_1097 : vector<16xi32>
    %gather3A_1099 = tpu.vector_load_idx %arg13[%add3A_1098, %broadcast_in_dim3A_1058] : memref<128x5xi32, #tpu.memory_space<vmem>>[vector<16xi32>, vector<16xi32>], vector<16xi32>,
    %swap3A_1100 = arith.constant 4 : i32
    %swap3A_1101 = arith.index_cast %swap3A_1100 : i32 to index
    %swap3A_1102 = arith.constant 64 : index
    %swap3A_1103 = tpu.vector_load %arg16[%swap3A_1101, %swap3A_1102] {strides = array<i32>} : memref<5x128xi32, #tpu.memory_space<vmem>>, vector<16xi32>,
    tpu.vector_store %arg16[%swap3A_1101, %swap3A_1102], %gather3A_1099 {strides = array<i32>} : memref<5x128xi32, #tpu.memory_space<vmem>>, vector<16xi32>,
    %iota3A_1104 = tpu.iota {dimensions = array<i32: 0>} : vector<16xi32>
    %add3A_1105 = arith.constant 80 : i32
    %add3A_1106 = vector.broadcast %add3A_1105 : i32 to vector<16xi32>
    %add3A_1107 = arith.addi %iota3A_1104, %add3A_1106 : vector<16xi32>
    %gather3A_1108 = tpu.vector_load_idx %arg13[%add3A_1107, %broadcast_in_dim3A_1058] : memref<128x5xi32, #tpu.memory_space<vmem>>[vector<16xi32>, vector<16xi32>], vector<16xi32>,
    %swap3A_1109 = arith.constant 4 : i32
    %swap3A_1110 = arith.index_cast %swap3A_1109 : i32 to index
    %swap3A_1111 = arith.constant 80 : index
    %swap3A_1112 = tpu.vector_load %arg16[%swap3A_1110, %swap3A_1111] {strides = array<i32>} : memref<5x128xi32, #tpu.memory_space<vmem>>, vector<16xi32>,
    tpu.vector_store %arg16[%swap3A_1110, %swap3A_1111], %gather3A_1108 {strides = array<i32>} : memref<5x128xi32, #tpu.memory_space<vmem>>, vector<16xi32>,
    %iota3A_1113 = tpu.iota {dimensions = array<i32: 0>} : vector<16xi32>
    %add3A_1114 = arith.constant 96 : i32
    %add3A_1115 = vector.broadcast %add3A_1114 : i32 to vector<16xi32>
    %add3A_1116 = arith.addi %iota3A_1113, %add3A_1115 : vector<16xi32>
    %gather3A_1117 = tpu.vector_load_idx %arg13[%add3A_1116, %broadcast_in_dim3A_1058] : memref<128x5xi32, #tpu.memory_space<vmem>>[vector<16xi32>, vector<16xi32>], vector<16xi32>,
    %swap3A_1118 = arith.constant 4 : i32
    %swap3A_1119 = arith.index_cast %swap3A_1118 : i32 to index
    %swap3A_1120 = arith.constant 96 : index
    %swap3A_1121 = tpu.vector_load %arg16[%swap3A_1119, %swap3A_1120] {strides = array<i32>} : memref<5x128xi32, #tpu.memory_space<vmem>>, vector<16xi32>,
    tpu.vector_store %arg16[%swap3A_1119, %swap3A_1120], %gather3A_1117 {strides = array<i32>} : memref<5x128xi32, #tpu.memory_space<vmem>>, vector<16xi32>,
    %iota3A_1122 = tpu.iota {dimensions = array<i32: 0>} : vector<16xi32>
    %add3A_1123 = arith.constant 112 : i32
    %add3A_1124 = vector.broadcast %add3A_1123 : i32 to vector<16xi32>
    %add3A_1125 = arith.addi %iota3A_1122, %add3A_1124 : vector<16xi32>
    %gather3A_1126 = tpu.vector_load_idx %arg13[%add3A_1125, %broadcast_in_dim3A_1058] : memref<128x5xi32, #tpu.memory_space<vmem>>[vector<16xi32>, vector<16xi32>], vector<16xi32>,
    %swap3A_1127 = arith.constant 4 : i32
    %swap3A_1128 = arith.index_cast %swap3A_1127 : i32 to index
    %swap3A_1129 = arith.constant 112 : index
    %swap3A_1130 = tpu.vector_load %arg16[%swap3A_1128, %swap3A_1129] {strides = array<i32>} : memref<5x128xi32, #tpu.memory_space<vmem>>, vector<16xi32>,
    tpu.vector_store %arg16[%swap3A_1128, %swap3A_1129], %gather3A_1126 {strides = array<i32>} : memref<5x128xi32, #tpu.memory_space<vmem>>, vector<16xi32>,
    %dma_start3A_1131 = arith.constant 0 : i32
    %dma_start3A_1132 = arith.constant 0 : i32
    %dma_start3A_1133 = arith.constant 0 : i32
    %dma_start3A_1134 = tpu.memref_slice %arg17[%dma_start3A_1132, %dma_start3A_1133] : memref<640x64xf32, #tpu.memory_space<vmem>> -> memref<128x64xf32, #tpu.memory_space<vmem>>
    %dma_start3A_1135 = arith.constant 0 : i32
    %dma_start3A_1136 = tpu.memref_slice %arg14[%dma_start3A_1131, %dma_start3A_1135] : memref<5x128xi32, #tpu.memory_space<vmem>> -> memref<1x128xi32, #tpu.memory_space<vmem>>
    %dma_start3A_1137 = tpu.memref_squeeze %dma_start3A_1136 : memref<1x128xi32, #tpu.memory_space<vmem>> -> memref<128xi32, #tpu.memory_space<vmem>>
    %dma_start3A_1138 = arith.constant 0 : i32
    %dma_start3A_1139 = arith.constant 0 : i32
    %dma_start3A_1140 = tpu.memref_slice %arg2[%dma_start3A_1138, %dma_start3A_1139] : memref<100000x64xf32, #tpu.memory_space<hbm>> -> memref<100000x64xf32, #tpu.memory_space<hbm>>
    tpu.enqueue_indirect_dma source(%dma_start3A_1140 : memref<100000x64xf32, #tpu.memory_space<hbm>>) target(%dma_start3A_1134 : memref<128x64xf32, #tpu.memory_space<vmem>>) offsets(%dma_start3A_1137 : memref<128xi32, #tpu.memory_space<vmem>>) semaphore(%arg21 : memref<!tpu.dma_semaphore, #tpu.memory_space<semaphore_mem>>)
    %dma_start3A_1141 = arith.constant 1 : i32
    %dma_start3A_1142 = arith.constant 128 : i32
    %dma_start3A_1143 = arith.constant 0 : i32
    %dma_start3A_1144 = tpu.memref_slice %arg17[%dma_start3A_1142, %dma_start3A_1143] : memref<640x64xf32, #tpu.memory_space<vmem>> -> memref<128x64xf32, #tpu.memory_space<vmem>>
    %dma_start3A_1145 = arith.constant 0 : i32
    %dma_start3A_1146 = tpu.memref_slice %arg14[%dma_start3A_1141, %dma_start3A_1145] : memref<5x128xi32, #tpu.memory_space<vmem>> -> memref<1x128xi32, #tpu.memory_space<vmem>>
    %dma_start3A_1147 = tpu.memref_squeeze %dma_start3A_1146 : memref<1x128xi32, #tpu.memory_space<vmem>> -> memref<128xi32, #tpu.memory_space<vmem>>
    %dma_start3A_1148 = arith.constant 0 : i32
    %dma_start3A_1149 = arith.constant 0 : i32
    %dma_start3A_1150 = tpu.memref_slice %arg2[%dma_start3A_1148, %dma_start3A_1149] : memref<100000x64xf32, #tpu.memory_space<hbm>> -> memref<100000x64xf32, #tpu.memory_space<hbm>>
    tpu.enqueue_indirect_dma source(%dma_start3A_1150 : memref<100000x64xf32, #tpu.memory_space<hbm>>) target(%dma_start3A_1144 : memref<128x64xf32, #tpu.memory_space<vmem>>) offsets(%dma_start3A_1147 : memref<128xi32, #tpu.memory_space<vmem>>) semaphore(%arg21 : memref<!tpu.dma_semaphore, #tpu.memory_space<semaphore_mem>>)
    %dma_start3A_1151 = arith.constant 2 : i32
    %dma_start3A_1152 = arith.constant 256 : i32
    %dma_start3A_1153 = arith.constant 0 : i32
    %dma_start3A_1154 = tpu.memref_slice %arg17[%dma_start3A_1152, %dma_start3A_1153] : memref<640x64xf32, #tpu.memory_space<vmem>> -> memref<128x64xf32, #tpu.memory_space<vmem>>
    %dma_start3A_1155 = arith.constant 0 : i32
    %dma_start3A_1156 = tpu.memref_slice %arg14[%dma_start3A_1151, %dma_start3A_1155] : memref<5x128xi32, #tpu.memory_space<vmem>> -> memref<1x128xi32, #tpu.memory_space<vmem>>
    %dma_start3A_1157 = tpu.memref_squeeze %dma_start3A_1156 : memref<1x128xi32, #tpu.memory_space<vmem>> -> memref<128xi32, #tpu.memory_space<vmem>>
    %dma_start3A_1158 = arith.constant 0 : i32
    %dma_start3A_1159 = arith.constant 0 : i32
    %dma_start3A_1160 = tpu.memref_slice %arg2[%dma_start3A_1158, %dma_start3A_1159] : memref<100000x64xf32, #tpu.memory_space<hbm>> -> memref<100000x64xf32, #tpu.memory_space<hbm>>
    tpu.enqueue_indirect_dma source(%dma_start3A_1160 : memref<100000x64xf32, #tpu.memory_space<hbm>>) target(%dma_start3A_1154 : memref<128x64xf32, #tpu.memory_space<vmem>>) offsets(%dma_start3A_1157 : memref<128xi32, #tpu.memory_space<vmem>>) semaphore(%arg21 : memref<!tpu.dma_semaphore, #tpu.memory_space<semaphore_mem>>)
    %dma_start3A_1161 = arith.constant 3 : i32
    %dma_start3A_1162 = arith.constant 384 : i32
    %dma_start3A_1163 = arith.constant 0 : i32
    %dma_start3A_1164 = tpu.memref_slice %arg17[%dma_start3A_1162, %dma_start3A_1163] : memref<640x64xf32, #tpu.memory_space<vmem>> -> memref<128x64xf32, #tpu.memory_space<vmem>>
    %dma_start3A_1165 = arith.constant 0 : i32
    %dma_start3A_1166 = tpu.memref_slice %arg14[%dma_start3A_1161, %dma_start3A_1165] : memref<5x128xi32, #tpu.memory_space<vmem>> -> memref<1x128xi32, #tpu.memory_space<vmem>>
    %dma_start3A_1167 = tpu.memref_squeeze %dma_start3A_1166 : memref<1x128xi32, #tpu.memory_space<vmem>> -> memref<128xi32, #tpu.memory_space<vmem>>
    %dma_start3A_1168 = arith.constant 0 : i32
    %dma_start3A_1169 = arith.constant 0 : i32
    %dma_start3A_1170 = tpu.memref_slice %arg2[%dma_start3A_1168, %dma_start3A_1169] : memref<100000x64xf32, #tpu.memory_space<hbm>> -> memref<100000x64xf32, #tpu.memory_space<hbm>>
    tpu.enqueue_indirect_dma source(%dma_start3A_1170 : memref<100000x64xf32, #tpu.memory_space<hbm>>) target(%dma_start3A_1164 : memref<128x64xf32, #tpu.memory_space<vmem>>) offsets(%dma_start3A_1167 : memref<128xi32, #tpu.memory_space<vmem>>) semaphore(%arg21 : memref<!tpu.dma_semaphore, #tpu.memory_space<semaphore_mem>>)
    %dma_start3A_1171 = arith.constant 4 : i32
    %dma_start3A_1172 = arith.constant 512 : i32
    %dma_start3A_1173 = arith.constant 0 : i32
    %dma_start3A_1174 = tpu.memref_slice %arg17[%dma_start3A_1172, %dma_start3A_1173] : memref<640x64xf32, #tpu.memory_space<vmem>> -> memref<128x64xf32, #tpu.memory_space<vmem>>
    %dma_start3A_1175 = arith.constant 0 : i32
    %dma_start3A_1176 = tpu.memref_slice %arg14[%dma_start3A_1171, %dma_start3A_1175] : memref<5x128xi32, #tpu.memory_space<vmem>> -> memref<1x128xi32, #tpu.memory_space<vmem>>
    %dma_start3A_1177 = tpu.memref_squeeze %dma_start3A_1176 : memref<1x128xi32, #tpu.memory_space<vmem>> -> memref<128xi32, #tpu.memory_space<vmem>>
    %dma_start3A_1178 = arith.constant 0 : i32
    %dma_start3A_1179 = arith.constant 0 : i32
    %dma_start3A_1180 = tpu.memref_slice %arg2[%dma_start3A_1178, %dma_start3A_1179] : memref<100000x64xf32, #tpu.memory_space<hbm>> -> memref<100000x64xf32, #tpu.memory_space<hbm>>
    tpu.enqueue_indirect_dma source(%dma_start3A_1180 : memref<100000x64xf32, #tpu.memory_space<hbm>>) target(%dma_start3A_1174 : memref<128x64xf32, #tpu.memory_space<vmem>>) offsets(%dma_start3A_1177 : memref<128xi32, #tpu.memory_space<vmem>>) semaphore(%arg21 : memref<!tpu.dma_semaphore, #tpu.memory_space<semaphore_mem>>)
    %dma_start3A_1181 = arith.constant 0 : i32
    %dma_start3A_1182 = arith.constant 0 : i32
    %dma_start3A_1183 = arith.constant 0 : i32
    %dma_start3A_1184 = arith.constant 0 : i32
    %dma_start3A_1185 = tpu.memref_slice %arg18[%dma_start3A_1182, %dma_start3A_1183, %dma_start3A_1184] : memref<2x128x128xf32, #tpu.memory_space<vmem>> -> memref<1x128x128xf32, #tpu.memory_space<vmem>>
    %dma_start3A_1186 = tpu.memref_squeeze %dma_start3A_1185 : memref<1x128x128xf32, #tpu.memory_space<vmem>> -> memref<128x128xf32, #tpu.memory_space<vmem>>
    %dma_start3A_1187 = arith.constant 0 : i32
    %dma_start3A_1188 = tpu.memref_slice %arg15[%dma_start3A_1181, %dma_start3A_1187] : memref<5x128xi32, #tpu.memory_space<vmem>> -> memref<1x128xi32, #tpu.memory_space<vmem>>
    %dma_start3A_1189 = tpu.memref_squeeze %dma_start3A_1188 : memref<1x128xi32, #tpu.memory_space<vmem>> -> memref<128xi32, #tpu.memory_space<vmem>>
    %dma_start3A_1190 = arith.constant 0 : i32
    %dma_start3A_1191 = arith.constant 0 : i32
    %dma_start3A_1192 = tpu.memref_slice %arg3[%dma_start3A_1190, %dma_start3A_1191] : memref<1000x128xf32, #tpu.memory_space<hbm>> -> memref<1000x128xf32, #tpu.memory_space<hbm>>
    tpu.enqueue_indirect_dma source(%dma_start3A_1192 : memref<1000x128xf32, #tpu.memory_space<hbm>>) target(%dma_start3A_1186 : memref<128x128xf32, #tpu.memory_space<vmem>>) offsets(%dma_start3A_1189 : memref<128xi32, #tpu.memory_space<vmem>>) semaphore(%arg22 : memref<!tpu.dma_semaphore, #tpu.memory_space<semaphore_mem>>)
    %dma_start3A_1193 = arith.constant 0 : i32
    %dma_start3A_1194 = arith.constant 0 : i32
    %dma_start3A_1195 = arith.constant 0 : i32
    %dma_start3A_1196 = arith.constant 0 : i32
    %dma_start3A_1197 = tpu.memref_slice %arg19[%dma_start3A_1194, %dma_start3A_1195, %dma_start3A_1196] : memref<2x128x128xf32, #tpu.memory_space<vmem>> -> memref<1x128x128xf32, #tpu.memory_space<vmem>>
    %dma_start3A_1198 = tpu.memref_squeeze %dma_start3A_1197 : memref<1x128x128xf32, #tpu.memory_space<vmem>> -> memref<128x128xf32, #tpu.memory_space<vmem>>
    %dma_start3A_1199 = arith.constant 0 : i32
    %dma_start3A_1200 = tpu.memref_slice %arg16[%dma_start3A_1193, %dma_start3A_1199] : memref<5x128xi32, #tpu.memory_space<vmem>> -> memref<1x128xi32, #tpu.memory_space<vmem>>
    %dma_start3A_1201 = tpu.memref_squeeze %dma_start3A_1200 : memref<1x128xi32, #tpu.memory_space<vmem>> -> memref<128xi32, #tpu.memory_space<vmem>>
    %dma_start3A_1202 = arith.constant 0 : i32
    %dma_start3A_1203 = arith.constant 0 : i32
    %dma_start3A_1204 = tpu.memref_slice %arg4[%dma_start3A_1202, %dma_start3A_1203] : memref<1000x128xf32, #tpu.memory_space<hbm>> -> memref<1000x128xf32, #tpu.memory_space<hbm>>
    tpu.enqueue_indirect_dma source(%dma_start3A_1204 : memref<1000x128xf32, #tpu.memory_space<hbm>>) target(%dma_start3A_1198 : memref<128x128xf32, #tpu.memory_space<vmem>>) offsets(%dma_start3A_1201 : memref<128xi32, #tpu.memory_space<vmem>>) semaphore(%arg24 : memref<!tpu.dma_semaphore, #tpu.memory_space<semaphore_mem>>)
    %add3A_1205 = arith.constant 0 : i32
    %add3A_1206 = arith.addi %add3A_1205, %mul3A_2 : i32
    %dma_wait3A_1207 = arith.constant 0 : i32
    %dma_wait3A_1208 = arith.constant 0 : i32
    %dma_wait3A_1209 = arith.constant 0 : i32
    %dma_wait3A_1210 = arith.constant 0 : i32
    %dma_wait3A_1211 = tpu.memref_slice %arg18[%dma_wait3A_1208, %dma_wait3A_1209, %dma_wait3A_1210] : memref<2x128x128xf32, #tpu.memory_space<vmem>> -> memref<1x128x128xf32, #tpu.memory_space<vmem>>
    %dma_wait3A_1212 = tpu.memref_squeeze %dma_wait3A_1211 : memref<1x128x128xf32, #tpu.memory_space<vmem>> -> memref<128x128xf32, #tpu.memory_space<vmem>>
    %dma_wait3A_1213 = arith.constant 0 : i32
    %dma_wait3A_1214 = tpu.memref_slice %arg15[%dma_wait3A_1207, %dma_wait3A_1213] : memref<5x128xi32, #tpu.memory_space<vmem>> -> memref<1x128xi32, #tpu.memory_space<vmem>>
    %dma_wait3A_1215 = tpu.memref_squeeze %dma_wait3A_1214 : memref<1x128xi32, #tpu.memory_space<vmem>> -> memref<128xi32, #tpu.memory_space<vmem>>
    %dma_wait3A_1216 = arith.constant 0 : i32
    %dma_wait3A_1217 = arith.constant 0 : i32
    %dma_wait3A_1218 = tpu.memref_slice %arg3[%dma_wait3A_1216, %dma_wait3A_1217] : memref<1000x128xf32, #tpu.memory_space<hbm>> -> memref<1000x128xf32, #tpu.memory_space<hbm>>
    tpu.wait_indirect_dma semaphore(%arg22 : memref<!tpu.dma_semaphore, #tpu.memory_space<semaphore_mem>>) src(%dma_wait3A_1218 : memref<1000x128xf32, #tpu.memory_space<hbm>>) dst(%dma_wait3A_1212 : memref<128x128xf32, #tpu.memory_space<vmem>>)
    %dma_start3A_1219 = arith.constant 0 : i32
    %dma_start3A_1220 = arith.constant 0 : i32
    %dma_start3A_1221 = arith.constant 0 : i32
    %dma_start3A_1222 = tpu.memref_slice %arg18[%dma_start3A_1219, %dma_start3A_1220, %dma_start3A_1221] : memref<2x128x128xf32, #tpu.memory_space<vmem>> -> memref<1x128x128xf32, #tpu.memory_space<vmem>>
    %dma_start3A_1223 = tpu.memref_squeeze %dma_start3A_1222 : memref<1x128x128xf32, #tpu.memory_space<vmem>> -> memref<128x128xf32, #tpu.memory_space<vmem>>
    %dma_start3A_1224 = arith.constant 0 : i32
    %dma_start3A_1225 = tpu.memref_slice %arg9[%add3A_1206, %dma_start3A_1224] : memref<20480x128xf32, #tpu.memory_space<hbm>> -> memref<128x128xf32, #tpu.memory_space<hbm>>
    %dma_start3A_1226 = arith.constant 0 : i32
    %dma_start3A_1227 = tpu.memref_slice %arg9[%add3A_1206, %dma_start3A_1226] : memref<20480x128xf32, #tpu.memory_space<hbm>> -> memref<128x128xf32, #tpu.memory_space<hbm>>
    %dma_start3A_1228 = arith.constant 0 : i32
    %dma_start3A_1229 = arith.constant 0 : i32
    %dma_start3A_1230 = tpu.memref_slice %arg18[%dma_start3A_1219, %dma_start3A_1228, %dma_start3A_1229] : memref<2x128x128xf32, #tpu.memory_space<vmem>> -> memref<1x128x128xf32, #tpu.memory_space<vmem>>
    %dma_start3A_1231 = tpu.memref_squeeze %dma_start3A_1230 : memref<1x128x128xf32, #tpu.memory_space<vmem>> -> memref<128x128xf32, #tpu.memory_space<vmem>>
    tpu.enqueue_dma source(%dma_start3A_1231 : memref<128x128xf32, #tpu.memory_space<vmem>>) target(%dma_start3A_1227 : memref<128x128xf32, #tpu.memory_space<hbm>>) target_semaphore(%arg26 : memref<!tpu.dma_semaphore, #tpu.memory_space<semaphore_mem>>)
    %dma_wait3A_1232 = arith.constant 0 : i32
    %dma_wait3A_1233 = arith.constant 0 : i32
    %dma_wait3A_1234 = arith.constant 0 : i32
    %dma_wait3A_1235 = arith.constant 0 : i32
    %dma_wait3A_1236 = tpu.memref_slice %arg19[%dma_wait3A_1233, %dma_wait3A_1234, %dma_wait3A_1235] : memref<2x128x128xf32, #tpu.memory_space<vmem>> -> memref<1x128x128xf32, #tpu.memory_space<vmem>>
    %dma_wait3A_1237 = tpu.memref_squeeze %dma_wait3A_1236 : memref<1x128x128xf32, #tpu.memory_space<vmem>> -> memref<128x128xf32, #tpu.memory_space<vmem>>
    %dma_wait3A_1238 = arith.constant 0 : i32
    %dma_wait3A_1239 = tpu.memref_slice %arg16[%dma_wait3A_1232, %dma_wait3A_1238] : memref<5x128xi32, #tpu.memory_space<vmem>> -> memref<1x128xi32, #tpu.memory_space<vmem>>
    %dma_wait3A_1240 = tpu.memref_squeeze %dma_wait3A_1239 : memref<1x128xi32, #tpu.memory_space<vmem>> -> memref<128xi32, #tpu.memory_space<vmem>>
    %dma_wait3A_1241 = arith.constant 0 : i32
    %dma_wait3A_1242 = arith.constant 0 : i32
    %dma_wait3A_1243 = tpu.memref_slice %arg4[%dma_wait3A_1241, %dma_wait3A_1242] : memref<1000x128xf32, #tpu.memory_space<hbm>> -> memref<1000x128xf32, #tpu.memory_space<hbm>>
    tpu.wait_indirect_dma semaphore(%arg24 : memref<!tpu.dma_semaphore, #tpu.memory_space<semaphore_mem>>) src(%dma_wait3A_1243 : memref<1000x128xf32, #tpu.memory_space<hbm>>) dst(%dma_wait3A_1237 : memref<128x128xf32, #tpu.memory_space<vmem>>)
    %dma_start3A_1244 = arith.constant 0 : i32
    %dma_start3A_1245 = arith.constant 0 : i32
    %dma_start3A_1246 = arith.constant 0 : i32
    %dma_start3A_1247 = tpu.memref_slice %arg19[%dma_start3A_1244, %dma_start3A_1245, %dma_start3A_1246] : memref<2x128x128xf32, #tpu.memory_space<vmem>> -> memref<1x128x128xf32, #tpu.memory_space<vmem>>
    %dma_start3A_1248 = tpu.memref_squeeze %dma_start3A_1247 : memref<1x128x128xf32, #tpu.memory_space<vmem>> -> memref<128x128xf32, #tpu.memory_space<vmem>>
    %dma_start3A_1249 = arith.constant 0 : i32
    %dma_start3A_1250 = tpu.memref_slice %arg10[%add3A_1206, %dma_start3A_1249] : memref<20480x128xf32, #tpu.memory_space<hbm>> -> memref<128x128xf32, #tpu.memory_space<hbm>>
    %dma_start3A_1251 = arith.constant 0 : i32
    %dma_start3A_1252 = tpu.memref_slice %arg10[%add3A_1206, %dma_start3A_1251] : memref<20480x128xf32, #tpu.memory_space<hbm>> -> memref<128x128xf32, #tpu.memory_space<hbm>>
    %dma_start3A_1253 = arith.constant 0 : i32
    %dma_start3A_1254 = arith.constant 0 : i32
    %dma_start3A_1255 = tpu.memref_slice %arg19[%dma_start3A_1244, %dma_start3A_1253, %dma_start3A_1254] : memref<2x128x128xf32, #tpu.memory_space<vmem>> -> memref<1x128x128xf32, #tpu.memory_space<vmem>>
    %dma_start3A_1256 = tpu.memref_squeeze %dma_start3A_1255 : memref<1x128x128xf32, #tpu.memory_space<vmem>> -> memref<128x128xf32, #tpu.memory_space<vmem>>
    tpu.enqueue_dma source(%dma_start3A_1256 : memref<128x128xf32, #tpu.memory_space<vmem>>) target(%dma_start3A_1252 : memref<128x128xf32, #tpu.memory_space<hbm>>) target_semaphore(%arg26 : memref<!tpu.dma_semaphore, #tpu.memory_space<semaphore_mem>>)
    %dma_start3A_1257 = arith.constant 1 : i32
    %dma_start3A_1258 = arith.constant 1 : i32
    %dma_start3A_1259 = arith.constant 0 : i32
    %dma_start3A_1260 = arith.constant 0 : i32
    %dma_start3A_1261 = tpu.memref_slice %arg18[%dma_start3A_1258, %dma_start3A_1259, %dma_start3A_1260] : memref<2x128x128xf32, #tpu.memory_space<vmem>> -> memref<1x128x128xf32, #tpu.memory_space<vmem>>
    %dma_start3A_1262 = tpu.memref_squeeze %dma_start3A_1261 : memref<1x128x128xf32, #tpu.memory_space<vmem>> -> memref<128x128xf32, #tpu.memory_space<vmem>>
    %dma_start3A_1263 = arith.constant 0 : i32
    %dma_start3A_1264 = tpu.memref_slice %arg15[%dma_start3A_1257, %dma_start3A_1263] : memref<5x128xi32, #tpu.memory_space<vmem>> -> memref<1x128xi32, #tpu.memory_space<vmem>>
    %dma_start3A_1265 = tpu.memref_squeeze %dma_start3A_1264 : memref<1x128xi32, #tpu.memory_space<vmem>> -> memref<128xi32, #tpu.memory_space<vmem>>
    %dma_start3A_1266 = arith.constant 0 : i32
    %dma_start3A_1267 = arith.constant 0 : i32
    %dma_start3A_1268 = tpu.memref_slice %arg3[%dma_start3A_1266, %dma_start3A_1267] : memref<1000x128xf32, #tpu.memory_space<hbm>> -> memref<1000x128xf32, #tpu.memory_space<hbm>>
    tpu.enqueue_indirect_dma source(%dma_start3A_1268 : memref<1000x128xf32, #tpu.memory_space<hbm>>) target(%dma_start3A_1262 : memref<128x128xf32, #tpu.memory_space<vmem>>) offsets(%dma_start3A_1265 : memref<128xi32, #tpu.memory_space<vmem>>) semaphore(%arg23 : memref<!tpu.dma_semaphore, #tpu.memory_space<semaphore_mem>>)
    %dma_start3A_1269 = arith.constant 1 : i32
    %dma_start3A_1270 = arith.constant 1 : i32
    %dma_start3A_1271 = arith.constant 0 : i32
    %dma_start3A_1272 = arith.constant 0 : i32
    %dma_start3A_1273 = tpu.memref_slice %arg19[%dma_start3A_1270, %dma_start3A_1271, %dma_start3A_1272] : memref<2x128x128xf32, #tpu.memory_space<vmem>> -> memref<1x128x128xf32, #tpu.memory_space<vmem>>
    %dma_start3A_1274 = tpu.memref_squeeze %dma_start3A_1273 : memref<1x128x128xf32, #tpu.memory_space<vmem>> -> memref<128x128xf32, #tpu.memory_space<vmem>>
    %dma_start3A_1275 = arith.constant 0 : i32
    %dma_start3A_1276 = tpu.memref_slice %arg16[%dma_start3A_1269, %dma_start3A_1275] : memref<5x128xi32, #tpu.memory_space<vmem>> -> memref<1x128xi32, #tpu.memory_space<vmem>>
    %dma_start3A_1277 = tpu.memref_squeeze %dma_start3A_1276 : memref<1x128xi32, #tpu.memory_space<vmem>> -> memref<128xi32, #tpu.memory_space<vmem>>
    %dma_start3A_1278 = arith.constant 0 : i32
    %dma_start3A_1279 = arith.constant 0 : i32
    %dma_start3A_1280 = tpu.memref_slice %arg4[%dma_start3A_1278, %dma_start3A_1279] : memref<1000x128xf32, #tpu.memory_space<hbm>> -> memref<1000x128xf32, #tpu.memory_space<hbm>>
    tpu.enqueue_indirect_dma source(%dma_start3A_1280 : memref<1000x128xf32, #tpu.memory_space<hbm>>) target(%dma_start3A_1274 : memref<128x128xf32, #tpu.memory_space<vmem>>) offsets(%dma_start3A_1277 : memref<128xi32, #tpu.memory_space<vmem>>) semaphore(%arg25 : memref<!tpu.dma_semaphore, #tpu.memory_space<semaphore_mem>>)
    %add3A_1281 = arith.constant 4096 : i32
    %add3A_1282 = arith.addi %add3A_1281, %mul3A_2 : i32
    %dma_wait3A_1283 = arith.constant 1 : i32
    %dma_wait3A_1284 = arith.constant 1 : i32
    %dma_wait3A_1285 = arith.constant 0 : i32
    %dma_wait3A_1286 = arith.constant 0 : i32
    %dma_wait3A_1287 = tpu.memref_slice %arg18[%dma_wait3A_1284, %dma_wait3A_1285, %dma_wait3A_1286] : memref<2x128x128xf32, #tpu.memory_space<vmem>> -> memref<1x128x128xf32, #tpu.memory_space<vmem>>
    %dma_wait3A_1288 = tpu.memref_squeeze %dma_wait3A_1287 : memref<1x128x128xf32, #tpu.memory_space<vmem>> -> memref<128x128xf32, #tpu.memory_space<vmem>>
    %dma_wait3A_1289 = arith.constant 0 : i32
    %dma_wait3A_1290 = tpu.memref_slice %arg15[%dma_wait3A_1283, %dma_wait3A_1289] : memref<5x128xi32, #tpu.memory_space<vmem>> -> memref<1x128xi32, #tpu.memory_space<vmem>>
    %dma_wait3A_1291 = tpu.memref_squeeze %dma_wait3A_1290 : memref<1x128xi32, #tpu.memory_space<vmem>> -> memref<128xi32, #tpu.memory_space<vmem>>
    %dma_wait3A_1292 = arith.constant 0 : i32
    %dma_wait3A_1293 = arith.constant 0 : i32
    %dma_wait3A_1294 = tpu.memref_slice %arg3[%dma_wait3A_1292, %dma_wait3A_1293] : memref<1000x128xf32, #tpu.memory_space<hbm>> -> memref<1000x128xf32, #tpu.memory_space<hbm>>
    tpu.wait_indirect_dma semaphore(%arg23 : memref<!tpu.dma_semaphore, #tpu.memory_space<semaphore_mem>>) src(%dma_wait3A_1294 : memref<1000x128xf32, #tpu.memory_space<hbm>>) dst(%dma_wait3A_1288 : memref<128x128xf32, #tpu.memory_space<vmem>>)
    %dma_start3A_1295 = arith.constant 1 : i32
    %dma_start3A_1296 = arith.constant 0 : i32
    %dma_start3A_1297 = arith.constant 0 : i32
    %dma_start3A_1298 = tpu.memref_slice %arg18[%dma_start3A_1295, %dma_start3A_1296, %dma_start3A_1297] : memref<2x128x128xf32, #tpu.memory_space<vmem>> -> memref<1x128x128xf32, #tpu.memory_space<vmem>>
    %dma_start3A_1299 = tpu.memref_squeeze %dma_start3A_1298 : memref<1x128x128xf32, #tpu.memory_space<vmem>> -> memref<128x128xf32, #tpu.memory_space<vmem>>
    %dma_start3A_1300 = arith.constant 0 : i32
    %dma_start3A_1301 = tpu.memref_slice %arg9[%add3A_1282, %dma_start3A_1300] : memref<20480x128xf32, #tpu.memory_space<hbm>> -> memref<128x128xf32, #tpu.memory_space<hbm>>
    %dma_start3A_1302 = arith.constant 0 : i32
    %dma_start3A_1303 = tpu.memref_slice %arg9[%add3A_1282, %dma_start3A_1302] : memref<20480x128xf32, #tpu.memory_space<hbm>> -> memref<128x128xf32, #tpu.memory_space<hbm>>
    %dma_start3A_1304 = arith.constant 0 : i32
    %dma_start3A_1305 = arith.constant 0 : i32
    %dma_start3A_1306 = tpu.memref_slice %arg18[%dma_start3A_1295, %dma_start3A_1304, %dma_start3A_1305] : memref<2x128x128xf32, #tpu.memory_space<vmem>> -> memref<1x128x128xf32, #tpu.memory_space<vmem>>
    %dma_start3A_1307 = tpu.memref_squeeze %dma_start3A_1306 : memref<1x128x128xf32, #tpu.memory_space<vmem>> -> memref<128x128xf32, #tpu.memory_space<vmem>>
    tpu.enqueue_dma source(%dma_start3A_1307 : memref<128x128xf32, #tpu.memory_space<vmem>>) target(%dma_start3A_1303 : memref<128x128xf32, #tpu.memory_space<hbm>>) target_semaphore(%arg27 : memref<!tpu.dma_semaphore, #tpu.memory_space<semaphore_mem>>)
    %dma_wait3A_1308 = arith.constant 1 : i32
    %dma_wait3A_1309 = arith.constant 1 : i32
    %dma_wait3A_1310 = arith.constant 0 : i32
    %dma_wait3A_1311 = arith.constant 0 : i32
    %dma_wait3A_1312 = tpu.memref_slice %arg19[%dma_wait3A_1309, %dma_wait3A_1310, %dma_wait3A_1311] : memref<2x128x128xf32, #tpu.memory_space<vmem>> -> memref<1x128x128xf32, #tpu.memory_space<vmem>>
    %dma_wait3A_1313 = tpu.memref_squeeze %dma_wait3A_1312 : memref<1x128x128xf32, #tpu.memory_space<vmem>> -> memref<128x128xf32, #tpu.memory_space<vmem>>
    %dma_wait3A_1314 = arith.constant 0 : i32
    %dma_wait3A_1315 = tpu.memref_slice %arg16[%dma_wait3A_1308, %dma_wait3A_1314] : memref<5x128xi32, #tpu.memory_space<vmem>> -> memref<1x128xi32, #tpu.memory_space<vmem>>
    %dma_wait3A_1316 = tpu.memref_squeeze %dma_wait3A_1315 : memref<1x128xi32, #tpu.memory_space<vmem>> -> memref<128xi32, #tpu.memory_space<vmem>>
    %dma_wait3A_1317 = arith.constant 0 : i32
    %dma_wait3A_1318 = arith.constant 0 : i32
    %dma_wait3A_1319 = tpu.memref_slice %arg4[%dma_wait3A_1317, %dma_wait3A_1318] : memref<1000x128xf32, #tpu.memory_space<hbm>> -> memref<1000x128xf32, #tpu.memory_space<hbm>>
    tpu.wait_indirect_dma semaphore(%arg25 : memref<!tpu.dma_semaphore, #tpu.memory_space<semaphore_mem>>) src(%dma_wait3A_1319 : memref<1000x128xf32, #tpu.memory_space<hbm>>) dst(%dma_wait3A_1313 : memref<128x128xf32, #tpu.memory_space<vmem>>)
    %dma_start3A_1320 = arith.constant 1 : i32
    %dma_start3A_1321 = arith.constant 0 : i32
    %dma_start3A_1322 = arith.constant 0 : i32
    %dma_start3A_1323 = tpu.memref_slice %arg19[%dma_start3A_1320, %dma_start3A_1321, %dma_start3A_1322] : memref<2x128x128xf32, #tpu.memory_space<vmem>> -> memref<1x128x128xf32, #tpu.memory_space<vmem>>
    %dma_start3A_1324 = tpu.memref_squeeze %dma_start3A_1323 : memref<1x128x128xf32, #tpu.memory_space<vmem>> -> memref<128x128xf32, #tpu.memory_space<vmem>>
    %dma_start3A_1325 = arith.constant 0 : i32
    %dma_start3A_1326 = tpu.memref_slice %arg10[%add3A_1282, %dma_start3A_1325] : memref<20480x128xf32, #tpu.memory_space<hbm>> -> memref<128x128xf32, #tpu.memory_space<hbm>>
    %dma_start3A_1327 = arith.constant 0 : i32
    %dma_start3A_1328 = tpu.memref_slice %arg10[%add3A_1282, %dma_start3A_1327] : memref<20480x128xf32, #tpu.memory_space<hbm>> -> memref<128x128xf32, #tpu.memory_space<hbm>>
    %dma_start3A_1329 = arith.constant 0 : i32
    %dma_start3A_1330 = arith.constant 0 : i32
    %dma_start3A_1331 = tpu.memref_slice %arg19[%dma_start3A_1320, %dma_start3A_1329, %dma_start3A_1330] : memref<2x128x128xf32, #tpu.memory_space<vmem>> -> memref<1x128x128xf32, #tpu.memory_space<vmem>>
    %dma_start3A_1332 = tpu.memref_squeeze %dma_start3A_1331 : memref<1x128x128xf32, #tpu.memory_space<vmem>> -> memref<128x128xf32, #tpu.memory_space<vmem>>
    tpu.enqueue_dma source(%dma_start3A_1332 : memref<128x128xf32, #tpu.memory_space<vmem>>) target(%dma_start3A_1328 : memref<128x128xf32, #tpu.memory_space<hbm>>) target_semaphore(%arg27 : memref<!tpu.dma_semaphore, #tpu.memory_space<semaphore_mem>>)
    %dma_wait3A_1333 = arith.constant 0 : i32
    %dma_wait3A_1334 = arith.constant 0 : i32
    %dma_wait3A_1335 = arith.constant 0 : i32
    %dma_wait3A_1336 = tpu.memref_slice %arg18[%dma_wait3A_1333, %dma_wait3A_1334, %dma_wait3A_1335] : memref<2x128x128xf32, #tpu.memory_space<vmem>> -> memref<1x128x128xf32, #tpu.memory_space<vmem>>
    %dma_wait3A_1337 = tpu.memref_squeeze %dma_wait3A_1336 : memref<1x128x128xf32, #tpu.memory_space<vmem>> -> memref<128x128xf32, #tpu.memory_space<vmem>>
    %dma_wait3A_1338 = arith.constant 0 : i32
    %dma_wait3A_1339 = tpu.memref_slice %arg9[%add3A_1206, %dma_wait3A_1338] : memref<20480x128xf32, #tpu.memory_space<hbm>> -> memref<128x128xf32, #tpu.memory_space<hbm>>
    %dma_wait3A_1340 = arith.constant 0 : i32
    %dma_wait3A_1341 = tpu.memref_slice %arg9[%add3A_1206, %dma_wait3A_1340] : memref<20480x128xf32, #tpu.memory_space<hbm>> -> memref<128x128xf32, #tpu.memory_space<hbm>>
    %dma_wait3A_1342 = arith.constant 0 : i32
    %dma_wait3A_1343 = arith.constant 0 : i32
    %dma_wait3A_1344 = tpu.memref_slice %arg18[%dma_wait3A_1333, %dma_wait3A_1342, %dma_wait3A_1343] : memref<2x128x128xf32, #tpu.memory_space<vmem>> -> memref<1x128x128xf32, #tpu.memory_space<vmem>>
    %dma_wait3A_1345 = tpu.memref_squeeze %dma_wait3A_1344 : memref<1x128x128xf32, #tpu.memory_space<vmem>> -> memref<128x128xf32, #tpu.memory_space<vmem>>
    tpu.wait_dma2 semaphore(%arg26 : memref<!tpu.dma_semaphore, #tpu.memory_space<semaphore_mem>>) src(%dma_wait3A_1345 : memref<128x128xf32, #tpu.memory_space<vmem>>) dst(%dma_wait3A_1341 : memref<128x128xf32, #tpu.memory_space<hbm>>)
    %dma_wait3A_1346 = arith.constant 0 : i32
    %dma_wait3A_1347 = arith.constant 0 : i32
    %dma_wait3A_1348 = arith.constant 0 : i32
    %dma_wait3A_1349 = tpu.memref_slice %arg19[%dma_wait3A_1346, %dma_wait3A_1347, %dma_wait3A_1348] : memref<2x128x128xf32, #tpu.memory_space<vmem>> -> memref<1x128x128xf32, #tpu.memory_space<vmem>>
    %dma_wait3A_1350 = tpu.memref_squeeze %dma_wait3A_1349 : memref<1x128x128xf32, #tpu.memory_space<vmem>> -> memref<128x128xf32, #tpu.memory_space<vmem>>
    %dma_wait3A_1351 = arith.constant 0 : i32
    %dma_wait3A_1352 = tpu.memref_slice %arg10[%add3A_1206, %dma_wait3A_1351] : memref<20480x128xf32, #tpu.memory_space<hbm>> -> memref<128x128xf32, #tpu.memory_space<hbm>>
    %dma_wait3A_1353 = arith.constant 0 : i32
    %dma_wait3A_1354 = tpu.memref_slice %arg10[%add3A_1206, %dma_wait3A_1353] : memref<20480x128xf32, #tpu.memory_space<hbm>> -> memref<128x128xf32, #tpu.memory_space<hbm>>
    %dma_wait3A_1355 = arith.constant 0 : i32
    %dma_wait3A_1356 = arith.constant 0 : i32
    %dma_wait3A_1357 = tpu.memref_slice %arg19[%dma_wait3A_1346, %dma_wait3A_1355, %dma_wait3A_1356] : memref<2x128x128xf32, #tpu.memory_space<vmem>> -> memref<1x128x128xf32, #tpu.memory_space<vmem>>
    %dma_wait3A_1358 = tpu.memref_squeeze %dma_wait3A_1357 : memref<1x128x128xf32, #tpu.memory_space<vmem>> -> memref<128x128xf32, #tpu.memory_space<vmem>>
    tpu.wait_dma2 semaphore(%arg26 : memref<!tpu.dma_semaphore, #tpu.memory_space<semaphore_mem>>) src(%dma_wait3A_1358 : memref<128x128xf32, #tpu.memory_space<vmem>>) dst(%dma_wait3A_1354 : memref<128x128xf32, #tpu.memory_space<hbm>>)
    %dma_start3A_1359 = arith.constant 2 : i32
    %dma_start3A_1360 = arith.constant 0 : i32
    %dma_start3A_1361 = arith.constant 0 : i32
    %dma_start3A_1362 = arith.constant 0 : i32
    %dma_start3A_1363 = tpu.memref_slice %arg18[%dma_start3A_1360, %dma_start3A_1361, %dma_start3A_1362] : memref<2x128x128xf32, #tpu.memory_space<vmem>> -> memref<1x128x128xf32, #tpu.memory_space<vmem>>
    %dma_start3A_1364 = tpu.memref_squeeze %dma_start3A_1363 : memref<1x128x128xf32, #tpu.memory_space<vmem>> -> memref<128x128xf32, #tpu.memory_space<vmem>>
    %dma_start3A_1365 = arith.constant 0 : i32
    %dma_start3A_1366 = tpu.memref_slice %arg15[%dma_start3A_1359, %dma_start3A_1365] : memref<5x128xi32, #tpu.memory_space<vmem>> -> memref<1x128xi32, #tpu.memory_space<vmem>>
    %dma_start3A_1367 = tpu.memref_squeeze %dma_start3A_1366 : memref<1x128xi32, #tpu.memory_space<vmem>> -> memref<128xi32, #tpu.memory_space<vmem>>
    %dma_start3A_1368 = arith.constant 0 : i32
    %dma_start3A_1369 = arith.constant 0 : i32
    %dma_start3A_1370 = tpu.memref_slice %arg3[%dma_start3A_1368, %dma_start3A_1369] : memref<1000x128xf32, #tpu.memory_space<hbm>> -> memref<1000x128xf32, #tpu.memory_space<hbm>>
    tpu.enqueue_indirect_dma source(%dma_start3A_1370 : memref<1000x128xf32, #tpu.memory_space<hbm>>) target(%dma_start3A_1364 : memref<128x128xf32, #tpu.memory_space<vmem>>) offsets(%dma_start3A_1367 : memref<128xi32, #tpu.memory_space<vmem>>) semaphore(%arg22 : memref<!tpu.dma_semaphore, #tpu.memory_space<semaphore_mem>>)
    %dma_start3A_1371 = arith.constant 2 : i32
    %dma_start3A_1372 = arith.constant 0 : i32
    %dma_start3A_1373 = arith.constant 0 : i32
    %dma_start3A_1374 = arith.constant 0 : i32
    %dma_start3A_1375 = tpu.memref_slice %arg19[%dma_start3A_1372, %dma_start3A_1373, %dma_start3A_1374] : memref<2x128x128xf32, #tpu.memory_space<vmem>> -> memref<1x128x128xf32, #tpu.memory_space<vmem>>
    %dma_start3A_1376 = tpu.memref_squeeze %dma_start3A_1375 : memref<1x128x128xf32, #tpu.memory_space<vmem>> -> memref<128x128xf32, #tpu.memory_space<vmem>>
    %dma_start3A_1377 = arith.constant 0 : i32
    %dma_start3A_1378 = tpu.memref_slice %arg16[%dma_start3A_1371, %dma_start3A_1377] : memref<5x128xi32, #tpu.memory_space<vmem>> -> memref<1x128xi32, #tpu.memory_space<vmem>>
    %dma_start3A_1379 = tpu.memref_squeeze %dma_start3A_1378 : memref<1x128xi32, #tpu.memory_space<vmem>> -> memref<128xi32, #tpu.memory_space<vmem>>
    %dma_start3A_1380 = arith.constant 0 : i32
    %dma_start3A_1381 = arith.constant 0 : i32
    %dma_start3A_1382 = tpu.memref_slice %arg4[%dma_start3A_1380, %dma_start3A_1381] : memref<1000x128xf32, #tpu.memory_space<hbm>> -> memref<1000x128xf32, #tpu.memory_space<hbm>>
    tpu.enqueue_indirect_dma source(%dma_start3A_1382 : memref<1000x128xf32, #tpu.memory_space<hbm>>) target(%dma_start3A_1376 : memref<128x128xf32, #tpu.memory_space<vmem>>) offsets(%dma_start3A_1379 : memref<128xi32, #tpu.memory_space<vmem>>) semaphore(%arg24 : memref<!tpu.dma_semaphore, #tpu.memory_space<semaphore_mem>>)
    %add3A_1383 = arith.constant 8192 : i32
    %add3A_1384 = arith.addi %add3A_1383, %mul3A_2 : i32
    %dma_wait3A_1385 = arith.constant 2 : i32
    %dma_wait3A_1386 = arith.constant 0 : i32
    %dma_wait3A_1387 = arith.constant 0 : i32
    %dma_wait3A_1388 = arith.constant 0 : i32
    %dma_wait3A_1389 = tpu.memref_slice %arg18[%dma_wait3A_1386, %dma_wait3A_1387, %dma_wait3A_1388] : memref<2x128x128xf32, #tpu.memory_space<vmem>> -> memref<1x128x128xf32, #tpu.memory_space<vmem>>
    %dma_wait3A_1390 = tpu.memref_squeeze %dma_wait3A_1389 : memref<1x128x128xf32, #tpu.memory_space<vmem>> -> memref<128x128xf32, #tpu.memory_space<vmem>>
    %dma_wait3A_1391 = arith.constant 0 : i32
    %dma_wait3A_1392 = tpu.memref_slice %arg15[%dma_wait3A_1385, %dma_wait3A_1391] : memref<5x128xi32, #tpu.memory_space<vmem>> -> memref<1x128xi32, #tpu.memory_space<vmem>>
    %dma_wait3A_1393 = tpu.memref_squeeze %dma_wait3A_1392 : memref<1x128xi32, #tpu.memory_space<vmem>> -> memref<128xi32, #tpu.memory_space<vmem>>
    %dma_wait3A_1394 = arith.constant 0 : i32
    %dma_wait3A_1395 = arith.constant 0 : i32
    %dma_wait3A_1396 = tpu.memref_slice %arg3[%dma_wait3A_1394, %dma_wait3A_1395] : memref<1000x128xf32, #tpu.memory_space<hbm>> -> memref<1000x128xf32, #tpu.memory_space<hbm>>
    tpu.wait_indirect_dma semaphore(%arg22 : memref<!tpu.dma_semaphore, #tpu.memory_space<semaphore_mem>>) src(%dma_wait3A_1396 : memref<1000x128xf32, #tpu.memory_space<hbm>>) dst(%dma_wait3A_1390 : memref<128x128xf32, #tpu.memory_space<vmem>>)
    %dma_start3A_1397 = arith.constant 0 : i32
    %dma_start3A_1398 = arith.constant 0 : i32
    %dma_start3A_1399 = arith.constant 0 : i32
    %dma_start3A_1400 = tpu.memref_slice %arg18[%dma_start3A_1397, %dma_start3A_1398, %dma_start3A_1399] : memref<2x128x128xf32, #tpu.memory_space<vmem>> -> memref<1x128x128xf32, #tpu.memory_space<vmem>>
    %dma_start3A_1401 = tpu.memref_squeeze %dma_start3A_1400 : memref<1x128x128xf32, #tpu.memory_space<vmem>> -> memref<128x128xf32, #tpu.memory_space<vmem>>
    %dma_start3A_1402 = arith.constant 0 : i32
    %dma_start3A_1403 = tpu.memref_slice %arg9[%add3A_1384, %dma_start3A_1402] : memref<20480x128xf32, #tpu.memory_space<hbm>> -> memref<128x128xf32, #tpu.memory_space<hbm>>
    %dma_start3A_1404 = arith.constant 0 : i32
    %dma_start3A_1405 = tpu.memref_slice %arg9[%add3A_1384, %dma_start3A_1404] : memref<20480x128xf32, #tpu.memory_space<hbm>> -> memref<128x128xf32, #tpu.memory_space<hbm>>
    %dma_start3A_1406 = arith.constant 0 : i32
    %dma_start3A_1407 = arith.constant 0 : i32
    %dma_start3A_1408 = tpu.memref_slice %arg18[%dma_start3A_1397, %dma_start3A_1406, %dma_start3A_1407] : memref<2x128x128xf32, #tpu.memory_space<vmem>> -> memref<1x128x128xf32, #tpu.memory_space<vmem>>
    %dma_start3A_1409 = tpu.memref_squeeze %dma_start3A_1408 : memref<1x128x128xf32, #tpu.memory_space<vmem>> -> memref<128x128xf32, #tpu.memory_space<vmem>>
    tpu.enqueue_dma source(%dma_start3A_1409 : memref<128x128xf32, #tpu.memory_space<vmem>>) target(%dma_start3A_1405 : memref<128x128xf32, #tpu.memory_space<hbm>>) target_semaphore(%arg26 : memref<!tpu.dma_semaphore, #tpu.memory_space<semaphore_mem>>)
    %dma_wait3A_1410 = arith.constant 2 : i32
    %dma_wait3A_1411 = arith.constant 0 : i32
    %dma_wait3A_1412 = arith.constant 0 : i32
    %dma_wait3A_1413 = arith.constant 0 : i32
    %dma_wait3A_1414 = tpu.memref_slice %arg19[%dma_wait3A_1411, %dma_wait3A_1412, %dma_wait3A_1413] : memref<2x128x128xf32, #tpu.memory_space<vmem>> -> memref<1x128x128xf32, #tpu.memory_space<vmem>>
    %dma_wait3A_1415 = tpu.memref_squeeze %dma_wait3A_1414 : memref<1x128x128xf32, #tpu.memory_space<vmem>> -> memref<128x128xf32, #tpu.memory_space<vmem>>
    %dma_wait3A_1416 = arith.constant 0 : i32
    %dma_wait3A_1417 = tpu.memref_slice %arg16[%dma_wait3A_1410, %dma_wait3A_1416] : memref<5x128xi32, #tpu.memory_space<vmem>> -> memref<1x128xi32, #tpu.memory_space<vmem>>
    %dma_wait3A_1418 = tpu.memref_squeeze %dma_wait3A_1417 : memref<1x128xi32, #tpu.memory_space<vmem>> -> memref<128xi32, #tpu.memory_space<vmem>>
    %dma_wait3A_1419 = arith.constant 0 : i32
    %dma_wait3A_1420 = arith.constant 0 : i32
    %dma_wait3A_1421 = tpu.memref_slice %arg4[%dma_wait3A_1419, %dma_wait3A_1420] : memref<1000x128xf32, #tpu.memory_space<hbm>> -> memref<1000x128xf32, #tpu.memory_space<hbm>>
    tpu.wait_indirect_dma semaphore(%arg24 : memref<!tpu.dma_semaphore, #tpu.memory_space<semaphore_mem>>) src(%dma_wait3A_1421 : memref<1000x128xf32, #tpu.memory_space<hbm>>) dst(%dma_wait3A_1415 : memref<128x128xf32, #tpu.memory_space<vmem>>)
    %dma_start3A_1422 = arith.constant 0 : i32
    %dma_start3A_1423 = arith.constant 0 : i32
    %dma_start3A_1424 = arith.constant 0 : i32
    %dma_start3A_1425 = tpu.memref_slice %arg19[%dma_start3A_1422, %dma_start3A_1423, %dma_start3A_1424] : memref<2x128x128xf32, #tpu.memory_space<vmem>> -> memref<1x128x128xf32, #tpu.memory_space<vmem>>
    %dma_start3A_1426 = tpu.memref_squeeze %dma_start3A_1425 : memref<1x128x128xf32, #tpu.memory_space<vmem>> -> memref<128x128xf32, #tpu.memory_space<vmem>>
    %dma_start3A_1427 = arith.constant 0 : i32
    %dma_start3A_1428 = tpu.memref_slice %arg10[%add3A_1384, %dma_start3A_1427] : memref<20480x128xf32, #tpu.memory_space<hbm>> -> memref<128x128xf32, #tpu.memory_space<hbm>>
    %dma_start3A_1429 = arith.constant 0 : i32
    %dma_start3A_1430 = tpu.memref_slice %arg10[%add3A_1384, %dma_start3A_1429] : memref<20480x128xf32, #tpu.memory_space<hbm>> -> memref<128x128xf32, #tpu.memory_space<hbm>>
    %dma_start3A_1431 = arith.constant 0 : i32
    %dma_start3A_1432 = arith.constant 0 : i32
    %dma_start3A_1433 = tpu.memref_slice %arg19[%dma_start3A_1422, %dma_start3A_1431, %dma_start3A_1432] : memref<2x128x128xf32, #tpu.memory_space<vmem>> -> memref<1x128x128xf32, #tpu.memory_space<vmem>>
    %dma_start3A_1434 = tpu.memref_squeeze %dma_start3A_1433 : memref<1x128x128xf32, #tpu.memory_space<vmem>> -> memref<128x128xf32, #tpu.memory_space<vmem>>
    tpu.enqueue_dma source(%dma_start3A_1434 : memref<128x128xf32, #tpu.memory_space<vmem>>) target(%dma_start3A_1430 : memref<128x128xf32, #tpu.memory_space<hbm>>) target_semaphore(%arg26 : memref<!tpu.dma_semaphore, #tpu.memory_space<semaphore_mem>>)
    %dma_wait3A_1435 = arith.constant 1 : i32
    %dma_wait3A_1436 = arith.constant 0 : i32
    %dma_wait3A_1437 = arith.constant 0 : i32
    %dma_wait3A_1438 = tpu.memref_slice %arg18[%dma_wait3A_1435, %dma_wait3A_1436, %dma_wait3A_1437] : memref<2x128x128xf32, #tpu.memory_space<vmem>> -> memref<1x128x128xf32, #tpu.memory_space<vmem>>
    %dma_wait3A_1439 = tpu.memref_squeeze %dma_wait3A_1438 : memref<1x128x128xf32, #tpu.memory_space<vmem>> -> memref<128x128xf32, #tpu.memory_space<vmem>>
    %dma_wait3A_1440 = arith.constant 0 : i32
    %dma_wait3A_1441 = tpu.memref_slice %arg9[%add3A_1282, %dma_wait3A_1440] : memref<20480x128xf32, #tpu.memory_space<hbm>> -> memref<128x128xf32, #tpu.memory_space<hbm>>
    %dma_wait3A_1442 = arith.constant 0 : i32
    %dma_wait3A_1443 = tpu.memref_slice %arg9[%add3A_1282, %dma_wait3A_1442] : memref<20480x128xf32, #tpu.memory_space<hbm>> -> memref<128x128xf32, #tpu.memory_space<hbm>>
    %dma_wait3A_1444 = arith.constant 0 : i32
    %dma_wait3A_1445 = arith.constant 0 : i32
    %dma_wait3A_1446 = tpu.memref_slice %arg18[%dma_wait3A_1435, %dma_wait3A_1444, %dma_wait3A_1445] : memref<2x128x128xf32, #tpu.memory_space<vmem>> -> memref<1x128x128xf32, #tpu.memory_space<vmem>>
    %dma_wait3A_1447 = tpu.memref_squeeze %dma_wait3A_1446 : memref<1x128x128xf32, #tpu.memory_space<vmem>> -> memref<128x128xf32, #tpu.memory_space<vmem>>
    tpu.wait_dma2 semaphore(%arg27 : memref<!tpu.dma_semaphore, #tpu.memory_space<semaphore_mem>>) src(%dma_wait3A_1447 : memref<128x128xf32, #tpu.memory_space<vmem>>) dst(%dma_wait3A_1443 : memref<128x128xf32, #tpu.memory_space<hbm>>)
    %dma_wait3A_1448 = arith.constant 1 : i32
    %dma_wait3A_1449 = arith.constant 0 : i32
    %dma_wait3A_1450 = arith.constant 0 : i32
    %dma_wait3A_1451 = tpu.memref_slice %arg19[%dma_wait3A_1448, %dma_wait3A_1449, %dma_wait3A_1450] : memref<2x128x128xf32, #tpu.memory_space<vmem>> -> memref<1x128x128xf32, #tpu.memory_space<vmem>>
    %dma_wait3A_1452 = tpu.memref_squeeze %dma_wait3A_1451 : memref<1x128x128xf32, #tpu.memory_space<vmem>> -> memref<128x128xf32, #tpu.memory_space<vmem>>
    %dma_wait3A_1453 = arith.constant 0 : i32
    %dma_wait3A_1454 = tpu.memref_slice %arg10[%add3A_1282, %dma_wait3A_1453] : memref<20480x128xf32, #tpu.memory_space<hbm>> -> memref<128x128xf32, #tpu.memory_space<hbm>>
    %dma_wait3A_1455 = arith.constant 0 : i32
    %dma_wait3A_1456 = tpu.memref_slice %arg10[%add3A_1282, %dma_wait3A_1455] : memref<20480x128xf32, #tpu.memory_space<hbm>> -> memref<128x128xf32, #tpu.memory_space<hbm>>
    %dma_wait3A_1457 = arith.constant 0 : i32
    %dma_wait3A_1458 = arith.constant 0 : i32
    %dma_wait3A_1459 = tpu.memref_slice %arg19[%dma_wait3A_1448, %dma_wait3A_1457, %dma_wait3A_1458] : memref<2x128x128xf32, #tpu.memory_space<vmem>> -> memref<1x128x128xf32, #tpu.memory_space<vmem>>
    %dma_wait3A_1460 = tpu.memref_squeeze %dma_wait3A_1459 : memref<1x128x128xf32, #tpu.memory_space<vmem>> -> memref<128x128xf32, #tpu.memory_space<vmem>>
    tpu.wait_dma2 semaphore(%arg27 : memref<!tpu.dma_semaphore, #tpu.memory_space<semaphore_mem>>) src(%dma_wait3A_1460 : memref<128x128xf32, #tpu.memory_space<vmem>>) dst(%dma_wait3A_1456 : memref<128x128xf32, #tpu.memory_space<hbm>>)
    %dma_start3A_1461 = arith.constant 3 : i32
    %dma_start3A_1462 = arith.constant 1 : i32
    %dma_start3A_1463 = arith.constant 0 : i32
    %dma_start3A_1464 = arith.constant 0 : i32
    %dma_start3A_1465 = tpu.memref_slice %arg18[%dma_start3A_1462, %dma_start3A_1463, %dma_start3A_1464] : memref<2x128x128xf32, #tpu.memory_space<vmem>> -> memref<1x128x128xf32, #tpu.memory_space<vmem>>
    %dma_start3A_1466 = tpu.memref_squeeze %dma_start3A_1465 : memref<1x128x128xf32, #tpu.memory_space<vmem>> -> memref<128x128xf32, #tpu.memory_space<vmem>>
    %dma_start3A_1467 = arith.constant 0 : i32
    %dma_start3A_1468 = tpu.memref_slice %arg15[%dma_start3A_1461, %dma_start3A_1467] : memref<5x128xi32, #tpu.memory_space<vmem>> -> memref<1x128xi32, #tpu.memory_space<vmem>>
    %dma_start3A_1469 = tpu.memref_squeeze %dma_start3A_1468 : memref<1x128xi32, #tpu.memory_space<vmem>> -> memref<128xi32, #tpu.memory_space<vmem>>
    %dma_start3A_1470 = arith.constant 0 : i32
    %dma_start3A_1471 = arith.constant 0 : i32
    %dma_start3A_1472 = tpu.memref_slice %arg3[%dma_start3A_1470, %dma_start3A_1471] : memref<1000x128xf32, #tpu.memory_space<hbm>> -> memref<1000x128xf32, #tpu.memory_space<hbm>>
    tpu.enqueue_indirect_dma source(%dma_start3A_1472 : memref<1000x128xf32, #tpu.memory_space<hbm>>) target(%dma_start3A_1466 : memref<128x128xf32, #tpu.memory_space<vmem>>) offsets(%dma_start3A_1469 : memref<128xi32, #tpu.memory_space<vmem>>) semaphore(%arg23 : memref<!tpu.dma_semaphore, #tpu.memory_space<semaphore_mem>>)
    %dma_start3A_1473 = arith.constant 3 : i32
    %dma_start3A_1474 = arith.constant 1 : i32
    %dma_start3A_1475 = arith.constant 0 : i32
    %dma_start3A_1476 = arith.constant 0 : i32
    %dma_start3A_1477 = tpu.memref_slice %arg19[%dma_start3A_1474, %dma_start3A_1475, %dma_start3A_1476] : memref<2x128x128xf32, #tpu.memory_space<vmem>> -> memref<1x128x128xf32, #tpu.memory_space<vmem>>
    %dma_start3A_1478 = tpu.memref_squeeze %dma_start3A_1477 : memref<1x128x128xf32, #tpu.memory_space<vmem>> -> memref<128x128xf32, #tpu.memory_space<vmem>>
    %dma_start3A_1479 = arith.constant 0 : i32
    %dma_start3A_1480 = tpu.memref_slice %arg16[%dma_start3A_1473, %dma_start3A_1479] : memref<5x128xi32, #tpu.memory_space<vmem>> -> memref<1x128xi32, #tpu.memory_space<vmem>>
    %dma_start3A_1481 = tpu.memref_squeeze %dma_start3A_1480 : memref<1x128xi32, #tpu.memory_space<vmem>> -> memref<128xi32, #tpu.memory_space<vmem>>
    %dma_start3A_1482 = arith.constant 0 : i32
    %dma_start3A_1483 = arith.constant 0 : i32
    %dma_start3A_1484 = tpu.memref_slice %arg4[%dma_start3A_1482, %dma_start3A_1483] : memref<1000x128xf32, #tpu.memory_space<hbm>> -> memref<1000x128xf32, #tpu.memory_space<hbm>>
    tpu.enqueue_indirect_dma source(%dma_start3A_1484 : memref<1000x128xf32, #tpu.memory_space<hbm>>) target(%dma_start3A_1478 : memref<128x128xf32, #tpu.memory_space<vmem>>) offsets(%dma_start3A_1481 : memref<128xi32, #tpu.memory_space<vmem>>) semaphore(%arg25 : memref<!tpu.dma_semaphore, #tpu.memory_space<semaphore_mem>>)
    %add3A_1485 = arith.constant 12288 : i32
    %add3A_1486 = arith.addi %add3A_1485, %mul3A_2 : i32
    %dma_wait3A_1487 = arith.constant 3 : i32
    %dma_wait3A_1488 = arith.constant 1 : i32
    %dma_wait3A_1489 = arith.constant 0 : i32
    %dma_wait3A_1490 = arith.constant 0 : i32
    %dma_wait3A_1491 = tpu.memref_slice %arg18[%dma_wait3A_1488, %dma_wait3A_1489, %dma_wait3A_1490] : memref<2x128x128xf32, #tpu.memory_space<vmem>> -> memref<1x128x128xf32, #tpu.memory_space<vmem>>
    %dma_wait3A_1492 = tpu.memref_squeeze %dma_wait3A_1491 : memref<1x128x128xf32, #tpu.memory_space<vmem>> -> memref<128x128xf32, #tpu.memory_space<vmem>>
    %dma_wait3A_1493 = arith.constant 0 : i32
    %dma_wait3A_1494 = tpu.memref_slice %arg15[%dma_wait3A_1487, %dma_wait3A_1493] : memref<5x128xi32, #tpu.memory_space<vmem>> -> memref<1x128xi32, #tpu.memory_space<vmem>>
    %dma_wait3A_1495 = tpu.memref_squeeze %dma_wait3A_1494 : memref<1x128xi32, #tpu.memory_space<vmem>> -> memref<128xi32, #tpu.memory_space<vmem>>
    %dma_wait3A_1496 = arith.constant 0 : i32
    %dma_wait3A_1497 = arith.constant 0 : i32
    %dma_wait3A_1498 = tpu.memref_slice %arg3[%dma_wait3A_1496, %dma_wait3A_1497] : memref<1000x128xf32, #tpu.memory_space<hbm>> -> memref<1000x128xf32, #tpu.memory_space<hbm>>
    tpu.wait_indirect_dma semaphore(%arg23 : memref<!tpu.dma_semaphore, #tpu.memory_space<semaphore_mem>>) src(%dma_wait3A_1498 : memref<1000x128xf32, #tpu.memory_space<hbm>>) dst(%dma_wait3A_1492 : memref<128x128xf32, #tpu.memory_space<vmem>>)
    %dma_start3A_1499 = arith.constant 1 : i32
    %dma_start3A_1500 = arith.constant 0 : i32
    %dma_start3A_1501 = arith.constant 0 : i32
    %dma_start3A_1502 = tpu.memref_slice %arg18[%dma_start3A_1499, %dma_start3A_1500, %dma_start3A_1501] : memref<2x128x128xf32, #tpu.memory_space<vmem>> -> memref<1x128x128xf32, #tpu.memory_space<vmem>>
    %dma_start3A_1503 = tpu.memref_squeeze %dma_start3A_1502 : memref<1x128x128xf32, #tpu.memory_space<vmem>> -> memref<128x128xf32, #tpu.memory_space<vmem>>
    %dma_start3A_1504 = arith.constant 0 : i32
    %dma_start3A_1505 = tpu.memref_slice %arg9[%add3A_1486, %dma_start3A_1504] : memref<20480x128xf32, #tpu.memory_space<hbm>> -> memref<128x128xf32, #tpu.memory_space<hbm>>
    %dma_start3A_1506 = arith.constant 0 : i32
    %dma_start3A_1507 = tpu.memref_slice %arg9[%add3A_1486, %dma_start3A_1506] : memref<20480x128xf32, #tpu.memory_space<hbm>> -> memref<128x128xf32, #tpu.memory_space<hbm>>
    %dma_start3A_1508 = arith.constant 0 : i32
    %dma_start3A_1509 = arith.constant 0 : i32
    %dma_start3A_1510 = tpu.memref_slice %arg18[%dma_start3A_1499, %dma_start3A_1508, %dma_start3A_1509] : memref<2x128x128xf32, #tpu.memory_space<vmem>> -> memref<1x128x128xf32, #tpu.memory_space<vmem>>
    %dma_start3A_1511 = tpu.memref_squeeze %dma_start3A_1510 : memref<1x128x128xf32, #tpu.memory_space<vmem>> -> memref<128x128xf32, #tpu.memory_space<vmem>>
    tpu.enqueue_dma source(%dma_start3A_1511 : memref<128x128xf32, #tpu.memory_space<vmem>>) target(%dma_start3A_1507 : memref<128x128xf32, #tpu.memory_space<hbm>>) target_semaphore(%arg27 : memref<!tpu.dma_semaphore, #tpu.memory_space<semaphore_mem>>)
    %dma_wait3A_1512 = arith.constant 3 : i32
    %dma_wait3A_1513 = arith.constant 1 : i32
    %dma_wait3A_1514 = arith.constant 0 : i32
    %dma_wait3A_1515 = arith.constant 0 : i32
    %dma_wait3A_1516 = tpu.memref_slice %arg19[%dma_wait3A_1513, %dma_wait3A_1514, %dma_wait3A_1515] : memref<2x128x128xf32, #tpu.memory_space<vmem>> -> memref<1x128x128xf32, #tpu.memory_space<vmem>>
    %dma_wait3A_1517 = tpu.memref_squeeze %dma_wait3A_1516 : memref<1x128x128xf32, #tpu.memory_space<vmem>> -> memref<128x128xf32, #tpu.memory_space<vmem>>
    %dma_wait3A_1518 = arith.constant 0 : i32
    %dma_wait3A_1519 = tpu.memref_slice %arg16[%dma_wait3A_1512, %dma_wait3A_1518] : memref<5x128xi32, #tpu.memory_space<vmem>> -> memref<1x128xi32, #tpu.memory_space<vmem>>
    %dma_wait3A_1520 = tpu.memref_squeeze %dma_wait3A_1519 : memref<1x128xi32, #tpu.memory_space<vmem>> -> memref<128xi32, #tpu.memory_space<vmem>>
    %dma_wait3A_1521 = arith.constant 0 : i32
    %dma_wait3A_1522 = arith.constant 0 : i32
    %dma_wait3A_1523 = tpu.memref_slice %arg4[%dma_wait3A_1521, %dma_wait3A_1522] : memref<1000x128xf32, #tpu.memory_space<hbm>> -> memref<1000x128xf32, #tpu.memory_space<hbm>>
    tpu.wait_indirect_dma semaphore(%arg25 : memref<!tpu.dma_semaphore, #tpu.memory_space<semaphore_mem>>) src(%dma_wait3A_1523 : memref<1000x128xf32, #tpu.memory_space<hbm>>) dst(%dma_wait3A_1517 : memref<128x128xf32, #tpu.memory_space<vmem>>)
    %dma_start3A_1524 = arith.constant 1 : i32
    %dma_start3A_1525 = arith.constant 0 : i32
    %dma_start3A_1526 = arith.constant 0 : i32
    %dma_start3A_1527 = tpu.memref_slice %arg19[%dma_start3A_1524, %dma_start3A_1525, %dma_start3A_1526] : memref<2x128x128xf32, #tpu.memory_space<vmem>> -> memref<1x128x128xf32, #tpu.memory_space<vmem>>
    %dma_start3A_1528 = tpu.memref_squeeze %dma_start3A_1527 : memref<1x128x128xf32, #tpu.memory_space<vmem>> -> memref<128x128xf32, #tpu.memory_space<vmem>>
    %dma_start3A_1529 = arith.constant 0 : i32
    %dma_start3A_1530 = tpu.memref_slice %arg10[%add3A_1486, %dma_start3A_1529] : memref<20480x128xf32, #tpu.memory_space<hbm>> -> memref<128x128xf32, #tpu.memory_space<hbm>>
    %dma_start3A_1531 = arith.constant 0 : i32
    %dma_start3A_1532 = tpu.memref_slice %arg10[%add3A_1486, %dma_start3A_1531] : memref<20480x128xf32, #tpu.memory_space<hbm>> -> memref<128x128xf32, #tpu.memory_space<hbm>>
    %dma_start3A_1533 = arith.constant 0 : i32
    %dma_start3A_1534 = arith.constant 0 : i32
    %dma_start3A_1535 = tpu.memref_slice %arg19[%dma_start3A_1524, %dma_start3A_1533, %dma_start3A_1534] : memref<2x128x128xf32, #tpu.memory_space<vmem>> -> memref<1x128x128xf32, #tpu.memory_space<vmem>>
    %dma_start3A_1536 = tpu.memref_squeeze %dma_start3A_1535 : memref<1x128x128xf32, #tpu.memory_space<vmem>> -> memref<128x128xf32, #tpu.memory_space<vmem>>
    tpu.enqueue_dma source(%dma_start3A_1536 : memref<128x128xf32, #tpu.memory_space<vmem>>) target(%dma_start3A_1532 : memref<128x128xf32, #tpu.memory_space<hbm>>) target_semaphore(%arg27 : memref<!tpu.dma_semaphore, #tpu.memory_space<semaphore_mem>>)
    %dma_wait3A_1537 = arith.constant 0 : i32
    %dma_wait3A_1538 = arith.constant 0 : i32
    %dma_wait3A_1539 = arith.constant 0 : i32
    %dma_wait3A_1540 = tpu.memref_slice %arg18[%dma_wait3A_1537, %dma_wait3A_1538, %dma_wait3A_1539] : memref<2x128x128xf32, #tpu.memory_space<vmem>> -> memref<1x128x128xf32, #tpu.memory_space<vmem>>
    %dma_wait3A_1541 = tpu.memref_squeeze %dma_wait3A_1540 : memref<1x128x128xf32, #tpu.memory_space<vmem>> -> memref<128x128xf32, #tpu.memory_space<vmem>>
    %dma_wait3A_1542 = arith.constant 0 : i32
    %dma_wait3A_1543 = tpu.memref_slice %arg9[%add3A_1384, %dma_wait3A_1542] : memref<20480x128xf32, #tpu.memory_space<hbm>> -> memref<128x128xf32, #tpu.memory_space<hbm>>
    %dma_wait3A_1544 = arith.constant 0 : i32
    %dma_wait3A_1545 = tpu.memref_slice %arg9[%add3A_1384, %dma_wait3A_1544] : memref<20480x128xf32, #tpu.memory_space<hbm>> -> memref<128x128xf32, #tpu.memory_space<hbm>>
    %dma_wait3A_1546 = arith.constant 0 : i32
    %dma_wait3A_1547 = arith.constant 0 : i32
    %dma_wait3A_1548 = tpu.memref_slice %arg18[%dma_wait3A_1537, %dma_wait3A_1546, %dma_wait3A_1547] : memref<2x128x128xf32, #tpu.memory_space<vmem>> -> memref<1x128x128xf32, #tpu.memory_space<vmem>>
    %dma_wait3A_1549 = tpu.memref_squeeze %dma_wait3A_1548 : memref<1x128x128xf32, #tpu.memory_space<vmem>> -> memref<128x128xf32, #tpu.memory_space<vmem>>
    tpu.wait_dma2 semaphore(%arg26 : memref<!tpu.dma_semaphore, #tpu.memory_space<semaphore_mem>>) src(%dma_wait3A_1549 : memref<128x128xf32, #tpu.memory_space<vmem>>) dst(%dma_wait3A_1545 : memref<128x128xf32, #tpu.memory_space<hbm>>)
    %dma_wait3A_1550 = arith.constant 0 : i32
    %dma_wait3A_1551 = arith.constant 0 : i32
    %dma_wait3A_1552 = arith.constant 0 : i32
    %dma_wait3A_1553 = tpu.memref_slice %arg19[%dma_wait3A_1550, %dma_wait3A_1551, %dma_wait3A_1552] : memref<2x128x128xf32, #tpu.memory_space<vmem>> -> memref<1x128x128xf32, #tpu.memory_space<vmem>>
    %dma_wait3A_1554 = tpu.memref_squeeze %dma_wait3A_1553 : memref<1x128x128xf32, #tpu.memory_space<vmem>> -> memref<128x128xf32, #tpu.memory_space<vmem>>
    %dma_wait3A_1555 = arith.constant 0 : i32
    %dma_wait3A_1556 = tpu.memref_slice %arg10[%add3A_1384, %dma_wait3A_1555] : memref<20480x128xf32, #tpu.memory_space<hbm>> -> memref<128x128xf32, #tpu.memory_space<hbm>>
    %dma_wait3A_1557 = arith.constant 0 : i32
    %dma_wait3A_1558 = tpu.memref_slice %arg10[%add3A_1384, %dma_wait3A_1557] : memref<20480x128xf32, #tpu.memory_space<hbm>> -> memref<128x128xf32, #tpu.memory_space<hbm>>
    %dma_wait3A_1559 = arith.constant 0 : i32
    %dma_wait3A_1560 = arith.constant 0 : i32
    %dma_wait3A_1561 = tpu.memref_slice %arg19[%dma_wait3A_1550, %dma_wait3A_1559, %dma_wait3A_1560] : memref<2x128x128xf32, #tpu.memory_space<vmem>> -> memref<1x128x128xf32, #tpu.memory_space<vmem>>
    %dma_wait3A_1562 = tpu.memref_squeeze %dma_wait3A_1561 : memref<1x128x128xf32, #tpu.memory_space<vmem>> -> memref<128x128xf32, #tpu.memory_space<vmem>>
    tpu.wait_dma2 semaphore(%arg26 : memref<!tpu.dma_semaphore, #tpu.memory_space<semaphore_mem>>) src(%dma_wait3A_1562 : memref<128x128xf32, #tpu.memory_space<vmem>>) dst(%dma_wait3A_1558 : memref<128x128xf32, #tpu.memory_space<hbm>>)
    %dma_start3A_1563 = arith.constant 4 : i32
    %dma_start3A_1564 = arith.constant 0 : i32
    %dma_start3A_1565 = arith.constant 0 : i32
    %dma_start3A_1566 = arith.constant 0 : i32
    %dma_start3A_1567 = tpu.memref_slice %arg18[%dma_start3A_1564, %dma_start3A_1565, %dma_start3A_1566] : memref<2x128x128xf32, #tpu.memory_space<vmem>> -> memref<1x128x128xf32, #tpu.memory_space<vmem>>
    %dma_start3A_1568 = tpu.memref_squeeze %dma_start3A_1567 : memref<1x128x128xf32, #tpu.memory_space<vmem>> -> memref<128x128xf32, #tpu.memory_space<vmem>>
    %dma_start3A_1569 = arith.constant 0 : i32
    %dma_start3A_1570 = tpu.memref_slice %arg15[%dma_start3A_1563, %dma_start3A_1569] : memref<5x128xi32, #tpu.memory_space<vmem>> -> memref<1x128xi32, #tpu.memory_space<vmem>>
    %dma_start3A_1571 = tpu.memref_squeeze %dma_start3A_1570 : memref<1x128xi32, #tpu.memory_space<vmem>> -> memref<128xi32, #tpu.memory_space<vmem>>
    %dma_start3A_1572 = arith.constant 0 : i32
    %dma_start3A_1573 = arith.constant 0 : i32
    %dma_start3A_1574 = tpu.memref_slice %arg3[%dma_start3A_1572, %dma_start3A_1573] : memref<1000x128xf32, #tpu.memory_space<hbm>> -> memref<1000x128xf32, #tpu.memory_space<hbm>>
    tpu.enqueue_indirect_dma source(%dma_start3A_1574 : memref<1000x128xf32, #tpu.memory_space<hbm>>) target(%dma_start3A_1568 : memref<128x128xf32, #tpu.memory_space<vmem>>) offsets(%dma_start3A_1571 : memref<128xi32, #tpu.memory_space<vmem>>) semaphore(%arg22 : memref<!tpu.dma_semaphore, #tpu.memory_space<semaphore_mem>>)
    %dma_start3A_1575 = arith.constant 4 : i32
    %dma_start3A_1576 = arith.constant 0 : i32
    %dma_start3A_1577 = arith.constant 0 : i32
    %dma_start3A_1578 = arith.constant 0 : i32
    %dma_start3A_1579 = tpu.memref_slice %arg19[%dma_start3A_1576, %dma_start3A_1577, %dma_start3A_1578] : memref<2x128x128xf32, #tpu.memory_space<vmem>> -> memref<1x128x128xf32, #tpu.memory_space<vmem>>
    %dma_start3A_1580 = tpu.memref_squeeze %dma_start3A_1579 : memref<1x128x128xf32, #tpu.memory_space<vmem>> -> memref<128x128xf32, #tpu.memory_space<vmem>>
    %dma_start3A_1581 = arith.constant 0 : i32
    %dma_start3A_1582 = tpu.memref_slice %arg16[%dma_start3A_1575, %dma_start3A_1581] : memref<5x128xi32, #tpu.memory_space<vmem>> -> memref<1x128xi32, #tpu.memory_space<vmem>>
    %dma_start3A_1583 = tpu.memref_squeeze %dma_start3A_1582 : memref<1x128xi32, #tpu.memory_space<vmem>> -> memref<128xi32, #tpu.memory_space<vmem>>
    %dma_start3A_1584 = arith.constant 0 : i32
    %dma_start3A_1585 = arith.constant 0 : i32
    %dma_start3A_1586 = tpu.memref_slice %arg4[%dma_start3A_1584, %dma_start3A_1585] : memref<1000x128xf32, #tpu.memory_space<hbm>> -> memref<1000x128xf32, #tpu.memory_space<hbm>>
    tpu.enqueue_indirect_dma source(%dma_start3A_1586 : memref<1000x128xf32, #tpu.memory_space<hbm>>) target(%dma_start3A_1580 : memref<128x128xf32, #tpu.memory_space<vmem>>) offsets(%dma_start3A_1583 : memref<128xi32, #tpu.memory_space<vmem>>) semaphore(%arg24 : memref<!tpu.dma_semaphore, #tpu.memory_space<semaphore_mem>>)
    %add3A_1587 = arith.constant 16384 : i32
    %add3A_1588 = arith.addi %add3A_1587, %mul3A_2 : i32
    %dma_wait3A_1589 = arith.constant 4 : i32
    %dma_wait3A_1590 = arith.constant 0 : i32
    %dma_wait3A_1591 = arith.constant 0 : i32
    %dma_wait3A_1592 = arith.constant 0 : i32
    %dma_wait3A_1593 = tpu.memref_slice %arg18[%dma_wait3A_1590, %dma_wait3A_1591, %dma_wait3A_1592] : memref<2x128x128xf32, #tpu.memory_space<vmem>> -> memref<1x128x128xf32, #tpu.memory_space<vmem>>
    %dma_wait3A_1594 = tpu.memref_squeeze %dma_wait3A_1593 : memref<1x128x128xf32, #tpu.memory_space<vmem>> -> memref<128x128xf32, #tpu.memory_space<vmem>>
    %dma_wait3A_1595 = arith.constant 0 : i32
    %dma_wait3A_1596 = tpu.memref_slice %arg15[%dma_wait3A_1589, %dma_wait3A_1595] : memref<5x128xi32, #tpu.memory_space<vmem>> -> memref<1x128xi32, #tpu.memory_space<vmem>>
    %dma_wait3A_1597 = tpu.memref_squeeze %dma_wait3A_1596 : memref<1x128xi32, #tpu.memory_space<vmem>> -> memref<128xi32, #tpu.memory_space<vmem>>
    %dma_wait3A_1598 = arith.constant 0 : i32
    %dma_wait3A_1599 = arith.constant 0 : i32
    %dma_wait3A_1600 = tpu.memref_slice %arg3[%dma_wait3A_1598, %dma_wait3A_1599] : memref<1000x128xf32, #tpu.memory_space<hbm>> -> memref<1000x128xf32, #tpu.memory_space<hbm>>
    tpu.wait_indirect_dma semaphore(%arg22 : memref<!tpu.dma_semaphore, #tpu.memory_space<semaphore_mem>>) src(%dma_wait3A_1600 : memref<1000x128xf32, #tpu.memory_space<hbm>>) dst(%dma_wait3A_1594 : memref<128x128xf32, #tpu.memory_space<vmem>>)
    %dma_start3A_1601 = arith.constant 0 : i32
    %dma_start3A_1602 = arith.constant 0 : i32
    %dma_start3A_1603 = arith.constant 0 : i32
    %dma_start3A_1604 = tpu.memref_slice %arg18[%dma_start3A_1601, %dma_start3A_1602, %dma_start3A_1603] : memref<2x128x128xf32, #tpu.memory_space<vmem>> -> memref<1x128x128xf32, #tpu.memory_space<vmem>>
    %dma_start3A_1605 = tpu.memref_squeeze %dma_start3A_1604 : memref<1x128x128xf32, #tpu.memory_space<vmem>> -> memref<128x128xf32, #tpu.memory_space<vmem>>
    %dma_start3A_1606 = arith.constant 0 : i32
    %dma_start3A_1607 = tpu.memref_slice %arg9[%add3A_1588, %dma_start3A_1606] : memref<20480x128xf32, #tpu.memory_space<hbm>> -> memref<128x128xf32, #tpu.memory_space<hbm>>
    %dma_start3A_1608 = arith.constant 0 : i32
    %dma_start3A_1609 = tpu.memref_slice %arg9[%add3A_1588, %dma_start3A_1608] : memref<20480x128xf32, #tpu.memory_space<hbm>> -> memref<128x128xf32, #tpu.memory_space<hbm>>
    %dma_start3A_1610 = arith.constant 0 : i32
    %dma_start3A_1611 = arith.constant 0 : i32
    %dma_start3A_1612 = tpu.memref_slice %arg18[%dma_start3A_1601, %dma_start3A_1610, %dma_start3A_1611] : memref<2x128x128xf32, #tpu.memory_space<vmem>> -> memref<1x128x128xf32, #tpu.memory_space<vmem>>
    %dma_start3A_1613 = tpu.memref_squeeze %dma_start3A_1612 : memref<1x128x128xf32, #tpu.memory_space<vmem>> -> memref<128x128xf32, #tpu.memory_space<vmem>>
    tpu.enqueue_dma source(%dma_start3A_1613 : memref<128x128xf32, #tpu.memory_space<vmem>>) target(%dma_start3A_1609 : memref<128x128xf32, #tpu.memory_space<hbm>>) target_semaphore(%arg26 : memref<!tpu.dma_semaphore, #tpu.memory_space<semaphore_mem>>)
    %dma_wait3A_1614 = arith.constant 4 : i32
    %dma_wait3A_1615 = arith.constant 0 : i32
    %dma_wait3A_1616 = arith.constant 0 : i32
    %dma_wait3A_1617 = arith.constant 0 : i32
    %dma_wait3A_1618 = tpu.memref_slice %arg19[%dma_wait3A_1615, %dma_wait3A_1616, %dma_wait3A_1617] : memref<2x128x128xf32, #tpu.memory_space<vmem>> -> memref<1x128x128xf32, #tpu.memory_space<vmem>>
    %dma_wait3A_1619 = tpu.memref_squeeze %dma_wait3A_1618 : memref<1x128x128xf32, #tpu.memory_space<vmem>> -> memref<128x128xf32, #tpu.memory_space<vmem>>
    %dma_wait3A_1620 = arith.constant 0 : i32
    %dma_wait3A_1621 = tpu.memref_slice %arg16[%dma_wait3A_1614, %dma_wait3A_1620] : memref<5x128xi32, #tpu.memory_space<vmem>> -> memref<1x128xi32, #tpu.memory_space<vmem>>
    %dma_wait3A_1622 = tpu.memref_squeeze %dma_wait3A_1621 : memref<1x128xi32, #tpu.memory_space<vmem>> -> memref<128xi32, #tpu.memory_space<vmem>>
    %dma_wait3A_1623 = arith.constant 0 : i32
    %dma_wait3A_1624 = arith.constant 0 : i32
    %dma_wait3A_1625 = tpu.memref_slice %arg4[%dma_wait3A_1623, %dma_wait3A_1624] : memref<1000x128xf32, #tpu.memory_space<hbm>> -> memref<1000x128xf32, #tpu.memory_space<hbm>>
    tpu.wait_indirect_dma semaphore(%arg24 : memref<!tpu.dma_semaphore, #tpu.memory_space<semaphore_mem>>) src(%dma_wait3A_1625 : memref<1000x128xf32, #tpu.memory_space<hbm>>) dst(%dma_wait3A_1619 : memref<128x128xf32, #tpu.memory_space<vmem>>)
    %dma_start3A_1626 = arith.constant 0 : i32
    %dma_start3A_1627 = arith.constant 0 : i32
    %dma_start3A_1628 = arith.constant 0 : i32
    %dma_start3A_1629 = tpu.memref_slice %arg19[%dma_start3A_1626, %dma_start3A_1627, %dma_start3A_1628] : memref<2x128x128xf32, #tpu.memory_space<vmem>> -> memref<1x128x128xf32, #tpu.memory_space<vmem>>
    %dma_start3A_1630 = tpu.memref_squeeze %dma_start3A_1629 : memref<1x128x128xf32, #tpu.memory_space<vmem>> -> memref<128x128xf32, #tpu.memory_space<vmem>>
    %dma_start3A_1631 = arith.constant 0 : i32
    %dma_start3A_1632 = tpu.memref_slice %arg10[%add3A_1588, %dma_start3A_1631] : memref<20480x128xf32, #tpu.memory_space<hbm>> -> memref<128x128xf32, #tpu.memory_space<hbm>>
    %dma_start3A_1633 = arith.constant 0 : i32
    %dma_start3A_1634 = tpu.memref_slice %arg10[%add3A_1588, %dma_start3A_1633] : memref<20480x128xf32, #tpu.memory_space<hbm>> -> memref<128x128xf32, #tpu.memory_space<hbm>>
    %dma_start3A_1635 = arith.constant 0 : i32
    %dma_start3A_1636 = arith.constant 0 : i32
    %dma_start3A_1637 = tpu.memref_slice %arg19[%dma_start3A_1626, %dma_start3A_1635, %dma_start3A_1636] : memref<2x128x128xf32, #tpu.memory_space<vmem>> -> memref<1x128x128xf32, #tpu.memory_space<vmem>>
    %dma_start3A_1638 = tpu.memref_squeeze %dma_start3A_1637 : memref<1x128x128xf32, #tpu.memory_space<vmem>> -> memref<128x128xf32, #tpu.memory_space<vmem>>
    tpu.enqueue_dma source(%dma_start3A_1638 : memref<128x128xf32, #tpu.memory_space<vmem>>) target(%dma_start3A_1634 : memref<128x128xf32, #tpu.memory_space<hbm>>) target_semaphore(%arg26 : memref<!tpu.dma_semaphore, #tpu.memory_space<semaphore_mem>>)
    %dma_wait3A_1639 = arith.constant 0 : i32
    %dma_wait3A_1640 = arith.constant 0 : i32
    %dma_wait3A_1641 = arith.constant 0 : i32
    %dma_wait3A_1642 = tpu.memref_slice %arg17[%dma_wait3A_1640, %dma_wait3A_1641] : memref<640x64xf32, #tpu.memory_space<vmem>> -> memref<128x64xf32, #tpu.memory_space<vmem>>
    %dma_wait3A_1643 = arith.constant 0 : i32
    %dma_wait3A_1644 = tpu.memref_slice %arg14[%dma_wait3A_1639, %dma_wait3A_1643] : memref<5x128xi32, #tpu.memory_space<vmem>> -> memref<1x128xi32, #tpu.memory_space<vmem>>
    %dma_wait3A_1645 = tpu.memref_squeeze %dma_wait3A_1644 : memref<1x128xi32, #tpu.memory_space<vmem>> -> memref<128xi32, #tpu.memory_space<vmem>>
    %dma_wait3A_1646 = arith.constant 0 : i32
    %dma_wait3A_1647 = arith.constant 0 : i32
    %dma_wait3A_1648 = tpu.memref_slice %arg2[%dma_wait3A_1646, %dma_wait3A_1647] : memref<100000x64xf32, #tpu.memory_space<hbm>> -> memref<100000x64xf32, #tpu.memory_space<hbm>>
    tpu.wait_indirect_dma semaphore(%arg21 : memref<!tpu.dma_semaphore, #tpu.memory_space<semaphore_mem>>) src(%dma_wait3A_1648 : memref<100000x64xf32, #tpu.memory_space<hbm>>) dst(%dma_wait3A_1642 : memref<128x64xf32, #tpu.memory_space<vmem>>)
    %dma_wait3A_1649 = arith.constant 1 : i32
    %dma_wait3A_1650 = arith.constant 128 : i32
    %dma_wait3A_1651 = arith.constant 0 : i32
    %dma_wait3A_1652 = tpu.memref_slice %arg17[%dma_wait3A_1650, %dma_wait3A_1651] : memref<640x64xf32, #tpu.memory_space<vmem>> -> memref<128x64xf32, #tpu.memory_space<vmem>>
    %dma_wait3A_1653 = arith.constant 0 : i32
    %dma_wait3A_1654 = tpu.memref_slice %arg14[%dma_wait3A_1649, %dma_wait3A_1653] : memref<5x128xi32, #tpu.memory_space<vmem>> -> memref<1x128xi32, #tpu.memory_space<vmem>>
    %dma_wait3A_1655 = tpu.memref_squeeze %dma_wait3A_1654 : memref<1x128xi32, #tpu.memory_space<vmem>> -> memref<128xi32, #tpu.memory_space<vmem>>
    %dma_wait3A_1656 = arith.constant 0 : i32
    %dma_wait3A_1657 = arith.constant 0 : i32
    %dma_wait3A_1658 = tpu.memref_slice %arg2[%dma_wait3A_1656, %dma_wait3A_1657] : memref<100000x64xf32, #tpu.memory_space<hbm>> -> memref<100000x64xf32, #tpu.memory_space<hbm>>
    tpu.wait_indirect_dma semaphore(%arg21 : memref<!tpu.dma_semaphore, #tpu.memory_space<semaphore_mem>>) src(%dma_wait3A_1658 : memref<100000x64xf32, #tpu.memory_space<hbm>>) dst(%dma_wait3A_1652 : memref<128x64xf32, #tpu.memory_space<vmem>>)
    %dma_wait3A_1659 = arith.constant 2 : i32
    %dma_wait3A_1660 = arith.constant 256 : i32
    %dma_wait3A_1661 = arith.constant 0 : i32
    %dma_wait3A_1662 = tpu.memref_slice %arg17[%dma_wait3A_1660, %dma_wait3A_1661] : memref<640x64xf32, #tpu.memory_space<vmem>> -> memref<128x64xf32, #tpu.memory_space<vmem>>
    %dma_wait3A_1663 = arith.constant 0 : i32
    %dma_wait3A_1664 = tpu.memref_slice %arg14[%dma_wait3A_1659, %dma_wait3A_1663] : memref<5x128xi32, #tpu.memory_space<vmem>> -> memref<1x128xi32, #tpu.memory_space<vmem>>
    %dma_wait3A_1665 = tpu.memref_squeeze %dma_wait3A_1664 : memref<1x128xi32, #tpu.memory_space<vmem>> -> memref<128xi32, #tpu.memory_space<vmem>>
    %dma_wait3A_1666 = arith.constant 0 : i32
    %dma_wait3A_1667 = arith.constant 0 : i32
    %dma_wait3A_1668 = tpu.memref_slice %arg2[%dma_wait3A_1666, %dma_wait3A_1667] : memref<100000x64xf32, #tpu.memory_space<hbm>> -> memref<100000x64xf32, #tpu.memory_space<hbm>>
    tpu.wait_indirect_dma semaphore(%arg21 : memref<!tpu.dma_semaphore, #tpu.memory_space<semaphore_mem>>) src(%dma_wait3A_1668 : memref<100000x64xf32, #tpu.memory_space<hbm>>) dst(%dma_wait3A_1662 : memref<128x64xf32, #tpu.memory_space<vmem>>)
    %dma_wait3A_1669 = arith.constant 3 : i32
    %dma_wait3A_1670 = arith.constant 384 : i32
    %dma_wait3A_1671 = arith.constant 0 : i32
    %dma_wait3A_1672 = tpu.memref_slice %arg17[%dma_wait3A_1670, %dma_wait3A_1671] : memref<640x64xf32, #tpu.memory_space<vmem>> -> memref<128x64xf32, #tpu.memory_space<vmem>>
    %dma_wait3A_1673 = arith.constant 0 : i32
    %dma_wait3A_1674 = tpu.memref_slice %arg14[%dma_wait3A_1669, %dma_wait3A_1673] : memref<5x128xi32, #tpu.memory_space<vmem>> -> memref<1x128xi32, #tpu.memory_space<vmem>>
    %dma_wait3A_1675 = tpu.memref_squeeze %dma_wait3A_1674 : memref<1x128xi32, #tpu.memory_space<vmem>> -> memref<128xi32, #tpu.memory_space<vmem>>
    %dma_wait3A_1676 = arith.constant 0 : i32
    %dma_wait3A_1677 = arith.constant 0 : i32
    %dma_wait3A_1678 = tpu.memref_slice %arg2[%dma_wait3A_1676, %dma_wait3A_1677] : memref<100000x64xf32, #tpu.memory_space<hbm>> -> memref<100000x64xf32, #tpu.memory_space<hbm>>
    tpu.wait_indirect_dma semaphore(%arg21 : memref<!tpu.dma_semaphore, #tpu.memory_space<semaphore_mem>>) src(%dma_wait3A_1678 : memref<100000x64xf32, #tpu.memory_space<hbm>>) dst(%dma_wait3A_1672 : memref<128x64xf32, #tpu.memory_space<vmem>>)
    %dma_wait3A_1679 = arith.constant 4 : i32
    %dma_wait3A_1680 = arith.constant 512 : i32
    %dma_wait3A_1681 = arith.constant 0 : i32
    %dma_wait3A_1682 = tpu.memref_slice %arg17[%dma_wait3A_1680, %dma_wait3A_1681] : memref<640x64xf32, #tpu.memory_space<vmem>> -> memref<128x64xf32, #tpu.memory_space<vmem>>
    %dma_wait3A_1683 = arith.constant 0 : i32
    %dma_wait3A_1684 = tpu.memref_slice %arg14[%dma_wait3A_1679, %dma_wait3A_1683] : memref<5x128xi32, #tpu.memory_space<vmem>> -> memref<1x128xi32, #tpu.memory_space<vmem>>
    %dma_wait3A_1685 = tpu.memref_squeeze %dma_wait3A_1684 : memref<1x128xi32, #tpu.memory_space<vmem>> -> memref<128xi32, #tpu.memory_space<vmem>>
    %dma_wait3A_1686 = arith.constant 0 : i32
    %dma_wait3A_1687 = arith.constant 0 : i32
    %dma_wait3A_1688 = tpu.memref_slice %arg2[%dma_wait3A_1686, %dma_wait3A_1687] : memref<100000x64xf32, #tpu.memory_space<hbm>> -> memref<100000x64xf32, #tpu.memory_space<hbm>>
    tpu.wait_indirect_dma semaphore(%arg21 : memref<!tpu.dma_semaphore, #tpu.memory_space<semaphore_mem>>) src(%dma_wait3A_1688 : memref<100000x64xf32, #tpu.memory_space<hbm>>) dst(%dma_wait3A_1682 : memref<128x64xf32, #tpu.memory_space<vmem>>)
    %add3A_1689 = arith.constant 0 : i32
    %add3A_1690 = arith.addi %add3A_1689, %mul3A_2 : i32
    %dma_start3A_1691 = arith.constant 0 : i32
    %dma_start3A_1692 = arith.constant 0 : i32
    %dma_start3A_1693 = tpu.memref_slice %arg17[%dma_start3A_1691, %dma_start3A_1692] : memref<640x64xf32, #tpu.memory_space<vmem>> -> memref<128x64xf32, #tpu.memory_space<vmem>>
    %dma_start3A_1694 = arith.constant 0 : i32
    %dma_start3A_1695 = tpu.memref_slice %arg8[%add3A_1690, %dma_start3A_1694] : memref<20480x64xf32, #tpu.memory_space<hbm>> -> memref<128x64xf32, #tpu.memory_space<hbm>>
    %dma_start3A_1696 = arith.constant 0 : i32
    %dma_start3A_1697 = tpu.memref_slice %arg8[%add3A_1690, %dma_start3A_1696] : memref<20480x64xf32, #tpu.memory_space<hbm>> -> memref<128x64xf32, #tpu.memory_space<hbm>>
    %dma_start3A_1698 = arith.constant 0 : i32
    %dma_start3A_1699 = arith.constant 0 : i32
    %dma_start3A_1700 = tpu.memref_slice %arg17[%dma_start3A_1698, %dma_start3A_1699] : memref<640x64xf32, #tpu.memory_space<vmem>> -> memref<128x64xf32, #tpu.memory_space<vmem>>
    tpu.enqueue_dma source(%dma_start3A_1700 : memref<128x64xf32, #tpu.memory_space<vmem>>) target(%dma_start3A_1697 : memref<128x64xf32, #tpu.memory_space<hbm>>) target_semaphore(%arg21 : memref<!tpu.dma_semaphore, #tpu.memory_space<semaphore_mem>>)
    %add3A_1701 = arith.constant 4096 : i32
    %add3A_1702 = arith.addi %add3A_1701, %mul3A_2 : i32
    %dma_start3A_1703 = arith.constant 128 : i32
    %dma_start3A_1704 = arith.constant 0 : i32
    %dma_start3A_1705 = tpu.memref_slice %arg17[%dma_start3A_1703, %dma_start3A_1704] : memref<640x64xf32, #tpu.memory_space<vmem>> -> memref<128x64xf32, #tpu.memory_space<vmem>>
    %dma_start3A_1706 = arith.constant 0 : i32
    %dma_start3A_1707 = tpu.memref_slice %arg8[%add3A_1702, %dma_start3A_1706] : memref<20480x64xf32, #tpu.memory_space<hbm>> -> memref<128x64xf32, #tpu.memory_space<hbm>>
    %dma_start3A_1708 = arith.constant 0 : i32
    %dma_start3A_1709 = tpu.memref_slice %arg8[%add3A_1702, %dma_start3A_1708] : memref<20480x64xf32, #tpu.memory_space<hbm>> -> memref<128x64xf32, #tpu.memory_space<hbm>>
    %dma_start3A_1710 = arith.constant 128 : i32
    %dma_start3A_1711 = arith.constant 0 : i32
    %dma_start3A_1712 = tpu.memref_slice %arg17[%dma_start3A_1710, %dma_start3A_1711] : memref<640x64xf32, #tpu.memory_space<vmem>> -> memref<128x64xf32, #tpu.memory_space<vmem>>
    tpu.enqueue_dma source(%dma_start3A_1712 : memref<128x64xf32, #tpu.memory_space<vmem>>) target(%dma_start3A_1709 : memref<128x64xf32, #tpu.memory_space<hbm>>) target_semaphore(%arg21 : memref<!tpu.dma_semaphore, #tpu.memory_space<semaphore_mem>>)
    %add3A_1713 = arith.constant 8192 : i32
    %add3A_1714 = arith.addi %add3A_1713, %mul3A_2 : i32
    %dma_start3A_1715 = arith.constant 256 : i32
    %dma_start3A_1716 = arith.constant 0 : i32
    %dma_start3A_1717 = tpu.memref_slice %arg17[%dma_start3A_1715, %dma_start3A_1716] : memref<640x64xf32, #tpu.memory_space<vmem>> -> memref<128x64xf32, #tpu.memory_space<vmem>>
    %dma_start3A_1718 = arith.constant 0 : i32
    %dma_start3A_1719 = tpu.memref_slice %arg8[%add3A_1714, %dma_start3A_1718] : memref<20480x64xf32, #tpu.memory_space<hbm>> -> memref<128x64xf32, #tpu.memory_space<hbm>>
    %dma_start3A_1720 = arith.constant 0 : i32
    %dma_start3A_1721 = tpu.memref_slice %arg8[%add3A_1714, %dma_start3A_1720] : memref<20480x64xf32, #tpu.memory_space<hbm>> -> memref<128x64xf32, #tpu.memory_space<hbm>>
    %dma_start3A_1722 = arith.constant 256 : i32
    %dma_start3A_1723 = arith.constant 0 : i32
    %dma_start3A_1724 = tpu.memref_slice %arg17[%dma_start3A_1722, %dma_start3A_1723] : memref<640x64xf32, #tpu.memory_space<vmem>> -> memref<128x64xf32, #tpu.memory_space<vmem>>
    tpu.enqueue_dma source(%dma_start3A_1724 : memref<128x64xf32, #tpu.memory_space<vmem>>) target(%dma_start3A_1721 : memref<128x64xf32, #tpu.memory_space<hbm>>) target_semaphore(%arg21 : memref<!tpu.dma_semaphore, #tpu.memory_space<semaphore_mem>>)
    %add3A_1725 = arith.constant 12288 : i32
    %add3A_1726 = arith.addi %add3A_1725, %mul3A_2 : i32
    %dma_start3A_1727 = arith.constant 384 : i32
    %dma_start3A_1728 = arith.constant 0 : i32
    %dma_start3A_1729 = tpu.memref_slice %arg17[%dma_start3A_1727, %dma_start3A_1728] : memref<640x64xf32, #tpu.memory_space<vmem>> -> memref<128x64xf32, #tpu.memory_space<vmem>>
    %dma_start3A_1730 = arith.constant 0 : i32
    %dma_start3A_1731 = tpu.memref_slice %arg8[%add3A_1726, %dma_start3A_1730] : memref<20480x64xf32, #tpu.memory_space<hbm>> -> memref<128x64xf32, #tpu.memory_space<hbm>>
    %dma_start3A_1732 = arith.constant 0 : i32
    %dma_start3A_1733 = tpu.memref_slice %arg8[%add3A_1726, %dma_start3A_1732] : memref<20480x64xf32, #tpu.memory_space<hbm>> -> memref<128x64xf32, #tpu.memory_space<hbm>>
    %dma_start3A_1734 = arith.constant 384 : i32
    %dma_start3A_1735 = arith.constant 0 : i32
    %dma_start3A_1736 = tpu.memref_slice %arg17[%dma_start3A_1734, %dma_start3A_1735] : memref<640x64xf32, #tpu.memory_space<vmem>> -> memref<128x64xf32, #tpu.memory_space<vmem>>
    tpu.enqueue_dma source(%dma_start3A_1736 : memref<128x64xf32, #tpu.memory_space<vmem>>) target(%dma_start3A_1733 : memref<128x64xf32, #tpu.memory_space<hbm>>) target_semaphore(%arg21 : memref<!tpu.dma_semaphore, #tpu.memory_space<semaphore_mem>>)
    %add3A_1737 = arith.constant 16384 : i32
    %add3A_1738 = arith.addi %add3A_1737, %mul3A_2 : i32
    %dma_start3A_1739 = arith.constant 512 : i32
    %dma_start3A_1740 = arith.constant 0 : i32
    %dma_start3A_1741 = tpu.memref_slice %arg17[%dma_start3A_1739, %dma_start3A_1740] : memref<640x64xf32, #tpu.memory_space<vmem>> -> memref<128x64xf32, #tpu.memory_space<vmem>>
    %dma_start3A_1742 = arith.constant 0 : i32
    %dma_start3A_1743 = tpu.memref_slice %arg8[%add3A_1738, %dma_start3A_1742] : memref<20480x64xf32, #tpu.memory_space<hbm>> -> memref<128x64xf32, #tpu.memory_space<hbm>>
    %dma_start3A_1744 = arith.constant 0 : i32
    %dma_start3A_1745 = tpu.memref_slice %arg8[%add3A_1738, %dma_start3A_1744] : memref<20480x64xf32, #tpu.memory_space<hbm>> -> memref<128x64xf32, #tpu.memory_space<hbm>>
    %dma_start3A_1746 = arith.constant 512 : i32
    %dma_start3A_1747 = arith.constant 0 : i32
    %dma_start3A_1748 = tpu.memref_slice %arg17[%dma_start3A_1746, %dma_start3A_1747] : memref<640x64xf32, #tpu.memory_space<vmem>> -> memref<128x64xf32, #tpu.memory_space<vmem>>
    tpu.enqueue_dma source(%dma_start3A_1748 : memref<128x64xf32, #tpu.memory_space<vmem>>) target(%dma_start3A_1745 : memref<128x64xf32, #tpu.memory_space<hbm>>) target_semaphore(%arg21 : memref<!tpu.dma_semaphore, #tpu.memory_space<semaphore_mem>>)
    %dma_wait3A_1749 = arith.constant 1 : i32
    %dma_wait3A_1750 = arith.constant 0 : i32
    %dma_wait3A_1751 = arith.constant 0 : i32
    %dma_wait3A_1752 = tpu.memref_slice %arg18[%dma_wait3A_1749, %dma_wait3A_1750, %dma_wait3A_1751] : memref<2x128x128xf32, #tpu.memory_space<vmem>> -> memref<1x128x128xf32, #tpu.memory_space<vmem>>
    %dma_wait3A_1753 = tpu.memref_squeeze %dma_wait3A_1752 : memref<1x128x128xf32, #tpu.memory_space<vmem>> -> memref<128x128xf32, #tpu.memory_space<vmem>>
    %dma_wait3A_1754 = arith.constant 0 : i32
    %dma_wait3A_1755 = tpu.memref_slice %arg9[%add3A_1486, %dma_wait3A_1754] : memref<20480x128xf32, #tpu.memory_space<hbm>> -> memref<128x128xf32, #tpu.memory_space<hbm>>
    %dma_wait3A_1756 = arith.constant 0 : i32
    %dma_wait3A_1757 = tpu.memref_slice %arg9[%add3A_1486, %dma_wait3A_1756] : memref<20480x128xf32, #tpu.memory_space<hbm>> -> memref<128x128xf32, #tpu.memory_space<hbm>>
    %dma_wait3A_1758 = arith.constant 0 : i32
    %dma_wait3A_1759 = arith.constant 0 : i32
    %dma_wait3A_1760 = tpu.memref_slice %arg18[%dma_wait3A_1749, %dma_wait3A_1758, %dma_wait3A_1759] : memref<2x128x128xf32, #tpu.memory_space<vmem>> -> memref<1x128x128xf32, #tpu.memory_space<vmem>>
    %dma_wait3A_1761 = tpu.memref_squeeze %dma_wait3A_1760 : memref<1x128x128xf32, #tpu.memory_space<vmem>> -> memref<128x128xf32, #tpu.memory_space<vmem>>
    tpu.wait_dma2 semaphore(%arg27 : memref<!tpu.dma_semaphore, #tpu.memory_space<semaphore_mem>>) src(%dma_wait3A_1761 : memref<128x128xf32, #tpu.memory_space<vmem>>) dst(%dma_wait3A_1757 : memref<128x128xf32, #tpu.memory_space<hbm>>)
    %dma_wait3A_1762 = arith.constant 1 : i32
    %dma_wait3A_1763 = arith.constant 0 : i32
    %dma_wait3A_1764 = arith.constant 0 : i32
    %dma_wait3A_1765 = tpu.memref_slice %arg19[%dma_wait3A_1762, %dma_wait3A_1763, %dma_wait3A_1764] : memref<2x128x128xf32, #tpu.memory_space<vmem>> -> memref<1x128x128xf32, #tpu.memory_space<vmem>>
    %dma_wait3A_1766 = tpu.memref_squeeze %dma_wait3A_1765 : memref<1x128x128xf32, #tpu.memory_space<vmem>> -> memref<128x128xf32, #tpu.memory_space<vmem>>
    %dma_wait3A_1767 = arith.constant 0 : i32
    %dma_wait3A_1768 = tpu.memref_slice %arg10[%add3A_1486, %dma_wait3A_1767] : memref<20480x128xf32, #tpu.memory_space<hbm>> -> memref<128x128xf32, #tpu.memory_space<hbm>>
    %dma_wait3A_1769 = arith.constant 0 : i32
    %dma_wait3A_1770 = tpu.memref_slice %arg10[%add3A_1486, %dma_wait3A_1769] : memref<20480x128xf32, #tpu.memory_space<hbm>> -> memref<128x128xf32, #tpu.memory_space<hbm>>
    %dma_wait3A_1771 = arith.constant 0 : i32
    %dma_wait3A_1772 = arith.constant 0 : i32
    %dma_wait3A_1773 = tpu.memref_slice %arg19[%dma_wait3A_1762, %dma_wait3A_1771, %dma_wait3A_1772] : memref<2x128x128xf32, #tpu.memory_space<vmem>> -> memref<1x128x128xf32, #tpu.memory_space<vmem>>
    %dma_wait3A_1774 = tpu.memref_squeeze %dma_wait3A_1773 : memref<1x128x128xf32, #tpu.memory_space<vmem>> -> memref<128x128xf32, #tpu.memory_space<vmem>>
    tpu.wait_dma2 semaphore(%arg27 : memref<!tpu.dma_semaphore, #tpu.memory_space<semaphore_mem>>) src(%dma_wait3A_1774 : memref<128x128xf32, #tpu.memory_space<vmem>>) dst(%dma_wait3A_1770 : memref<128x128xf32, #tpu.memory_space<hbm>>)
    %dma_wait3A_1775 = arith.constant 0 : i32
    %dma_wait3A_1776 = arith.constant 0 : i32
    %dma_wait3A_1777 = arith.constant 0 : i32
    %dma_wait3A_1778 = tpu.memref_slice %arg18[%dma_wait3A_1775, %dma_wait3A_1776, %dma_wait3A_1777] : memref<2x128x128xf32, #tpu.memory_space<vmem>> -> memref<1x128x128xf32, #tpu.memory_space<vmem>>
    %dma_wait3A_1779 = tpu.memref_squeeze %dma_wait3A_1778 : memref<1x128x128xf32, #tpu.memory_space<vmem>> -> memref<128x128xf32, #tpu.memory_space<vmem>>
    %dma_wait3A_1780 = arith.constant 0 : i32
    %dma_wait3A_1781 = tpu.memref_slice %arg9[%add3A_1588, %dma_wait3A_1780] : memref<20480x128xf32, #tpu.memory_space<hbm>> -> memref<128x128xf32, #tpu.memory_space<hbm>>
    %dma_wait3A_1782 = arith.constant 0 : i32
    %dma_wait3A_1783 = tpu.memref_slice %arg9[%add3A_1588, %dma_wait3A_1782] : memref<20480x128xf32, #tpu.memory_space<hbm>> -> memref<128x128xf32, #tpu.memory_space<hbm>>
    %dma_wait3A_1784 = arith.constant 0 : i32
    %dma_wait3A_1785 = arith.constant 0 : i32
    %dma_wait3A_1786 = tpu.memref_slice %arg18[%dma_wait3A_1775, %dma_wait3A_1784, %dma_wait3A_1785] : memref<2x128x128xf32, #tpu.memory_space<vmem>> -> memref<1x128x128xf32, #tpu.memory_space<vmem>>
    %dma_wait3A_1787 = tpu.memref_squeeze %dma_wait3A_1786 : memref<1x128x128xf32, #tpu.memory_space<vmem>> -> memref<128x128xf32, #tpu.memory_space<vmem>>
    tpu.wait_dma2 semaphore(%arg26 : memref<!tpu.dma_semaphore, #tpu.memory_space<semaphore_mem>>) src(%dma_wait3A_1787 : memref<128x128xf32, #tpu.memory_space<vmem>>) dst(%dma_wait3A_1783 : memref<128x128xf32, #tpu.memory_space<hbm>>)
    %dma_wait3A_1788 = arith.constant 0 : i32
    %dma_wait3A_1789 = arith.constant 0 : i32
    %dma_wait3A_1790 = arith.constant 0 : i32
    %dma_wait3A_1791 = tpu.memref_slice %arg19[%dma_wait3A_1788, %dma_wait3A_1789, %dma_wait3A_1790] : memref<2x128x128xf32, #tpu.memory_space<vmem>> -> memref<1x128x128xf32, #tpu.memory_space<vmem>>
    %dma_wait3A_1792 = tpu.memref_squeeze %dma_wait3A_1791 : memref<1x128x128xf32, #tpu.memory_space<vmem>> -> memref<128x128xf32, #tpu.memory_space<vmem>>
    %dma_wait3A_1793 = arith.constant 0 : i32
    %dma_wait3A_1794 = tpu.memref_slice %arg10[%add3A_1588, %dma_wait3A_1793] : memref<20480x128xf32, #tpu.memory_space<hbm>> -> memref<128x128xf32, #tpu.memory_space<hbm>>
    %dma_wait3A_1795 = arith.constant 0 : i32
    %dma_wait3A_1796 = tpu.memref_slice %arg10[%add3A_1588, %dma_wait3A_1795] : memref<20480x128xf32, #tpu.memory_space<hbm>> -> memref<128x128xf32, #tpu.memory_space<hbm>>
    %dma_wait3A_1797 = arith.constant 0 : i32
    %dma_wait3A_1798 = arith.constant 0 : i32
    %dma_wait3A_1799 = tpu.memref_slice %arg19[%dma_wait3A_1788, %dma_wait3A_1797, %dma_wait3A_1798] : memref<2x128x128xf32, #tpu.memory_space<vmem>> -> memref<1x128x128xf32, #tpu.memory_space<vmem>>
    %dma_wait3A_1800 = tpu.memref_squeeze %dma_wait3A_1799 : memref<1x128x128xf32, #tpu.memory_space<vmem>> -> memref<128x128xf32, #tpu.memory_space<vmem>>
    tpu.wait_dma2 semaphore(%arg26 : memref<!tpu.dma_semaphore, #tpu.memory_space<semaphore_mem>>) src(%dma_wait3A_1800 : memref<128x128xf32, #tpu.memory_space<vmem>>) dst(%dma_wait3A_1796 : memref<128x128xf32, #tpu.memory_space<hbm>>)
    %dma_wait3A_1801 = arith.constant 0 : i32
    %dma_wait3A_1802 = arith.constant 0 : i32
    %dma_wait3A_1803 = tpu.memref_slice %arg17[%dma_wait3A_1801, %dma_wait3A_1802] : memref<640x64xf32, #tpu.memory_space<vmem>> -> memref<128x64xf32, #tpu.memory_space<vmem>>
    %dma_wait3A_1804 = arith.constant 0 : i32
    %dma_wait3A_1805 = tpu.memref_slice %arg8[%add3A_1690, %dma_wait3A_1804] : memref<20480x64xf32, #tpu.memory_space<hbm>> -> memref<128x64xf32, #tpu.memory_space<hbm>>
    %dma_wait3A_1806 = arith.constant 0 : i32
    %dma_wait3A_1807 = tpu.memref_slice %arg8[%add3A_1690, %dma_wait3A_1806] : memref<20480x64xf32, #tpu.memory_space<hbm>> -> memref<128x64xf32, #tpu.memory_space<hbm>>
    %dma_wait3A_1808 = arith.constant 0 : i32
    %dma_wait3A_1809 = arith.constant 0 : i32
    %dma_wait3A_1810 = tpu.memref_slice %arg17[%dma_wait3A_1808, %dma_wait3A_1809] : memref<640x64xf32, #tpu.memory_space<vmem>> -> memref<128x64xf32, #tpu.memory_space<vmem>>
    tpu.wait_dma2 semaphore(%arg21 : memref<!tpu.dma_semaphore, #tpu.memory_space<semaphore_mem>>) src(%dma_wait3A_1810 : memref<128x64xf32, #tpu.memory_space<vmem>>) dst(%dma_wait3A_1807 : memref<128x64xf32, #tpu.memory_space<hbm>>)
    %dma_wait3A_1811 = arith.constant 128 : i32
    %dma_wait3A_1812 = arith.constant 0 : i32
    %dma_wait3A_1813 = tpu.memref_slice %arg17[%dma_wait3A_1811, %dma_wait3A_1812] : memref<640x64xf32, #tpu.memory_space<vmem>> -> memref<128x64xf32, #tpu.memory_space<vmem>>
    %dma_wait3A_1814 = arith.constant 0 : i32
    %dma_wait3A_1815 = tpu.memref_slice %arg8[%add3A_1702, %dma_wait3A_1814] : memref<20480x64xf32, #tpu.memory_space<hbm>> -> memref<128x64xf32, #tpu.memory_space<hbm>>
    %dma_wait3A_1816 = arith.constant 0 : i32
    %dma_wait3A_1817 = tpu.memref_slice %arg8[%add3A_1702, %dma_wait3A_1816] : memref<20480x64xf32, #tpu.memory_space<hbm>> -> memref<128x64xf32, #tpu.memory_space<hbm>>
    %dma_wait3A_1818 = arith.constant 128 : i32
    %dma_wait3A_1819 = arith.constant 0 : i32
    %dma_wait3A_1820 = tpu.memref_slice %arg17[%dma_wait3A_1818, %dma_wait3A_1819] : memref<640x64xf32, #tpu.memory_space<vmem>> -> memref<128x64xf32, #tpu.memory_space<vmem>>
    tpu.wait_dma2 semaphore(%arg21 : memref<!tpu.dma_semaphore, #tpu.memory_space<semaphore_mem>>) src(%dma_wait3A_1820 : memref<128x64xf32, #tpu.memory_space<vmem>>) dst(%dma_wait3A_1817 : memref<128x64xf32, #tpu.memory_space<hbm>>)
    %dma_wait3A_1821 = arith.constant 256 : i32
    %dma_wait3A_1822 = arith.constant 0 : i32
    %dma_wait3A_1823 = tpu.memref_slice %arg17[%dma_wait3A_1821, %dma_wait3A_1822] : memref<640x64xf32, #tpu.memory_space<vmem>> -> memref<128x64xf32, #tpu.memory_space<vmem>>
    %dma_wait3A_1824 = arith.constant 0 : i32
    %dma_wait3A_1825 = tpu.memref_slice %arg8[%add3A_1714, %dma_wait3A_1824] : memref<20480x64xf32, #tpu.memory_space<hbm>> -> memref<128x64xf32, #tpu.memory_space<hbm>>
    %dma_wait3A_1826 = arith.constant 0 : i32
    %dma_wait3A_1827 = tpu.memref_slice %arg8[%add3A_1714, %dma_wait3A_1826] : memref<20480x64xf32, #tpu.memory_space<hbm>> -> memref<128x64xf32, #tpu.memory_space<hbm>>
    %dma_wait3A_1828 = arith.constant 256 : i32
    %dma_wait3A_1829 = arith.constant 0 : i32
    %dma_wait3A_1830 = tpu.memref_slice %arg17[%dma_wait3A_1828, %dma_wait3A_1829] : memref<640x64xf32, #tpu.memory_space<vmem>> -> memref<128x64xf32, #tpu.memory_space<vmem>>
    tpu.wait_dma2 semaphore(%arg21 : memref<!tpu.dma_semaphore, #tpu.memory_space<semaphore_mem>>) src(%dma_wait3A_1830 : memref<128x64xf32, #tpu.memory_space<vmem>>) dst(%dma_wait3A_1827 : memref<128x64xf32, #tpu.memory_space<hbm>>)
    %dma_wait3A_1831 = arith.constant 384 : i32
    %dma_wait3A_1832 = arith.constant 0 : i32
    %dma_wait3A_1833 = tpu.memref_slice %arg17[%dma_wait3A_1831, %dma_wait3A_1832] : memref<640x64xf32, #tpu.memory_space<vmem>> -> memref<128x64xf32, #tpu.memory_space<vmem>>
    %dma_wait3A_1834 = arith.constant 0 : i32
    %dma_wait3A_1835 = tpu.memref_slice %arg8[%add3A_1726, %dma_wait3A_1834] : memref<20480x64xf32, #tpu.memory_space<hbm>> -> memref<128x64xf32, #tpu.memory_space<hbm>>
    %dma_wait3A_1836 = arith.constant 0 : i32
    %dma_wait3A_1837 = tpu.memref_slice %arg8[%add3A_1726, %dma_wait3A_1836] : memref<20480x64xf32, #tpu.memory_space<hbm>> -> memref<128x64xf32, #tpu.memory_space<hbm>>
    %dma_wait3A_1838 = arith.constant 384 : i32
    %dma_wait3A_1839 = arith.constant 0 : i32
    %dma_wait3A_1840 = tpu.memref_slice %arg17[%dma_wait3A_1838, %dma_wait3A_1839] : memref<640x64xf32, #tpu.memory_space<vmem>> -> memref<128x64xf32, #tpu.memory_space<vmem>>
    tpu.wait_dma2 semaphore(%arg21 : memref<!tpu.dma_semaphore, #tpu.memory_space<semaphore_mem>>) src(%dma_wait3A_1840 : memref<128x64xf32, #tpu.memory_space<vmem>>) dst(%dma_wait3A_1837 : memref<128x64xf32, #tpu.memory_space<hbm>>)
    %dma_wait3A_1841 = arith.constant 512 : i32
    %dma_wait3A_1842 = arith.constant 0 : i32
    %dma_wait3A_1843 = tpu.memref_slice %arg17[%dma_wait3A_1841, %dma_wait3A_1842] : memref<640x64xf32, #tpu.memory_space<vmem>> -> memref<128x64xf32, #tpu.memory_space<vmem>>
    %dma_wait3A_1844 = arith.constant 0 : i32
    %dma_wait3A_1845 = tpu.memref_slice %arg8[%add3A_1738, %dma_wait3A_1844] : memref<20480x64xf32, #tpu.memory_space<hbm>> -> memref<128x64xf32, #tpu.memory_space<hbm>>
    %dma_wait3A_1846 = arith.constant 0 : i32
    %dma_wait3A_1847 = tpu.memref_slice %arg8[%add3A_1738, %dma_wait3A_1846] : memref<20480x64xf32, #tpu.memory_space<hbm>> -> memref<128x64xf32, #tpu.memory_space<hbm>>
    %dma_wait3A_1848 = arith.constant 512 : i32
    %dma_wait3A_1849 = arith.constant 0 : i32
    %dma_wait3A_1850 = tpu.memref_slice %arg17[%dma_wait3A_1848, %dma_wait3A_1849] : memref<640x64xf32, #tpu.memory_space<vmem>> -> memref<128x64xf32, #tpu.memory_space<vmem>>
    tpu.wait_dma2 semaphore(%arg21 : memref<!tpu.dma_semaphore, #tpu.memory_space<semaphore_mem>>) src(%dma_wait3A_1850 : memref<128x64xf32, #tpu.memory_space<vmem>>) dst(%dma_wait3A_1847 : memref<128x64xf32, #tpu.memory_space<hbm>>)
    return
  }
}

module attributes {stable_mosaic.version = 14 : i64} {
  func.func @_prep_body(%arg0: memref<1000x64xf32, #tpu.memory_space<vmem>>, %arg1: memref<1000x64xf32, #tpu.memory_space<vmem>>, %arg2: memref<1000x128xf32, #tpu.memory_space<vmem>>, %arg3: memref<1000x128xf32, #tpu.memory_space<vmem>>) attributes {dimension_semantics = [], scalar_prefetch = 0 : i64, scratch_operands = 0 : i64, tpu.core_type = #tpu.core_type<tc>} {
    %broadcast_in_dim3A = arith.constant 0.000000e+00 : f32
    %broadcast_in_dim3A_0 = vector.broadcast %broadcast_in_dim3A : f32 to vector<1000x64xf32>
    %get3A = arith.constant 0 : index
    %get3A_1 = arith.constant 0 : index
    %get3A_2 = vector.load %arg0[%get3A, %get3A_1] : memref<1000x64xf32, #tpu.memory_space<vmem>>, vector<1000x64xf32>
    %concatenate3A = tpu.concatenate %get3A_2, %broadcast_in_dim3A_0 in 1 : vector<1000x64xf32>, vector<1000x64xf32> -> vector<1000x128xf32>
    %swap3A = arith.constant 0 : index
    %swap3A_3 = arith.constant 0 : index
    %swap3A_4 = vector.load %arg2[%swap3A, %swap3A_3] : memref<1000x128xf32, #tpu.memory_space<vmem>>, vector<1000x128xf32>
    tpu.vector_store %arg2[%swap3A, %swap3A_3], %concatenate3A {strides = array<i32>} : memref<1000x128xf32, #tpu.memory_space<vmem>>, vector<1000x128xf32>,
    %get3A_5 = arith.constant 0 : index
    %get3A_6 = arith.constant 0 : index
    %get3A_7 = vector.load %arg1[%get3A_5, %get3A_6] : memref<1000x64xf32, #tpu.memory_space<vmem>>, vector<1000x64xf32>
    %concatenate3A_8 = tpu.concatenate %get3A_7, %broadcast_in_dim3A_0 in 1 : vector<1000x64xf32>, vector<1000x64xf32> -> vector<1000x128xf32>
    %swap3A_9 = arith.constant 0 : index
    %swap3A_10 = arith.constant 0 : index
    %swap3A_11 = vector.load %arg3[%swap3A_9, %swap3A_10] : memref<1000x128xf32, #tpu.memory_space<vmem>>, vector<1000x128xf32>
    tpu.vector_store %arg3[%swap3A_9, %swap3A_10], %concatenate3A_8 {strides = array<i32>} : memref<1000x128xf32, #tpu.memory_space<vmem>>, vector<1000x128xf32>,
    return
  }
}

module attributes {stable_mosaic.version = 14 : i64} {
  func.func @_mlp_body(%arg0: i32, %arg1: memref<5x2048x64xf32, #tpu.memory_space<vmem>>, %arg2: memref<5x2048x128xf32, #tpu.memory_space<vmem>>, %arg3: memref<5x2048x128xf32, #tpu.memory_space<vmem>>, %arg4: memref<320x128xf32, #tpu.memory_space<vmem>>, %arg5: memref<1x128xf32, #tpu.memory_space<vmem>>, %arg6: memref<128x50xf32, #tpu.memory_space<vmem>>, %arg7: memref<1x50xf32, #tpu.memory_space<vmem>>, %arg8: memref<2048x50xf32, #tpu.memory_space<vmem>>) attributes {dimension_semantics = [#tpu.dimension_semantics<arbitrary>], iteration_bounds = array<i64: 2>, scalar_prefetch = 0 : i64, scratch_operands = 0 : i64, tpu.core_type = #tpu.core_type<tc>, window_params = [{transform_indices = @transform_0, window_bounds = array<i64: 5, 2048, 64>}, {transform_indices = @transform_1, window_bounds = array<i64: 5, 2048, 128>}, {transform_indices = @transform_2, window_bounds = array<i64: 5, 2048, 128>}, {pipeline_mode = #tpu.pipeline_mode<synchronous>, transform_indices = @transform_3, window_bounds = array<i64: 320, 128>}, {pipeline_mode = #tpu.pipeline_mode<synchronous>, transform_indices = @transform_4, window_bounds = array<i64: 1, 128>}, {pipeline_mode = #tpu.pipeline_mode<synchronous>, transform_indices = @transform_5, window_bounds = array<i64: 128, 50>}, {pipeline_mode = #tpu.pipeline_mode<synchronous>, transform_indices = @transform_6, window_bounds = array<i64: 1, 50>}, {transform_indices = @transform_7, window_bounds = array<i64: 2048, 50>}]} {
    %broadcast_in_dim3A = arith.constant 0.000000e+00 : f32
    %broadcast_in_dim3A_0 = vector.broadcast %broadcast_in_dim3A : f32 to vector<2048x128xf32>
    %get3A = arith.constant 0 : index
    %get3A_1 = arith.constant 0 : index
    %get3A_2 = vector.load %arg5[%get3A, %get3A_1] : memref<1x128xf32, #tpu.memory_space<vmem>>, vector<1x128xf32>
    %add3A = vector.broadcast %get3A_2 : vector<1x128xf32> to vector<2048x128xf32>
    %add3A_3 = arith.addf %broadcast_in_dim3A_0, %add3A : vector<2048x128xf32>
    %get3A_4 = arith.constant 0 : index
    %get3A_5 = arith.constant 0 : index
    %get3A_6 = arith.constant 0 : index
    %get3A_7 = vector.load %arg1[%get3A_4, %get3A_5, %get3A_6] : memref<5x2048x64xf32, #tpu.memory_space<vmem>>, vector<1x2048x64xf32>
    %get3A_8 = vector.shape_cast %get3A_7 : vector<1x2048x64xf32> to vector<2048x64xf32>
    %get3A_9 = arith.constant 0 : index
    %get3A_10 = arith.constant 0 : index
    %get3A_11 = arith.constant 0 : index
    %get3A_12 = vector.load %arg2[%get3A_9, %get3A_10, %get3A_11] : memref<5x2048x128xf32, #tpu.memory_space<vmem>>, vector<1x2048x128xf32>
    %get3A_13 = vector.shape_cast %get3A_12 : vector<1x2048x128xf32> to vector<2048x128xf32>
    %slice3A = vector.extract_strided_slice %get3A_13 {offsets = [0, 0], sizes = [2048, 64], strides = [1, 1]} : vector<2048x128xf32> to vector<2048x64xf32>
    %add3A_14 = arith.addf %get3A_8, %slice3A : vector<2048x64xf32>
    %get3A_15 = arith.constant 0 : index
    %get3A_16 = arith.constant 0 : index
    %get3A_17 = arith.constant 0 : index
    %get3A_18 = vector.load %arg3[%get3A_15, %get3A_16, %get3A_17] : memref<5x2048x128xf32, #tpu.memory_space<vmem>>, vector<1x2048x128xf32>
    %get3A_19 = vector.shape_cast %get3A_18 : vector<1x2048x128xf32> to vector<2048x128xf32>
    %slice3A_20 = vector.extract_strided_slice %get3A_19 {offsets = [0, 0], sizes = [2048, 64], strides = [1, 1]} : vector<2048x128xf32> to vector<2048x64xf32>
    %add3A_21 = arith.addf %add3A_14, %slice3A_20 : vector<2048x64xf32>
    %mul3A = arith.constant 0.333333343 : f32
    %mul3A_22 = vector.broadcast %mul3A : f32 to vector<2048x64xf32>
    %mul3A_23 = arith.mulf %add3A_21, %mul3A_22 : vector<2048x64xf32>
    %get3A_24 = arith.constant 0 : index
    %get3A_25 = arith.constant 0 : index
    %get3A_26 = vector.load %arg4[%get3A_24, %get3A_25] : memref<320x128xf32, #tpu.memory_space<vmem>>, vector<64x128xf32>
    %dot_general3A = arith.constant dense<0.000000e+00> : vector<2048x128xf32>
    %dot_general3A_27 = tpu.matmul %mul3A_23, %get3A_26, %dot_general3A {dimension_numbers = #tpu.dot_dimension_numbers<[1], [0], [0], [1], [0, 0, 1, 1], [], []>, transpose_lhs_hint = false} : vector<2048x64xf32>, vector<64x128xf32>, vector<2048x128xf32> -> vector<2048x128xf32>
    %add3A_28 = arith.addf %add3A_3, %dot_general3A_27 : vector<2048x128xf32>
    %get3A_29 = arith.constant 1 : index
    %get3A_30 = arith.constant 0 : index
    %get3A_31 = arith.constant 0 : index
    %get3A_32 = vector.load %arg1[%get3A_29, %get3A_30, %get3A_31] : memref<5x2048x64xf32, #tpu.memory_space<vmem>>, vector<1x2048x64xf32>
    %get3A_33 = vector.shape_cast %get3A_32 : vector<1x2048x64xf32> to vector<2048x64xf32>
    %get3A_34 = arith.constant 1 : index
    %get3A_35 = arith.constant 0 : index
    %get3A_36 = arith.constant 0 : index
    %get3A_37 = vector.load %arg2[%get3A_34, %get3A_35, %get3A_36] : memref<5x2048x128xf32, #tpu.memory_space<vmem>>, vector<1x2048x128xf32>
    %get3A_38 = vector.shape_cast %get3A_37 : vector<1x2048x128xf32> to vector<2048x128xf32>
    %slice3A_39 = vector.extract_strided_slice %get3A_38 {offsets = [0, 0], sizes = [2048, 64], strides = [1, 1]} : vector<2048x128xf32> to vector<2048x64xf32>
    %add3A_40 = arith.addf %get3A_33, %slice3A_39 : vector<2048x64xf32>
    %get3A_41 = arith.constant 1 : index
    %get3A_42 = arith.constant 0 : index
    %get3A_43 = arith.constant 0 : index
    %get3A_44 = vector.load %arg3[%get3A_41, %get3A_42, %get3A_43] : memref<5x2048x128xf32, #tpu.memory_space<vmem>>, vector<1x2048x128xf32>
    %get3A_45 = vector.shape_cast %get3A_44 : vector<1x2048x128xf32> to vector<2048x128xf32>
    %slice3A_46 = vector.extract_strided_slice %get3A_45 {offsets = [0, 0], sizes = [2048, 64], strides = [1, 1]} : vector<2048x128xf32> to vector<2048x64xf32>
    %add3A_47 = arith.addf %add3A_40, %slice3A_46 : vector<2048x64xf32>
    %mul3A_48 = arith.constant 0.333333343 : f32
    %mul3A_49 = vector.broadcast %mul3A_48 : f32 to vector<2048x64xf32>
    %mul3A_50 = arith.mulf %add3A_47, %mul3A_49 : vector<2048x64xf32>
    %get3A_51 = arith.constant 64 : index
    %get3A_52 = arith.constant 0 : index
    %get3A_53 = vector.load %arg4[%get3A_51, %get3A_52] : memref<320x128xf32, #tpu.memory_space<vmem>>, vector<64x128xf32>
    %dot_general3A_54 = arith.constant dense<0.000000e+00> : vector<2048x128xf32>
    %dot_general3A_55 = tpu.matmul %mul3A_50, %get3A_53, %dot_general3A_54 {dimension_numbers = #tpu.dot_dimension_numbers<[1], [0], [0], [1], [0, 0, 1, 1], [], []>, transpose_lhs_hint = false} : vector<2048x64xf32>, vector<64x128xf32>, vector<2048x128xf32> -> vector<2048x128xf32>
    %add3A_56 = arith.addf %add3A_28, %dot_general3A_55 : vector<2048x128xf32>
    %get3A_57 = arith.constant 2 : index
    %get3A_58 = arith.constant 0 : index
    %get3A_59 = arith.constant 0 : index
    %get3A_60 = vector.load %arg1[%get3A_57, %get3A_58, %get3A_59] : memref<5x2048x64xf32, #tpu.memory_space<vmem>>, vector<1x2048x64xf32>
    %get3A_61 = vector.shape_cast %get3A_60 : vector<1x2048x64xf32> to vector<2048x64xf32>
    %get3A_62 = arith.constant 2 : index
    %get3A_63 = arith.constant 0 : index
    %get3A_64 = arith.constant 0 : index
    %get3A_65 = vector.load %arg2[%get3A_62, %get3A_63, %get3A_64] : memref<5x2048x128xf32, #tpu.memory_space<vmem>>, vector<1x2048x128xf32>
    %get3A_66 = vector.shape_cast %get3A_65 : vector<1x2048x128xf32> to vector<2048x128xf32>
    %slice3A_67 = vector.extract_strided_slice %get3A_66 {offsets = [0, 0], sizes = [2048, 64], strides = [1, 1]} : vector<2048x128xf32> to vector<2048x64xf32>
    %add3A_68 = arith.addf %get3A_61, %slice3A_67 : vector<2048x64xf32>
    %get3A_69 = arith.constant 2 : index
    %get3A_70 = arith.constant 0 : index
    %get3A_71 = arith.constant 0 : index
    %get3A_72 = vector.load %arg3[%get3A_69, %get3A_70, %get3A_71] : memref<5x2048x128xf32, #tpu.memory_space<vmem>>, vector<1x2048x128xf32>
    %get3A_73 = vector.shape_cast %get3A_72 : vector<1x2048x128xf32> to vector<2048x128xf32>
    %slice3A_74 = vector.extract_strided_slice %get3A_73 {offsets = [0, 0], sizes = [2048, 64], strides = [1, 1]} : vector<2048x128xf32> to vector<2048x64xf32>
    %add3A_75 = arith.addf %add3A_68, %slice3A_74 : vector<2048x64xf32>
    %mul3A_76 = arith.constant 0.333333343 : f32
    %mul3A_77 = vector.broadcast %mul3A_76 : f32 to vector<2048x64xf32>
    %mul3A_78 = arith.mulf %add3A_75, %mul3A_77 : vector<2048x64xf32>
    %get3A_79 = arith.constant 128 : index
    %get3A_80 = arith.constant 0 : index
    %get3A_81 = vector.load %arg4[%get3A_79, %get3A_80] : memref<320x128xf32, #tpu.memory_space<vmem>>, vector<64x128xf32>
    %dot_general3A_82 = arith.constant dense<0.000000e+00> : vector<2048x128xf32>
    %dot_general3A_83 = tpu.matmul %mul3A_78, %get3A_81, %dot_general3A_82 {dimension_numbers = #tpu.dot_dimension_numbers<[1], [0], [0], [1], [0, 0, 1, 1], [], []>, transpose_lhs_hint = false} : vector<2048x64xf32>, vector<64x128xf32>, vector<2048x128xf32> -> vector<2048x128xf32>
    %add3A_84 = arith.addf %add3A_56, %dot_general3A_83 : vector<2048x128xf32>
    %get3A_85 = arith.constant 3 : index
    %get3A_86 = arith.constant 0 : index
    %get3A_87 = arith.constant 0 : index
    %get3A_88 = vector.load %arg1[%get3A_85, %get3A_86, %get3A_87] : memref<5x2048x64xf32, #tpu.memory_space<vmem>>, vector<1x2048x64xf32>
    %get3A_89 = vector.shape_cast %get3A_88 : vector<1x2048x64xf32> to vector<2048x64xf32>
    %get3A_90 = arith.constant 3 : index
    %get3A_91 = arith.constant 0 : index
    %get3A_92 = arith.constant 0 : index
    %get3A_93 = vector.load %arg2[%get3A_90, %get3A_91, %get3A_92] : memref<5x2048x128xf32, #tpu.memory_space<vmem>>, vector<1x2048x128xf32>
    %get3A_94 = vector.shape_cast %get3A_93 : vector<1x2048x128xf32> to vector<2048x128xf32>
    %slice3A_95 = vector.extract_strided_slice %get3A_94 {offsets = [0, 0], sizes = [2048, 64], strides = [1, 1]} : vector<2048x128xf32> to vector<2048x64xf32>
    %add3A_96 = arith.addf %get3A_89, %slice3A_95 : vector<2048x64xf32>
    %get3A_97 = arith.constant 3 : index
    %get3A_98 = arith.constant 0 : index
    %get3A_99 = arith.constant 0 : index
    %get3A_100 = vector.load %arg3[%get3A_97, %get3A_98, %get3A_99] : memref<5x2048x128xf32, #tpu.memory_space<vmem>>, vector<1x2048x128xf32>
    %get3A_101 = vector.shape_cast %get3A_100 : vector<1x2048x128xf32> to vector<2048x128xf32>
    %slice3A_102 = vector.extract_strided_slice %get3A_101 {offsets = [0, 0], sizes = [2048, 64], strides = [1, 1]} : vector<2048x128xf32> to vector<2048x64xf32>
    %add3A_103 = arith.addf %add3A_96, %slice3A_102 : vector<2048x64xf32>
    %mul3A_104 = arith.constant 0.333333343 : f32
    %mul3A_105 = vector.broadcast %mul3A_104 : f32 to vector<2048x64xf32>
    %mul3A_106 = arith.mulf %add3A_103, %mul3A_105 : vector<2048x64xf32>
    %get3A_107 = arith.constant 192 : index
    %get3A_108 = arith.constant 0 : index
    %get3A_109 = vector.load %arg4[%get3A_107, %get3A_108] : memref<320x128xf32, #tpu.memory_space<vmem>>, vector<64x128xf32>
    %dot_general3A_110 = arith.constant dense<0.000000e+00> : vector<2048x128xf32>
    %dot_general3A_111 = tpu.matmul %mul3A_106, %get3A_109, %dot_general3A_110 {dimension_numbers = #tpu.dot_dimension_numbers<[1], [0], [0], [1], [0, 0, 1, 1], [], []>, transpose_lhs_hint = false} : vector<2048x64xf32>, vector<64x128xf32>, vector<2048x128xf32> -> vector<2048x128xf32>
    %add3A_112 = arith.addf %add3A_84, %dot_general3A_111 : vector<2048x128xf32>
    %get3A_113 = arith.constant 4 : index
    %get3A_114 = arith.constant 0 : index
    %get3A_115 = arith.constant 0 : index
    %get3A_116 = vector.load %arg1[%get3A_113, %get3A_114, %get3A_115] : memref<5x2048x64xf32, #tpu.memory_space<vmem>>, vector<1x2048x64xf32>
    %get3A_117 = vector.shape_cast %get3A_116 : vector<1x2048x64xf32> to vector<2048x64xf32>
    %get3A_118 = arith.constant 4 : index
    %get3A_119 = arith.constant 0 : index
    %get3A_120 = arith.constant 0 : index
    %get3A_121 = vector.load %arg2[%get3A_118, %get3A_119, %get3A_120] : memref<5x2048x128xf32, #tpu.memory_space<vmem>>, vector<1x2048x128xf32>
    %get3A_122 = vector.shape_cast %get3A_121 : vector<1x2048x128xf32> to vector<2048x128xf32>
    %slice3A_123 = vector.extract_strided_slice %get3A_122 {offsets = [0, 0], sizes = [2048, 64], strides = [1, 1]} : vector<2048x128xf32> to vector<2048x64xf32>
    %add3A_124 = arith.addf %get3A_117, %slice3A_123 : vector<2048x64xf32>
    %get3A_125 = arith.constant 4 : index
    %get3A_126 = arith.constant 0 : index
    %get3A_127 = arith.constant 0 : index
    %get3A_128 = vector.load %arg3[%get3A_125, %get3A_126, %get3A_127] : memref<5x2048x128xf32, #tpu.memory_space<vmem>>, vector<1x2048x128xf32>
    %get3A_129 = vector.shape_cast %get3A_128 : vector<1x2048x128xf32> to vector<2048x128xf32>
    %slice3A_130 = vector.extract_strided_slice %get3A_129 {offsets = [0, 0], sizes = [2048, 64], strides = [1, 1]} : vector<2048x128xf32> to vector<2048x64xf32>
    %add3A_131 = arith.addf %add3A_124, %slice3A_130 : vector<2048x64xf32>
    %mul3A_132 = arith.constant 0.333333343 : f32
    %mul3A_133 = vector.broadcast %mul3A_132 : f32 to vector<2048x64xf32>
    %mul3A_134 = arith.mulf %add3A_131, %mul3A_133 : vector<2048x64xf32>
    %get3A_135 = arith.constant 256 : index
    %get3A_136 = arith.constant 0 : index
    %get3A_137 = vector.load %arg4[%get3A_135, %get3A_136] : memref<320x128xf32, #tpu.memory_space<vmem>>, vector<64x128xf32>
    %dot_general3A_138 = arith.constant dense<0.000000e+00> : vector<2048x128xf32>
    %dot_general3A_139 = tpu.matmul %mul3A_134, %get3A_137, %dot_general3A_138 {dimension_numbers = #tpu.dot_dimension_numbers<[1], [0], [0], [1], [0, 0, 1, 1], [], []>, transpose_lhs_hint = false} : vector<2048x64xf32>, vector<64x128xf32>, vector<2048x128xf32> -> vector<2048x128xf32>
    %add3A_140 = arith.addf %add3A_112, %dot_general3A_139 : vector<2048x128xf32>
    %tanh3A = math.tanh %add3A_140 : vector<2048x128xf32>
    %get3A_141 = arith.constant 0 : index
    %get3A_142 = arith.constant 0 : index
    %get3A_143 = vector.load %arg6[%get3A_141, %get3A_142] : memref<128x50xf32, #tpu.memory_space<vmem>>, vector<128x50xf32>
    %dot_general3A_144 = arith.constant dense<0.000000e+00> : vector<2048x50xf32>
    %dot_general3A_145 = tpu.matmul %tanh3A, %get3A_143, %dot_general3A_144 {dimension_numbers = #tpu.dot_dimension_numbers<[1], [0], [0], [1], [0, 0, 1, 1], [], []>, transpose_lhs_hint = false} : vector<2048x128xf32>, vector<128x50xf32>, vector<2048x50xf32> -> vector<2048x50xf32>
    %get3A_146 = arith.constant 0 : index
    %get3A_147 = arith.constant 0 : index
    %get3A_148 = vector.load %arg7[%get3A_146, %get3A_147] : memref<1x50xf32, #tpu.memory_space<vmem>>, vector<1x50xf32>
    %add3A_149 = vector.broadcast %get3A_148 : vector<1x50xf32> to vector<2048x50xf32>
    %add3A_150 = arith.addf %dot_general3A_145, %add3A_149 : vector<2048x50xf32>
    %reduce_max3A = arith.constant dense<0xFF800000> : vector<2048xf32>
    %reduce_max3A_151 = vector.multi_reduction <maximumf>, %add3A_150, %reduce_max3A [1] : vector<2048x50xf32> to vector<2048xf32>
    %broadcast_in_dim3A_152 = vector.shape_cast %reduce_max3A_151 : vector<2048xf32> to vector<2048x1xf32>
    %sub3A = vector.broadcast %broadcast_in_dim3A_152 : vector<2048x1xf32> to vector<2048x50xf32>
    %sub3A_153 = arith.subf %add3A_150, %sub3A : vector<2048x50xf32>
    %exp3A = math.exp %sub3A_153 : vector<2048x50xf32>
    %reduce_sum3A = arith.constant dense<0.000000e+00> : vector<2048xf32>
    %reduce_sum3A_154 = vector.multi_reduction <add>, %exp3A, %reduce_sum3A [1] : vector<2048x50xf32> to vector<2048xf32>
    %broadcast_in_dim3A_155 = vector.shape_cast %reduce_sum3A_154 : vector<2048xf32> to vector<2048x1xf32>
    %log3A = math.log %broadcast_in_dim3A_155 : vector<2048x1xf32>
    %sub3A_156 = vector.broadcast %log3A : vector<2048x1xf32> to vector<2048x50xf32>
    %sub3A_157 = arith.subf %sub3A_153, %sub3A_156 : vector<2048x50xf32>
    %swap3A = arith.constant 0 : index
    %swap3A_158 = arith.constant 0 : index
    %swap3A_159 = vector.load %arg8[%swap3A, %swap3A_158] : memref<2048x50xf32, #tpu.memory_space<vmem>>, vector<2048x50xf32>
    tpu.vector_store %arg8[%swap3A, %swap3A_158], %sub3A_157 {strides = array<i32>} : memref<2048x50xf32, #tpu.memory_space<vmem>>, vector<2048x50xf32>,
    return
  }
  func.func @transform_0(%arg0: i32) -> (i32, i32, i32) {
    %c0_i32 = arith.constant 0 : i32
    %c0_i32_0 = arith.constant 0 : i32
    %c0_i32_1 = arith.constant 0 : i32
    return %c0_i32, %arg0, %c0_i32_0 : i32, i32, i32
  }
  func.func @transform_1(%arg0: i32) -> (i32, i32, i32) {
    %c0_i32 = arith.constant 0 : i32
    %c0_i32_0 = arith.constant 0 : i32
    %c0_i32_1 = arith.constant 0 : i32
    return %c0_i32, %arg0, %c0_i32_0 : i32, i32, i32
  }
  func.func @transform_2(%arg0: i32) -> (i32, i32, i32) {
    %c0_i32 = arith.constant 0 : i32
    %c0_i32_0 = arith.constant 0 : i32
    %c0_i32_1 = arith.constant 0 : i32
    return %c0_i32, %arg0, %c0_i32_0 : i32, i32, i32
  }
  func.func @transform_3(%arg0: i32) -> (i32, i32) {
    %c0_i32 = arith.constant 0 : i32
    %c0_i32_0 = arith.constant 0 : i32
    %c0_i32_1 = arith.constant 0 : i32
    return %c0_i32, %c0_i32_0 : i32, i32
  }
  func.func @transform_4(%arg0: i32) -> (i32, i32) {
    %c0_i32 = arith.constant 0 : i32
    %c0_i32_0 = arith.constant 0 : i32
    %c0_i32_1 = arith.constant 0 : i32
    return %c0_i32, %c0_i32_0 : i32, i32
  }
  func.func @transform_5(%arg0: i32) -> (i32, i32) {
    %c0_i32 = arith.constant 0 : i32
    %c0_i32_0 = arith.constant 0 : i32
    %c0_i32_1 = arith.constant 0 : i32
    return %c0_i32, %c0_i32_0 : i32, i32
  }
  func.func @transform_6(%arg0: i32) -> (i32, i32) {
    %c0_i32 = arith.constant 0 : i32
    %c0_i32_0 = arith.constant 0 : i32
    %c0_i32_1 = arith.constant 0 : i32
    return %c0_i32, %c0_i32_0 : i32, i32
  }
  func.func @transform_7(%arg0: i32) -> (i32, i32) {
    %c0_i32 = arith.constant 0 : i32
    %c0_i32_0 = arith.constant 0 : i32
    return %arg0, %c0_i32 : i32, i32
  }
}

</mosaic_0001>

<sc_bundles>
// kernel: kernel.5.cloned.1.call-start
scs
__scs_entry_jumppad:
0x0: {  	(pc) =	sbr.rel $0x88, $3  }
0x1: {  	(tag) =	ssettag $0x0;
	lr =	simm.s32 $0x1  }
0x2: {  	[smem:$0x3F97] =	sst lr;
	_ =	strace $0xD0000000  }
0x3: {  	_ = 	snop  }
0x4: {  	_ = 	snop  }
0x5: {  	_ = 	snop  }
0x6: {  	_ = 	snop  }
0x7: {  	_ = 	snop  }
__scs_overlays_trampoline_lowered:
0x8: {  	[smem:$0x3FA6] =	sst s0  }
0x9: {  	[smem:$0x3FA7] =	sst s1  }
0xa: {  	[smem:$0x3FA8] =	sst s2  }
0xb: {  	[smem:$0x3FA9] =	sst s3  }
0xc: {  	[smem:$0x3FAA] =	sst s4  }
0xd: {  	[smem:$0x3FAB] =	sst s5  }
0xe: {  	[smem:$0x3FAC] =	sst s6  }
0xf: {  	[smem:$0x3FAD] =	sst s7  }
0x10: {  	[smem:$0x3FAE] =	sst s8  }
0x11: {  	[smem:$0x3FAF] =	sst s9;
	s0 =	simm.s32 @!p0 $0x0  }
0x12: {  	s1 =	sld [smem:$0x3F95];
	s0 =	simm.s32 @p0 $0x1  }
0x13: {  	[smem:$0x3FB0] =	sst s0;
	s0 =	simm.s32 @!p1 $0x0  }
0x14: {  	s2 =	sld [smem:$0x3F94];
	s0 =	simm.s32 @p1 $0x1  }
0x15: {  	[smem:$0x3FB1] =	sst s0;
	s0 =	simm.s32 @!p2 $0x0  }
0x16: {  	s3 =	sld [smem:$0x3FDB];
	s0 =	simm.s32 @p2 $0x1  }
0x17: {  	s4 =	simm.s32 $0x1BF5;
	[smem:$0x3FB3] =	sst s0  }
0x18: {  	s0 =	sld [smem:$0x3F96];
	_ =	swait.ge [sflag:s4], $0x0  }
0x19: {  	s7 =	sld [smem:$0x3F97]  }
0x1a: {  	s8 =	sadd.s32 $0xFFFFE003, lr  }
0x1b: {  	s9 =	sadd.s32 $0xFFFFFEF7, lr;
	s5 =	simm.s32 $0xFFFFFFFF;
	p2 =	slt.u32 s8, $0xFFFFF086  }
0x1c: {  	p1 =	slt.u32 s9, $0xF7A;
	s5 =	simm.s32 @!p2 $0x0  }
0x1d: {  	s5 =	simm.s32 @p1 $0x1;
	p0 =	seq.s32 s7, s2  }
0x1e: {  	s7 =	smul.u32 @!p0 $0xF7A, s2;
	p2 =	seq.s32 @!p0 s5, $0x0  }
0x1f: {  	s9 =	smul.u32 $0xF7A, s1;
	s8 =	simm.s32 @!p0 $0x1BF5;
	p2 =	por !p2, p0  }
0x20: {  	[sflag:s8] =	ssyncset.s32 @!p0 $0xFFFFF086;
	s6 =	sadd.s32 @!p0 s3, s7;
	s7 =	simm.s32 @!p0 $0x108  }
0x21: {  	s3 =	sadd.s32 s3, s9;
	s6 =	sadd.s32 @!p0 $0x88, s6;
	s7 =	simm.s32 @p2 $0x1082  }
0x22: {  	[simem:s7], [sflag:s8] =	dma.local @!p0 [hbm:s6], $0xF7A  }
0x23: {  	s9 =	sor.u32 $0xD0000000, s2;
	s6 =	simm.s32 $0x108;
	_ =	swait.ge @!p0 [sflag:s8], $0x0  }
0x24: {  	s3 =	sadd.s32 $0x88, s3;
	s6 =	simm.s32 @!p1 $0x1082;
	[sflag:s4] =	ssyncset.s32 $0xFFFFF086  }
0x25: {  	[simem:s6], [sflag:s4] =	dma.local [hbm:s3], $0xF7A  }
0x26: {  	[smem:$0x3F97] =	sst s1;
	(tag) =	ssettag s2;
	_ =	strace s9  }
0x27: {  	s1 =	sld [smem:$0x3FA7]  }
0x28: {  	s2 =	sld [smem:$0x3FA8]  }
0x29: {  	s4 =	sld [smem:$0x3FAA]  }
0x2a: {  	p0 =	seq.s32 s5, $0x0;
	s5 =	sld [smem:$0x3FAB]  }
0x2b: {  	s6 =	sld [smem:$0x3FAC]  }
0x2c: {  	s7 =	sld [smem:$0x3FAD]  }
0x2d: {  	s3 =	simm.s32 $0x108;
	s8 =	sld [smem:$0x3FAE]  }
0x2e: {  	s3 =	simm.s32 @!p0 $0x1082;
	s9 =	sld [smem:$0x3FAF]  }
0x2f: {  	lr =	sadd.s32 s0, s3;
	s0 =	sld [smem:$0x3FA6]  }
0x30: {  	s3 =	sld [smem:$0x3FA9]  }
0x31: {  	[smem:$0x3FB2] =	sst s10  }
0x32: {  	s10 =	sld [smem:$0x3FB0];
	_ =	sdelay $0x3  }
0x33: {  	p0 =	seq.s32 s10, $0x1;
	s10 =	sld [smem:$0x3FB2];
	_ =	sdelay $0x3  }
0x34: {  	[smem:$0x3FB2] =	sst s10  }
0x35: {  	s10 =	sld [smem:$0x3FB1];
	_ =	sdelay $0x3  }
0x36: {  	p1 =	seq.s32 s10, $0x1;
	s10 =	sld [smem:$0x3FB2];
	_ =	sdelay $0x3  }
0x37: {  	[smem:$0x3FB2] =	sst s10  }
0x38: {  	s10 =	sld [smem:$0x3FB3]  }
0x39: {  	_ = 	snop;
	(pc) =	sbr.ind lr, $3  }
0x3a: {  	_ = 	snop  }
0x3b: {  	_ = 	snop  }
0x3c: {  	p2 =	seq.s32 s10, $0x1;
	s10 =	sld [smem:$0x3FB2]  }
0x3d: {  	_ =	shalt  }
0x3e: {  	_ =	shalt  }
0x3f: {  	_ =	shalt  }
0x40: {  	_ =	shalt  }
0x41: {  	_ =	shalt  }
0x42: {  	_ =	shalt  }
0x43: {  	_ =	shalt  }
0x44: {  	_ =	shalt  }
0x45: {  	_ =	shalt  }
0x46: {  	_ =	shalt  }
0x47: {  	_ =	shalt  }
0x48: {  	_ =	shalt  }
0x49: {  	_ =	shalt  }
0x4a: {  	_ =	shalt  }
0x4b: {  	_ =	shalt  }
0x4c: {  	_ =	shalt  }
0x4d: {  	_ =	shalt  }
0x4e: {  	_ =	shalt  }
0x4f: {  	_ =	shalt  }
0x50: {  	_ =	shalt  }
0x51: {  	_ =	shalt  }
0x52: {  	_ =	shalt  }
0x53: {  	_ =	shalt  }
0x54: {  	_ =	shalt  }
0x55: {  	_ =	shalt  }
0x56: {  	_ =	shalt  }
0x57: {  	_ =	shalt  }
0x58: {  	_ =	shalt  }
0x59: {  	_ =	shalt  }
0x5a: {  	_ =	shalt  }
0x5b: {  	_ =	shalt  }
0x5c: {  	_ =	shalt  }
0x5d: {  	_ =	shalt  }
0x5e: {  	_ =	shalt  }
0x5f: {  	_ =	shalt  }
0x60: {  	_ =	shalt  }
0x61: {  	_ =	shalt  }
0x62: {  	_ =	shalt  }
0x63: {  	_ =	shalt  }
0x64: {  	_ =	shalt  }
0x65: {  	_ =	shalt  }
0x66: {  	_ =	shalt  }
0x67: {  	_ =	shalt  }
0x68: {  	_ =	shalt  }
0x69: {  	_ =	shalt  }
0x6a: {  	_ =	shalt  }
0x6b: {  	_ =	shalt  }
0x6c: {  	_ =	shalt  }
0x6d: {  	_ =	shalt  }
0x6e: {  	_ =	shalt  }
0x6f: {  	_ =	shalt  }
0x70: {  	_ =	shalt  }
0x71: {  	_ =	shalt  }
0x72: {  	_ =	shalt  }
0x73: {  	_ =	shalt  }
0x74: {  	_ =	shalt  }
0x75: {  	_ =	shalt  }
0x76: {  	_ =	shalt  }
0x77: {  	_ =	shalt  }
0x78: {  	_ =	shalt  }
0x79: {  	_ =	shalt  }
0x7a: {  	_ =	shalt  }
0x7b: {  	_ =	shalt  }
0x7c: {  	_ =	shalt  }
0x7d: {  	_ =	shalt  }
0x7e: {  	_ =	shalt  }
0x7f: {  	_ =	shalt  }
0x80: {  	_ =	shalt  }
0x81: {  	_ =	shalt  }
0x82: {  	_ =	shalt  }
0x83: {  	_ =	shalt  }
0x84: {  	_ =	shalt  }
0x85: {  	_ =	shalt  }
0x86: {  	_ =	shalt  }
0x87: {  	_ =	shalt  }
.Lfunc_end0:
.L_simem_size_0:
called_computation_lowered:
.L_overlay_start_0:
0x88: {  	s2 =	sld [smem:$0x3FD9]  }
0x89: {  	s3 =	sld [smem:$0x3FFE];
	_ =	sdelay $0x1  }
0x8a: {  	s1 =	srdreg.scid  }
0x8b: {  	s0 =	sand.u32 $0x1, s1  }
0x8c: {  	s17 =	sshll.u32 s0, $0xA;
	s2 =	sadd.s32 s3, s2  }
0x8d: {  	s2 =	sadd.s32 s2, s17  }
0x8e: {  	[smem:$0x3FBE] =	sst s2  }
0x8f: {  	_ = 	snop  }
0x90: {  	s2 =	sld [smem:$0x3FD0];
	(tm) =	ssettm $0x1  }
0x91: {  	s18 =	sld [smem:$0x3FFB];
	_ =	sdelay $0x3  }
0x92: {  	_ =	strace s18  }
0x93: {  	s3 =	sld [smem:$0x3FFC];
	_ =	sdelay $0x3  }
0x94: {  	_ =	strace s3  }
0x95: {  	s3 =	sld [smem:$0x3FFD];
	_ =	sdelay $0x3  }
0x96: {  	_ =	strace s3  }
0x97: {  	_ =	strace $0x8FFFFFFF  }
0x98: {  	s19 =	sld [smem:$0x3FDB];
	_ =	sdelay $0x1  }
0x99: {  	s4 =	simm.s32 $_scs_section_size  }
0x9a: {  	s5 =	simm.s32 $_size__tile_overlayer_lowered;
	s6 =	simm.s32 $_tile_overlayer_lowered  }
0x9b: {  	s22 =	simm.s32 $0x1BFF;
	s21 =	sshll.u32 s6, $0x1;
	s3 =	sadd.s32 s4, s19  }
0x9c: {  	s7 =	simm.s32 $0x0;
	s20 =	sshll.u32 s5, $0x1;
	s5 =	sadd.s32 s21, s3  }
0x9d: {  	[timem:s7], [sflag:s22] =	dma.local [hbm:s5], s20  }
0x9e: {  	_ =	swait.ge [sflag:s22], s20  }
0x9f: {  	s4 =	ssub.s32 $0x0, s20;
	[sflag:s22] =	ssyncset.done $0x0  }
0xa0: {  	[sflag:s22] =	ssyncadd.s32 s4;
	_ =	sdelay $0x1  }
0xa1: {  	s23 =	simm.s32 $0x1B8B  }
0xa2: {  	_ =	swait.ge [sflag:s23], $0x1  }
0xa3: {  	[sflag:s23] =	ssyncset.done $0x0  }
0xa4: {  	s25 =	simm.s32 $0x1B8E;
	s24 =	sld [smem:$0x3FFE];
	[sflag:s23] =	ssyncadd.s32 $0xFFFFFFFF  }
0xa5: {  	s26 =	simm.s32 $execute0_lowered;
	[smem:$0x3FD2] =	sst s25  }
0xa6: {  	s5 =	sshll.u32 s26, $0x1;
	_ =	strace $0x80000046;
	[dreg:$0x1] =	wrdreg $0xFFFFFFFF  }
0xa7: {  	s28 =	simm.s32 $_size_execute0_lowered;
	s3 =	sadd.s32 s3, s5;
	[dreg:$0x0] =	wrdreg $0x0  }
0xa8: {  	s5 =	sshll.u32 s28, $0x1;
	[dreg:$0x2] =	wrdreg s3  }
0xa9: {  	[dreg:$0x3] =	wrdreg s5  }
0xaa: {  	[dreg:$0x4] =	wrdreg $0xC0  }
0xab: {  	_ =	task [dreg:s7], $0x5FFFF  }
0xac: {  	[dreg:$0x1] =	wrdreg $0xFFFFFFFF  }
0xad: {  	[dreg:$0x0] =	wrdreg $0x60  }
0xae: {  	[dreg:$0x2] =	wrdreg s24  }
0xaf: {  	[dreg:$0x3] =	wrdreg s2  }
0xb0: {  	[dreg:$0x4] =	wrdreg $0x9  }
0xb1: {  	_ =	task.clear_ibuf [dreg:s7], $0x5FFFF;
	_ =	strace $0x90000046  }
0xb2: {  	s29 =	simm.s32 $0x9;
	_ =	strace $0x80000048  }
0xb3: {  	_ =	swait.ge [sflag:s29], $0x1  }
0xb4: {  	[sflag:s29] =	ssyncadd.s32 $0xFFFFFFFF  }
0xb5: {  	_ =	strace $0x90000048  }
0xb6: {  	_ =	sfence  }
0xb7: {  	s30 =	sld [smem:$0x0];
	_ =	sdelay $0x2  }
0xb8: {  	s31 =	sshll.u32 s1, $0xD;
	s1 =	sshrl.u32 s1, $0x2  }
0xb9: {  	s3 =	sand.u32 $0x4000, s31;
	s1 =	sadd.s32 s1, s30  }
0xba: {  	s0 =	sor.u32 s3, s0;
	s1 =	sshll.u32 s1, $0x11  }
0xbb: {  	s0 =	sor.u32 s1, s0  }
0xbc: {  	s0 =	sadd.s32 $0x8F2B, s0  }
0xbd: {  	[sflag:s0] =	ssyncadd.remote.s32 $0x1  }
0xbe: {  	_ =	sfence.sel $0xFFFF  }
0xbf: {  	[dreg:$0x0] =	wrdreg $0xFFFFFFFF;
	(pc) =	sbr.abs _section_cstart, $3  }
0xc0: {  	[dreg:$0x1] =	wrdreg $0xFFFFFFFF  }
0xc1: {  	_ =	task.clear_ibuf [dreg:s7], $0x2FFFF;
	_ =	strace $0x9FFFFFFF  }
0xc2: {  	(tm) =	ssettm $0x7FFFFFFF  }
0xc3: {  	_ =	shalt  }
tec
execute0_lowered:
.L_overlay_start_1:
0x0: {  	(tag) =	ssettag $0x1  }
0x1: {  	s0 =	rddreg [dreg:$0x0]  }
0x2: {  	s2 =	rddreg [dreg:$0x1];
	s4 =	srdreg.scid;
	s3 =	simm.s32 $0x0  }
0x3: {  	s1 =	stileid.u32;
	s28 =	simm.s32 $0x1000;
	s29 =	simm.s32 $0x1280  }
0x4: {  	s30 =	simm.s32 $0x1080;
	s31 =	simm.s32 $0x1300;
	s5 =	sand.u32 $0x1, s4  }
0x5: {  	[smem:$0x7FF] =	sst s3;
	s25 =	sshll.u32 s1, $0x8;
	s6 =	sshll.u32 s5, $0x7  }
0x6: {  	s4 =	sadd.s32 $0x188A00, s0;
	s8 =	sadd.s32 $0x9000, s0;
	s6 =	sor.u32 s6, s25  }
0x7: {  	s9 =	sadd.s32 $0x31000, s0;
	s10 =	sadd.s32 $0x81000, s0;
	s7 =	sadd.s32 s6, s0  }
0x8: {  	_ =	strace $0x80000047;
	s5 =	ssub.s32 $0x2, s5;
	s11 =	sadd.s32 $0x2000, s7  }
0x9: {  	s1 =	sshll.u32 s6, $0x4;
	s26 =	sadd.s32 $0x3000, s7;
	[dreg:$0x3] =	wrdreg s11  }
0xa: {  	s12 =	sor.u32 $0x1000, s6;
	s7 =	sadd.s32 $0x4000, s7;
	[dreg:$0x4] =	wrdreg s26  }
0xb: {  	s13 =	sadd.s32 s9, s1;
	s14 =	sadd.s32 s10, s1;
	[dreg:$0x5] =	wrdreg s7  }
0xc: {  	s15 =	sshll.u32 s12, $0x4;
	s1 =	sshll.u32 s12, $0x3;
	[dreg:$0x6] =	wrdreg s13  }
0xd: {  	[dreg:$0x7] =	wrdreg s14;
	s16 =	sadd.s32 s9, s15;
	s13 =	sor.u32 $0x2000, s6  }
0xe: {  	s17 =	sadd.s32 s10, s15;
	s14 =	sor.u32 $0x3000, s6;
	s15 =	sor.u32 $0x4000, s6  }
0xf: {  	s6 =	sshll.u32 s6, $0x3;
	s7 =	simm.s32 $0x400;
	[dreg:$0x8] =	wrdreg s16  }
0x10: {  	s18 =	sshll.u32 s13, $0x4;
	[dreg:$0x9] =	wrdreg s17;
	s21 =	sshll.u32 s14, $0x4  }
0x11: {  	s24 =	sshll.u32 s15, $0x4;
	s16 =	sshrl.u32 s5, $0x1;
	s6 =	sadd.s32 s8, s6  }
0x12: {  	s12 =	sshll.u32 s14, $0x3;
	s14 =	sshll.u32 s15, $0x3;
	s17 =	simm.s32 $0xC00  }
0x13: {  	s19 =	sadd.s32 s9, s18;
	s20 =	sadd.s32 s10, s18;
	[dreg:$0x10] =	wrdreg s6  }
0x14: {  	s22 =	sadd.s32 s9, s21;
	s23 =	sadd.s32 s10, s21;
	[dreg:$0x15] =	wrdreg s17  }
0x15: {  	s25 =	sadd.s32 s9, s24;
	s26 =	sadd.s32 s10, s24;
	[dreg:$0xa] =	wrdreg s19  }
0x16: {  	s9 =	sadd.s32 s8, s1;
	s10 =	sshll.u32 s13, $0x3;
	[dreg:$0xb] =	wrdreg s20  }
0x17: {  	s13 =	sadd.s32 s8, s12;
	s15 =	ssub.s32 s5, s16;
	[dreg:$0xc] =	wrdreg s22  }
0x18: {  	v0 =	vlaneseq.u32;
	s16 =	sadd.s32 s8, s14;
	s5 =	sadd.s32 $0x5000, s0;
	[dreg:$0xd] =	wrdreg s23  }
0x19: {  	v0 =	vmul.u32 $0x8, v0;
	s18 =	simm.s32 $0xC80;
	s12 =	simm.s32 $0x3380;
	[dreg:$0xe] =	wrdreg s25  }
0x1a: {  	s21 =	simm.s32 $0xE00;
	s14 =	simm.s32 $0x7380;
	[dreg:$0xf] =	wrdreg s26  }
0x1b: {  	v1 =	vor.u32 $0x80, v0;
	v2 =	vor.u32 $0x100, v0;
	v3 =	vor.u32 $0x180, v0;
	s17 =	simm.s32 $0x13380;
	s24 =	simm.s32 $0xF00;
	[dreg:$0x11] =	wrdreg s9  }
0x1c: {  	v4 =	vor.u32 $0x200, v0;
	v5 =	vor.u32 $0x280, v0;
	v6 =	vor.u32 $0x300, v0;
	s0 =	simm.s32 $0x2;
	s11 =	sadd.s32 s8, s10;
	[dreg:$0x13] =	wrdreg s13  }
0x1d: {  	v7 =	vor.u32 $0x380, v0;
	v8 =	vor.u32 $0x1, v0;
	v9 =	vor.u32 $0x81, v0;
	[dreg:$0x14] =	wrdreg s16;
	s6 =	smax.u32 s15, $0x1;
	s8 =	simm.s32 $0x800  }
0x1e: {  	v10 =	vor.u32 $0x101, v0;
	v11 =	vor.u32 $0x181, v0;
	v12 =	vor.u32 $0x201, v0;
	s9 =	simm.s32 $0x1;
	s10 =	simm.s32 $0x80;
	[dreg:$0x16] =	wrdreg s18  }
0x1f: {  	v13 =	vor.u32 $0x281, v0;
	v14 =	vor.u32 $0x301, v0;
	v15 =	vor.u32 $0x381, v0;
	s19 =	simm.s32 $0xD00;
	s20 =	simm.s32 $0xD80;
	[dreg:$0x19] =	wrdreg s21  }
0x20: {  	v16 =	vor.u32 $0x2, v0;
	v17 =	vor.u32 $0x82, v0;
	v18 =	vor.u32 $0x102, v0;
	s13 =	simm.s32 $0x5380;
	s22 =	simm.s32 $0xE80;
	[dreg:$0x1c] =	wrdreg s24  }
0x21: {  	v19 =	vor.u32 $0x182, v0;
	v20 =	vor.u32 $0x202, v0;
	v21 =	vor.u32 $0x282, v0;
	s23 =	simm.s32 $0x1100;
	s15 =	simm.s32 $0x9380;
	[dreg:$0x12] =	wrdreg s11  }
0x22: {  	v22 =	vor.u32 $0x302, v0;
	v23 =	vor.u32 $0x382, v0;
	v24 =	vor.u32 $0x3, v0;
	s16 =	simm.s32 $0xB380;
	s18 =	simm.s32 $0x3;
	[dreg:$0x17] =	wrdreg s19  }
0x23: {  	v25 =	vor.u32 $0x83, v0;
	v26 =	vor.u32 $0x103, v0;
	v27 =	vor.u32 $0x183, v0;
	s25 =	simm.s32 $0x1180;
	s21 =	simm.s32 $0x17380;
	[dreg:$0x18] =	wrdreg s20  }
0x24: {  	v28 =	vor.u32 $0x203, v0;
	v29 =	vor.u32 $0x283, v0;
	v30 =	vor.u32 $0x303, v0;
	s26 =	simm.s32 $0xF80;
	s24 =	simm.s32 $0x7;
	[dreg:$0x1a] =	wrdreg s22  }
0x25: {  	v31 =	vor.u32 $0x383, v0;
	v32 =	vor.u32 $0x4, v0;
	v33 =	vor.u32 $0x84, v0;
	s11 =	simm.s32 $0x1380;
	[dreg:$0x1b] =	wrdreg s23;
	s19 =	simm.s32 $0x5  }
0x26: {  	v34 =	vor.u32 $0x104, v0;
	v35 =	vor.u32 $0x184, v0;
	v36 =	vor.u32 $0x204, v0;
	s20 =	simm.s32 $0xF380;
	[dreg:$0x1d] =	wrdreg s25;
	s22 =	simm.s32 $0x4  }
0x27: {  	v37 =	vor.u32 $0x284, v0;
	v38 =	vor.u32 $0x304, v0;
	v39 =	vor.u32 $0x384, v0;
	s23 =	simm.s32 $0x6;
	[dreg:$0x1e] =	wrdreg s26;
	s26 =	simm.s32 $0x8  }
.LBB2_1:
0x28: {  	s1 =	rddreg [dreg:$0x3]  }
0x29: {  	[tilespmem:s3], [sflag:$0x1] =	stream.linear.gather [hbm4b:s1+s3], $0x400, $0x38;
	[tilespmem:$0x1B380] =	vst v63  }
0x2a: {  	s25 =	rddreg [dreg:$0x4]  }
0x2b: {  	[tilespmem:s7], [sflag:$0x1] =	stream.linear.gather [hbm4b:s25+s3], $0x400, $0x38;
	[tilespmem:$0x1B380] =	vst v63  }
0x2c: {  	s1 =	rddreg [dreg:$0x5]  }
0x2d: {  	[tilespmem:s8], [sflag:$0x1] =	stream.linear.gather [hbm4b:s1+s3], $0x400, $0x38;
	[tilespmem:$0x1B380] =	vst v63  }
0x2e: {  	_ =	swait.ge [sflag:s9], $0x400  }
0x2f: {  	[sflag:s9] =	ssyncset.done $0x0  }
0x30: {  	[sflag:s9] =	ssyncadd.s32 $0xFFFFFC00  }
0x31: {  	_ =	swait.ge [sflag:s9], $0x400  }
0x32: {  	[sflag:s9] =	ssyncset.done $0x0  }
0x33: {  	[sflag:s9] =	ssyncadd.s32 $0xFFFFFC00  }
0x34: {  	_ =	swait.ge [sflag:s9], $0x400  }
0x35: {  	[sflag:s9] =	ssyncset.done $0x0  }
0x36: {  	[sflag:s9] =	ssyncadd.s32 $0xFFFFFC00  }
0x37: {  	v40 =	vld.idx.msk [tilespmem:v0+s3+$0x0], $0xffff;
	_ =	sdelay $0x4  }
0x38: {  	[tilespmem:$0xC00] =	vst v40  }
0x39: {  	v40 =	vld.idx.msk [tilespmem:v1+s3+$0x0], $0xffff;
	_ =	sdelay $0x4  }
0x3a: {  	[tilespmem:$0xC10] =	vst v40  }
0x3b: {  	v40 =	vld.idx.msk [tilespmem:v2+s3+$0x0], $0xffff;
	_ =	sdelay $0x4  }
0x3c: {  	[tilespmem:$0xC20] =	vst v40  }
0x3d: {  	v40 =	vld.idx.msk [tilespmem:v3+s3+$0x0], $0xffff;
	_ =	sdelay $0x4  }
0x3e: {  	[tilespmem:$0xC30] =	vst v40  }
0x3f: {  	v40 =	vld.idx.msk [tilespmem:v4+s3+$0x0], $0xffff;
	_ =	sdelay $0x4  }
0x40: {  	[tilespmem:$0xC40] =	vst v40  }
0x41: {  	v40 =	vld.idx.msk [tilespmem:v5+s3+$0x0], $0xffff;
	_ =	sdelay $0x4  }
0x42: {  	[tilespmem:$0xC50] =	vst v40  }
0x43: {  	v40 =	vld.idx.msk [tilespmem:v6+s3+$0x0], $0xffff;
	_ =	sdelay $0x4  }
0x44: {  	[tilespmem:$0xC60] =	vst v40  }
0x45: {  	v40 =	vld.idx.msk [tilespmem:v7+s3+$0x0], $0xffff;
	_ =	sdelay $0x4  }
0x46: {  	[tilespmem:$0xC70] =	vst v40  }
0x47: {  	v40 =	vld.idx.msk [tilespmem:v8+s3+$0x0], $0xffff;
	_ =	sdelay $0x4  }
0x48: {  	[tilespmem:$0xC80] =	vst v40  }
0x49: {  	v40 =	vld.idx.msk [tilespmem:v9+s3+$0x0], $0xffff;
	_ =	sdelay $0x4  }
0x4a: {  	[tilespmem:$0xC90] =	vst v40  }
0x4b: {  	v40 =	vld.idx.msk [tilespmem:v10+s3+$0x0], $0xffff;
	_ =	sdelay $0x4  }
0x4c: {  	[tilespmem:$0xCA0] =	vst v40  }
0x4d: {  	v40 =	vld.idx.msk [tilespmem:v11+s3+$0x0], $0xffff;
	_ =	sdelay $0x4  }
0x4e: {  	[tilespmem:$0xCB0] =	vst v40  }
0x4f: {  	v40 =	vld.idx.msk [tilespmem:v12+s3+$0x0], $0xffff;
	_ =	sdelay $0x4  }
0x50: {  	[tilespmem:$0xCC0] =	vst v40  }
0x51: {  	v40 =	vld.idx.msk [tilespmem:v13+s3+$0x0], $0xffff;
	_ =	sdelay $0x4  }
0x52: {  	[tilespmem:$0xCD0] =	vst v40  }
0x53: {  	v40 =	vld.idx.msk [tilespmem:v14+s3+$0x0], $0xffff;
	_ =	sdelay $0x4  }
0x54: {  	[tilespmem:$0xCE0] =	vst v40  }
0x55: {  	v40 =	vld.idx.msk [tilespmem:v15+s3+$0x0], $0xffff;
	_ =	sdelay $0x4  }
0x56: {  	[tilespmem:$0xCF0] =	vst v40  }
0x57: {  	v40 =	vld.idx.msk [tilespmem:v16+s3+$0x0], $0xffff;
	_ =	sdelay $0x4  }
0x58: {  	[tilespmem:$0xD00] =	vst v40  }
0x59: {  	v40 =	vld.idx.msk [tilespmem:v17+s3+$0x0], $0xffff;
	_ =	sdelay $0x4  }
0x5a: {  	[tilespmem:$0xD10] =	vst v40  }
0x5b: {  	v40 =	vld.idx.msk [tilespmem:v18+s3+$0x0], $0xffff;
	_ =	sdelay $0x4  }
0x5c: {  	[tilespmem:$0xD20] =	vst v40  }
0x5d: {  	v40 =	vld.idx.msk [tilespmem:v19+s3+$0x0], $0xffff;
	_ =	sdelay $0x4  }
0x5e: {  	[tilespmem:$0xD30] =	vst v40  }
0x5f: {  	v40 =	vld.idx.msk [tilespmem:v20+s3+$0x0], $0xffff;
	_ =	sdelay $0x4  }
0x60: {  	[tilespmem:$0xD40] =	vst v40  }
0x61: {  	v40 =	vld.idx.msk [tilespmem:v21+s3+$0x0], $0xffff;
	_ =	sdelay $0x4  }
0x62: {  	[tilespmem:$0xD50] =	vst v40  }
0x63: {  	v40 =	vld.idx.msk [tilespmem:v22+s3+$0x0], $0xffff;
	_ =	sdelay $0x4  }
0x64: {  	[tilespmem:$0xD60] =	vst v40  }
0x65: {  	v40 =	vld.idx.msk [tilespmem:v23+s3+$0x0], $0xffff;
	_ =	sdelay $0x4  }
0x66: {  	[tilespmem:$0xD70] =	vst v40  }
0x67: {  	v40 =	vld.idx.msk [tilespmem:v24+s3+$0x0], $0xffff;
	_ =	sdelay $0x4  }
0x68: {  	[tilespmem:$0xD80] =	vst v40  }
0x69: {  	v40 =	vld.idx.msk [tilespmem:v25+s3+$0x0], $0xffff;
	_ =	sdelay $0x4  }
0x6a: {  	[tilespmem:$0xD90] =	vst v40  }
0x6b: {  	v40 =	vld.idx.msk [tilespmem:v26+s3+$0x0], $0xffff;
	_ =	sdelay $0x4  }
0x6c: {  	[tilespmem:$0xDA0] =	vst v40  }
0x6d: {  	v40 =	vld.idx.msk [tilespmem:v27+s3+$0x0], $0xffff;
	_ =	sdelay $0x4  }
0x6e: {  	[tilespmem:$0xDB0] =	vst v40  }
0x6f: {  	v40 =	vld.idx.msk [tilespmem:v28+s3+$0x0], $0xffff;
	_ =	sdelay $0x4  }
0x70: {  	[tilespmem:$0xDC0] =	vst v40  }
0x71: {  	v40 =	vld.idx.msk [tilespmem:v29+s3+$0x0], $0xffff;
	_ =	sdelay $0x4  }
0x72: {  	[tilespmem:$0xDD0] =	vst v40  }
0x73: {  	v40 =	vld.idx.msk [tilespmem:v30+s3+$0x0], $0xffff;
	_ =	sdelay $0x4  }
0x74: {  	[tilespmem:$0xDE0] =	vst v40  }
0x75: {  	v40 =	vld.idx.msk [tilespmem:v31+s3+$0x0], $0xffff;
	_ =	sdelay $0x4  }
0x76: {  	[tilespmem:$0xDF0] =	vst v40  }
0x77: {  	v40 =	vld.idx.msk [tilespmem:v32+s3+$0x0], $0xffff;
	_ =	sdelay $0x4  }
0x78: {  	[tilespmem:$0xE00] =	vst v40  }
0x79: {  	v40 =	vld.idx.msk [tilespmem:v33+s3+$0x0], $0xffff;
	_ =	sdelay $0x4  }
0x7a: {  	[tilespmem:$0xE10] =	vst v40  }
0x7b: {  	v40 =	vld.idx.msk [tilespmem:v34+s3+$0x0], $0xffff;
	_ =	sdelay $0x4  }
0x7c: {  	[tilespmem:$0xE20] =	vst v40  }
0x7d: {  	v40 =	vld.idx.msk [tilespmem:v35+s3+$0x0], $0xffff;
	_ =	sdelay $0x4  }
0x7e: {  	[tilespmem:$0xE30] =	vst v40  }
0x7f: {  	v40 =	vld.idx.msk [tilespmem:v36+s3+$0x0], $0xffff;
	_ =	sdelay $0x4  }
0x80: {  	[tilespmem:$0xE40] =	vst v40  }
0x81: {  	v40 =	vld.idx.msk [tilespmem:v37+s3+$0x0], $0xffff;
	_ =	sdelay $0x4  }
0x82: {  	[tilespmem:$0xE50] =	vst v40  }
0x83: {  	v40 =	vld.idx.msk [tilespmem:v38+s3+$0x0], $0xffff;
	_ =	sdelay $0x4  }
0x84: {  	[tilespmem:$0xE60] =	vst v40  }
0x85: {  	v40 =	vld.idx.msk [tilespmem:v39+s3+$0x0], $0xffff;
	_ =	sdelay $0x4  }
0x86: {  	[tilespmem:$0xE70] =	vst v40  }
0x87: {  	v40 =	vld.idx.msk [tilespmem:v0+s7+$0x0], $0xffff;
	_ =	sdelay $0x4  }
0x88: {  	[tilespmem:$0xE80] =	vst v40  }
0x89: {  	v40 =	vld.idx.msk [tilespmem:v1+s7+$0x0], $0xffff;
	_ =	sdelay $0x4  }
0x8a: {  	[tilespmem:$0xE90] =	vst v40  }
0x8b: {  	v40 =	vld.idx.msk [tilespmem:v2+s7+$0x0], $0xffff;
	_ =	sdelay $0x4  }
0x8c: {  	[tilespmem:$0xEA0] =	vst v40  }
0x8d: {  	v40 =	vld.idx.msk [tilespmem:v3+s7+$0x0], $0xffff;
	_ =	sdelay $0x4  }
0x8e: {  	[tilespmem:$0xEB0] =	vst v40  }
0x8f: {  	v40 =	vld.idx.msk [tilespmem:v4+s7+$0x0], $0xffff;
	_ =	sdelay $0x4  }
0x90: {  	[tilespmem:$0xEC0] =	vst v40  }
0x91: {  	v40 =	vld.idx.msk [tilespmem:v5+s7+$0x0], $0xffff;
	_ =	sdelay $0x4  }
0x92: {  	[tilespmem:$0xED0] =	vst v40  }
0x93: {  	v40 =	vld.idx.msk [tilespmem:v6+s7+$0x0], $0xffff;
	_ =	sdelay $0x4  }
0x94: {  	[tilespmem:$0xEE0] =	vst v40  }
0x95: {  	v40 =	vld.idx.msk [tilespmem:v7+s7+$0x0], $0xffff;
	_ =	sdelay $0x4  }
0x96: {  	[tilespmem:$0xEF0] =	vst v40  }
0x97: {  	v40 =	vld.idx.msk [tilespmem:v8+s7+$0x0], $0xffff;
	_ =	sdelay $0x4  }
0x98: {  	[tilespmem:$0xF00] =	vst v40  }
0x99: {  	v40 =	vld.idx.msk [tilespmem:v9+s7+$0x0], $0xffff;
	_ =	sdelay $0x4  }
0x9a: {  	[tilespmem:$0xF10] =	vst v40  }
0x9b: {  	v40 =	vld.idx.msk [tilespmem:v10+s7+$0x0], $0xffff;
	_ =	sdelay $0x4  }
0x9c: {  	[tilespmem:$0xF20] =	vst v40  }
0x9d: {  	v40 =	vld.idx.msk [tilespmem:v11+s7+$0x0], $0xffff;
	_ =	sdelay $0x4  }
0x9e: {  	[tilespmem:$0xF30] =	vst v40  }
0x9f: {  	v40 =	vld.idx.msk [tilespmem:v12+s7+$0x0], $0xffff;
	_ =	sdelay $0x4  }
0xa0: {  	[tilespmem:$0xF40] =	vst v40  }
0xa1: {  	v40 =	vld.idx.msk [tilespmem:v13+s7+$0x0], $0xffff;
	_ =	sdelay $0x4  }
0xa2: {  	[tilespmem:$0xF50] =	vst v40  }
0xa3: {  	v40 =	vld.idx.msk [tilespmem:v14+s7+$0x0], $0xffff;
	_ =	sdelay $0x4  }
0xa4: {  	[tilespmem:$0xF60] =	vst v40  }
0xa5: {  	v40 =	vld.idx.msk [tilespmem:v15+s7+$0x0], $0xffff;
	_ =	sdelay $0x4  }
0xa6: {  	[tilespmem:$0xF70] =	vst v40  }
0xa7: {  	v40 =	vld.idx.msk [tilespmem:v16+s7+$0x0], $0xffff;
	_ =	sdelay $0x4  }
0xa8: {  	[tilespmem:$0xF80] =	vst v40  }
0xa9: {  	v40 =	vld.idx.msk [tilespmem:v17+s7+$0x0], $0xffff;
	_ =	sdelay $0x4  }
0xaa: {  	[tilespmem:$0xF90] =	vst v40  }
0xab: {  	v40 =	vld.idx.msk [tilespmem:v18+s7+$0x0], $0xffff;
	_ =	sdelay $0x4  }
0xac: {  	[tilespmem:$0xFA0] =	vst v40  }
0xad: {  	v40 =	vld.idx.msk [tilespmem:v19+s7+$0x0], $0xffff;
	_ =	sdelay $0x4  }
0xae: {  	[tilespmem:$0xFB0] =	vst v40  }
0xaf: {  	v40 =	vld.idx.msk [tilespmem:v20+s7+$0x0], $0xffff;
	_ =	sdelay $0x4  }
0xb0: {  	[tilespmem:$0xFC0] =	vst v40  }
0xb1: {  	v40 =	vld.idx.msk [tilespmem:v21+s7+$0x0], $0xffff;
	_ =	sdelay $0x4  }
0xb2: {  	[tilespmem:$0xFD0] =	vst v40  }
0xb3: {  	v40 =	vld.idx.msk [tilespmem:v22+s7+$0x0], $0xffff;
	_ =	sdelay $0x4  }
0xb4: {  	[tilespmem:$0xFE0] =	vst v40  }
0xb5: {  	v40 =	vld.idx.msk [tilespmem:v23+s7+$0x0], $0xffff;
	_ =	sdelay $0x4  }
0xb6: {  	[tilespmem:$0xFF0] =	vst v40  }
0xb7: {  	v40 =	vld.idx.msk [tilespmem:v24+s7+$0x0], $0xffff;
	_ =	sdelay $0x4  }
0xb8: {  	[tilespmem:$0x1000] =	vst v40  }
0xb9: {  	v40 =	vld.idx.msk [tilespmem:v25+s7+$0x0], $0xffff;
	_ =	sdelay $0x4  }
0xba: {  	[tilespmem:$0x1010] =	vst v40  }
0xbb: {  	v40 =	vld.idx.msk [tilespmem:v26+s7+$0x0], $0xffff;
	_ =	sdelay $0x4  }
0xbc: {  	[tilespmem:$0x1020] =	vst v40  }
0xbd: {  	v40 =	vld.idx.msk [tilespmem:v27+s7+$0x0], $0xffff;
	_ =	sdelay $0x4  }
0xbe: {  	[tilespmem:$0x1030] =	vst v40  }
0xbf: {  	v40 =	vld.idx.msk [tilespmem:v28+s7+$0x0], $0xffff;
	_ =	sdelay $0x4  }
0xc0: {  	[tilespmem:$0x1040] =	vst v40  }
0xc1: {  	v40 =	vld.idx.msk [tilespmem:v29+s7+$0x0], $0xffff;
	_ =	sdelay $0x4  }
0xc2: {  	[tilespmem:$0x1050] =	vst v40  }
0xc3: {  	v40 =	vld.idx.msk [tilespmem:v30+s7+$0x0], $0xffff;
	_ =	sdelay $0x4  }
0xc4: {  	[tilespmem:$0x1060] =	vst v40  }
0xc5: {  	v40 =	vld.idx.msk [tilespmem:v31+s7+$0x0], $0xffff;
	_ =	sdelay $0x4  }
0xc6: {  	[tilespmem:$0x1070] =	vst v40  }
0xc7: {  	v40 =	vld.idx.msk [tilespmem:v32+s7+$0x0], $0xffff;
	_ =	sdelay $0x4  }
0xc8: {  	[tilespmem:$0x1080] =	vst v40  }
0xc9: {  	v40 =	vld.idx.msk [tilespmem:v33+s7+$0x0], $0xffff;
	_ =	sdelay $0x4  }
0xca: {  	[tilespmem:$0x1090] =	vst v40  }
0xcb: {  	v40 =	vld.idx.msk [tilespmem:v34+s7+$0x0], $0xffff;
	_ =	sdelay $0x4  }
0xcc: {  	[tilespmem:$0x10A0] =	vst v40  }
0xcd: {  	v40 =	vld.idx.msk [tilespmem:v35+s7+$0x0], $0xffff;
	_ =	sdelay $0x4  }
0xce: {  	[tilespmem:$0x10B0] =	vst v40  }
0xcf: {  	v40 =	vld.idx.msk [tilespmem:v36+s7+$0x0], $0xffff;
	_ =	sdelay $0x4  }
0xd0: {  	[tilespmem:$0x10C0] =	vst v40  }
0xd1: {  	v40 =	vld.idx.msk [tilespmem:v37+s7+$0x0], $0xffff;
	_ =	sdelay $0x4  }
0xd2: {  	[tilespmem:$0x10D0] =	vst v40  }
0xd3: {  	v40 =	vld.idx.msk [tilespmem:v38+s7+$0x0], $0xffff;
	_ =	sdelay $0x4  }
0xd4: {  	[tilespmem:$0x10E0] =	vst v40  }
0xd5: {  	v40 =	vld.idx.msk [tilespmem:v39+s7+$0x0], $0xffff;
	_ =	sdelay $0x4  }
0xd6: {  	[tilespmem:$0x10F0] =	vst v40  }
0xd7: {  	v40 =	vld.idx.msk [tilespmem:v0+s8+$0x0], $0xffff;
	_ =	sdelay $0x4  }
0xd8: {  	[tilespmem:$0x1100] =	vst v40  }
0xd9: {  	v40 =	vld.idx.msk [tilespmem:v1+s8+$0x0], $0xffff;
	_ =	sdelay $0x4  }
0xda: {  	[tilespmem:$0x1110] =	vst v40  }
0xdb: {  	v40 =	vld.idx.msk [tilespmem:v2+s8+$0x0], $0xffff;
	_ =	sdelay $0x4  }
0xdc: {  	[tilespmem:$0x1120] =	vst v40  }
0xdd: {  	v40 =	vld.idx.msk [tilespmem:v3+s8+$0x0], $0xffff;
	_ =	sdelay $0x4  }
0xde: {  	[tilespmem:$0x1130] =	vst v40  }
0xdf: {  	v40 =	vld.idx.msk [tilespmem:v4+s8+$0x0], $0xffff;
	_ =	sdelay $0x4  }
0xe0: {  	[tilespmem:$0x1140] =	vst v40  }
0xe1: {  	v40 =	vld.idx.msk [tilespmem:v5+s8+$0x0], $0xffff;
	_ =	sdelay $0x4  }
0xe2: {  	[tilespmem:$0x1150] =	vst v40  }
0xe3: {  	v40 =	vld.idx.msk [tilespmem:v6+s8+$0x0], $0xffff;
	_ =	sdelay $0x4  }
0xe4: {  	[tilespmem:$0x1160] =	vst v40  }
0xe5: {  	v40 =	vld.idx.msk [tilespmem:v7+s8+$0x0], $0xffff;
	_ =	sdelay $0x4  }
0xe6: {  	[tilespmem:$0x1170] =	vst v40  }
0xe7: {  	v40 =	vld.idx.msk [tilespmem:v8+s8+$0x0], $0xffff;
	_ =	sdelay $0x4  }
0xe8: {  	[tilespmem:$0x1180] =	vst v40  }
0xe9: {  	v40 =	vld.idx.msk [tilespmem:v9+s8+$0x0], $0xffff;
	_ =	sdelay $0x4  }
0xea: {  	[tilespmem:$0x1190] =	vst v40  }
0xeb: {  	v40 =	vld.idx.msk [tilespmem:v10+s8+$0x0], $0xffff;
	_ =	sdelay $0x4  }
0xec: {  	[tilespmem:$0x11A0] =	vst v40  }
0xed: {  	v40 =	vld.idx.msk [tilespmem:v11+s8+$0x0], $0xffff;
	_ =	sdelay $0x4  }
0xee: {  	[tilespmem:$0x11B0] =	vst v40  }
0xef: {  	v40 =	vld.idx.msk [tilespmem:v12+s8+$0x0], $0xffff;
	_ =	sdelay $0x4  }
0xf0: {  	[tilespmem:$0x11C0] =	vst v40  }
0xf1: {  	v40 =	vld.idx.msk [tilespmem:v13+s8+$0x0], $0xffff;
	_ =	sdelay $0x4  }
0xf2: {  	[tilespmem:$0x11D0] =	vst v40  }
0xf3: {  	v40 =	vld.idx.msk [tilespmem:v14+s8+$0x0], $0xffff;
	_ =	sdelay $0x4  }
0xf4: {  	[tilespmem:$0x11E0] =	vst v40  }
0xf5: {  	v40 =	vld.idx.msk [tilespmem:v15+s8+$0x0], $0xffff;
	_ =	sdelay $0x4  }
0xf6: {  	[tilespmem:$0x11F0] =	vst v40  }
0xf7: {  	v40 =	vld.idx.msk [tilespmem:v16+s8+$0x0], $0xffff;
	_ =	sdelay $0x4  }
0xf8: {  	[tilespmem:$0x1200] =	vst v40  }
0xf9: {  	v40 =	vld.idx.msk [tilespmem:v17+s8+$0x0], $0xffff;
	_ =	sdelay $0x4  }
0xfa: {  	[tilespmem:$0x1210] =	vst v40  }
0xfb: {  	v40 =	vld.idx.msk [tilespmem:v18+s8+$0x0], $0xffff;
	_ =	sdelay $0x4  }
0xfc: {  	[tilespmem:$0x1220] =	vst v40  }
0xfd: {  	v40 =	vld.idx.msk [tilespmem:v19+s8+$0x0], $0xffff;
	_ =	sdelay $0x4  }
0xfe: {  	[tilespmem:$0x1230] =	vst v40  }
0xff: {  	v40 =	vld.idx.msk [tilespmem:v20+s8+$0x0], $0xffff;
	_ =	sdelay $0x4  }
0x100: {  	[tilespmem:$0x1240] =	vst v40  }
0x101: {  	v40 =	vld.idx.msk [tilespmem:v21+s8+$0x0], $0xffff;
	_ =	sdelay $0x4  }
0x102: {  	[tilespmem:$0x1250] =	vst v40  }
0x103: {  	v40 =	vld.idx.msk [tilespmem:v22+s8+$0x0], $0xffff;
	_ =	sdelay $0x4  }
0x104: {  	[tilespmem:$0x1260] =	vst v40  }
0x105: {  	v40 =	vld.idx.msk [tilespmem:v23+s8+$0x0], $0xffff;
	_ =	sdelay $0x4  }
0x106: {  	[tilespmem:$0x1270] =	vst v40  }
0x107: {  	v40 =	vld.idx.msk [tilespmem:v24+s8+$0x0], $0xffff;
	_ =	sdelay $0x4  }
0x108: {  	[tilespmem:$0x1280] =	vst v40  }
0x109: {  	v40 =	vld.idx.msk [tilespmem:v25+s8+$0x0], $0xffff;
	_ =	sdelay $0x4  }
0x10a: {  	[tilespmem:$0x1290] =	vst v40  }
0x10b: {  	v40 =	vld.idx.msk [tilespmem:v26+s8+$0x0], $0xffff;
	_ =	sdelay $0x4  }
0x10c: {  	[tilespmem:$0x12A0] =	vst v40  }
0x10d: {  	v40 =	vld.idx.msk [tilespmem:v27+s8+$0x0], $0xffff;
	_ =	sdelay $0x4  }
0x10e: {  	[tilespmem:$0x12B0] =	vst v40  }
0x10f: {  	v40 =	vld.idx.msk [tilespmem:v28+s8+$0x0], $0xffff;
	_ =	sdelay $0x4  }
0x110: {  	[tilespmem:$0x12C0] =	vst v40  }
0x111: {  	v40 =	vld.idx.msk [tilespmem:v29+s8+$0x0], $0xffff;
	_ =	sdelay $0x4  }
0x112: {  	[tilespmem:$0x12D0] =	vst v40  }
0x113: {  	v40 =	vld.idx.msk [tilespmem:v30+s8+$0x0], $0xffff;
	_ =	sdelay $0x4  }
0x114: {  	[tilespmem:$0x12E0] =	vst v40  }
0x115: {  	v40 =	vld.idx.msk [tilespmem:v31+s8+$0x0], $0xffff;
	_ =	sdelay $0x4  }
0x116: {  	[tilespmem:$0x12F0] =	vst v40  }
0x117: {  	v40 =	vld.idx.msk [tilespmem:v32+s8+$0x0], $0xffff;
	_ =	sdelay $0x4  }
0x118: {  	[tilespmem:$0x1300] =	vst v40  }
0x119: {  	v40 =	vld.idx.msk [tilespmem:v33+s8+$0x0], $0xffff;
	_ =	sdelay $0x4  }
0x11a: {  	[tilespmem:$0x1310] =	vst v40  }
0x11b: {  	v40 =	vld.idx.msk [tilespmem:v34+s8+$0x0], $0xffff;
	_ =	sdelay $0x4  }
0x11c: {  	[tilespmem:$0x1320] =	vst v40  }
0x11d: {  	v40 =	vld.idx.msk [tilespmem:v35+s8+$0x0], $0xffff;
	_ =	sdelay $0x4  }
0x11e: {  	[tilespmem:$0x1330] =	vst v40  }
0x11f: {  	v40 =	vld.idx.msk [tilespmem:v36+s8+$0x0], $0xffff;
	_ =	sdelay $0x4  }
0x120: {  	[tilespmem:$0x1340] =	vst v40  }
0x121: {  	v40 =	vld.idx.msk [tilespmem:v37+s8+$0x0], $0xffff;
	_ =	sdelay $0x4  }
0x122: {  	[tilespmem:$0x1350] =	vst v40  }
0x123: {  	v40 =	vld.idx.msk [tilespmem:v38+s8+$0x0], $0xffff;
	_ =	sdelay $0x4  }
0x124: {  	[tilespmem:$0x1360] =	vst v40  }
0x125: {  	v40 =	vld.idx.msk [tilespmem:v39+s8+$0x0], $0xffff;
	_ =	sdelay $0x4  }
0x126: {  	s1 =	rddreg [dreg:$0x15];
	[tilespmem:$0x1370] =	vst v40  }
0x127: {  	[tilespmem:s11], [sflag:$0x2] =	stream.indirect.gather [hbm4b:s4+s10], $0x40, s1, s10, $0xb8;
	[tilespmem:$0x1B380] =	vst v63  }
0x128: {  	s25 =	rddreg [dreg:$0x16]  }
0x129: {  	[tilespmem:s12], [sflag:$0x2] =	stream.indirect.gather [hbm4b:s4+s10], $0x40, s25, s10, $0xb8;
	[tilespmem:$0x1B380] =	vst v63  }
0x12a: {  	s1 =	rddreg [dreg:$0x17]  }
0x12b: {  	[tilespmem:s13], [sflag:$0x2] =	stream.indirect.gather [hbm4b:s4+s10], $0x40, s1, s10, $0xb8;
	[tilespmem:$0x1B380] =	vst v63  }
0x12c: {  	s25 =	rddreg [dreg:$0x18]  }
0x12d: {  	[tilespmem:s14], [sflag:$0x2] =	stream.indirect.gather [hbm4b:s4+s10], $0x40, s25, s10, $0xb8;
	[tilespmem:$0x1B380] =	vst v63  }
0x12e: {  	s1 =	rddreg [dreg:$0x19]  }
0x12f: {  	[tilespmem:s15], [sflag:$0x2] =	stream.indirect.gather [hbm4b:s4+s10], $0x40, s1, s10, $0xb8;
	[tilespmem:$0x1B380] =	vst v63  }
0x130: {  	s25 =	rddreg [dreg:$0x1a]  }
0x131: {  	[tilespmem:s16], [sflag:$0x3] =	stream.indirect.gather [hbm4b:s2+s10], $0x80, s25, s10, $0xb8;
	[tilespmem:$0x1B380] =	vst v63  }
0x132: {  	s1 =	rddreg [dreg:$0x1b]  }
0x133: {  	[tilespmem:s17], [sflag:$0x5] =	stream.indirect.gather [hbm4b:s5+s10], $0x80, s1, s10, $0xb8;
	[tilespmem:$0x1B380] =	vst v63  }
0x134: {  	_ =	swait.ge [sflag:s18], $0x4000  }
0x135: {  	[sflag:s18] =	ssyncset.done $0x0  }
0x136: {  	s25 =	rddreg [dreg:$0x6];
	[sflag:s18] =	ssyncadd.s32 $0xFFFFC000  }
0x137: {  	[hbm4b:s25+s3] =	stream.linear.scatter [tilespmem:s16], [sflag:$0x7], $0x4000, $0x38;
	[tilespmem:$0x1B380] =	vst v63  }
0x138: {  	_ =	swait.ge [sflag:s19], $0x4000  }
0x139: {  	[sflag:s19] =	ssyncset.done $0x0  }
0x13a: {  	s1 =	rddreg [dreg:$0x7];
	[sflag:s19] =	ssyncadd.s32 $0xFFFFC000  }
0x13b: {  	[hbm4b:s1+s3] =	stream.linear.scatter [tilespmem:s17], [sflag:$0x7], $0x4000, $0x38;
	[tilespmem:$0x1B380] =	vst v63  }
0x13c: {  	s25 =	rddreg [dreg:$0x1c]  }
0x13d: {  	[tilespmem:s20], [sflag:$0x4] =	stream.indirect.gather [hbm4b:s2+s10], $0x80, s25, s10, $0xb8;
	[tilespmem:$0x1B380] =	vst v63  }
0x13e: {  	s1 =	rddreg [dreg:$0x1d]  }
0x13f: {  	[tilespmem:s21], [sflag:$0x6] =	stream.indirect.gather [hbm4b:s5+s10], $0x80, s1, s10, $0xb8;
	[tilespmem:$0x1B380] =	vst v63  }
0x140: {  	_ =	swait.ge [sflag:s22], $0x4000  }
0x141: {  	[sflag:s22] =	ssyncset.done $0x0  }
0x142: {  	s25 =	rddreg [dreg:$0x8];
	[sflag:s22] =	ssyncadd.s32 $0xFFFFC000  }
0x143: {  	[hbm4b:s25+s3] =	stream.linear.scatter [tilespmem:s20], [sflag:$0x8], $0x4000, $0x38;
	[tilespmem:$0x1B380] =	vst v63  }
0x144: {  	_ =	swait.ge [sflag:s23], $0x4000  }
0x145: {  	[sflag:s23] =	ssyncset.done $0x0  }
0x146: {  	s25 =	rddreg [dreg:$0x9];
	[sflag:s23] =	ssyncadd.s32 $0xFFFFC000  }
0x147: {  	[hbm4b:s25+s3] =	stream.linear.scatter [tilespmem:s21], [sflag:$0x8], $0x4000, $0x38;
	[tilespmem:$0x1B380] =	vst v63  }
0x148: {  	_ =	swait.ge [sflag:s24], $0x4000  }
0x149: {  	[sflag:s24] =	ssyncset.done $0x0  }
0x14a: {  	[sflag:s24] =	ssyncadd.s32 $0xFFFFC000  }
0x14b: {  	_ =	swait.ge [sflag:s24], $0x4000  }
0x14c: {  	[sflag:s24] =	ssyncset.done $0x0  }
0x14d: {  	s25 =	rddreg [dreg:$0x1e];
	[sflag:s24] =	ssyncadd.s32 $0xFFFFC000  }
0x14e: {  	[tilespmem:s16], [sflag:$0x3] =	stream.indirect.gather [hbm4b:s2+s10], $0x80, s25, s10, $0xb8;
	[tilespmem:$0x1B380] =	vst v63  }
0x14f: {  	s25 =	simm.s32 $0x1200  }
0x150: {  	[tilespmem:s17], [sflag:$0x5] =	stream.indirect.gather [hbm4b:s5+s10], $0x80, s25, s10, $0xb8;
	[tilespmem:$0x1B380] =	vst v63  }
0x151: {  	_ =	swait.ge [sflag:s18], $0x4000  }
0x152: {  	[sflag:s18] =	ssyncset.done $0x0  }
0x153: {  	s25 =	rddreg [dreg:$0xa];
	[sflag:s18] =	ssyncadd.s32 $0xFFFFC000  }
0x154: {  	[hbm4b:s25+s3] =	stream.linear.scatter [tilespmem:s16], [sflag:$0x7], $0x4000, $0x38;
	[tilespmem:$0x1B380] =	vst v63  }
0x155: {  	_ =	swait.ge [sflag:s19], $0x4000  }
0x156: {  	[sflag:s19] =	ssyncset.done $0x0  }
0x157: {  	s25 =	rddreg [dreg:$0xb];
	[sflag:s19] =	ssyncadd.s32 $0xFFFFC000  }
0x158: {  	[hbm4b:s25+s3] =	stream.linear.scatter [tilespmem:s17], [sflag:$0x7], $0x4000, $0x38;
	[tilespmem:$0x1B380] =	vst v63  }
0x159: {  	_ =	swait.ge [sflag:s26], $0x4000  }
0x15a: {  	[sflag:s26] =	ssyncset.done $0x0  }
0x15b: {  	[sflag:s26] =	ssyncadd.s32 $0xFFFFC000  }
0x15c: {  	_ =	swait.ge [sflag:s26], $0x4000  }
0x15d: {  	[sflag:s26] =	ssyncset.done $0x0  }
0x15e: {  	[sflag:s26] =	ssyncadd.s32 $0xFFFFC000  }
0x15f: {  	[tilespmem:s20], [sflag:$0x4] =	stream.indirect.gather [hbm4b:s2+s10], $0x80, s28, s10, $0xb8;
	[tilespmem:$0x1B380] =	vst v63  }
0x160: {  	_ = 	snop  }
0x161: {  	[tilespmem:s21], [sflag:$0x6] =	stream.indirect.gather [hbm4b:s5+s10], $0x80, s29, s10, $0xb8;
	[tilespmem:$0x1B380] =	vst v63  }
0x162: {  	_ =	swait.ge [sflag:s22], $0x4000  }
0x163: {  	[sflag:s22] =	ssyncset.done $0x0  }
0x164: {  	s25 =	rddreg [dreg:$0xc];
	[sflag:s22] =	ssyncadd.s32 $0xFFFFC000  }
0x165: {  	[hbm4b:s25+s3] =	stream.linear.scatter [tilespmem:s20], [sflag:$0x8], $0x4000, $0x38;
	[tilespmem:$0x1B380] =	vst v63  }
0x166: {  	_ =	swait.ge [sflag:s23], $0x4000  }
0x167: {  	[sflag:s23] =	ssyncset.done $0x0  }
0x168: {  	s25 =	rddreg [dreg:$0xd];
	[sflag:s23] =	ssyncadd.s32 $0xFFFFC000  }
0x169: {  	[hbm4b:s25+s3] =	stream.linear.scatter [tilespmem:s21], [sflag:$0x8], $0x4000, $0x38;
	[tilespmem:$0x1B380] =	vst v63  }
0x16a: {  	_ =	swait.ge [sflag:s24], $0x4000  }
0x16b: {  	[sflag:s24] =	ssyncset.done $0x0  }
0x16c: {  	[sflag:s24] =	ssyncadd.s32 $0xFFFFC000  }
0x16d: {  	_ =	swait.ge [sflag:s24], $0x4000  }
0x16e: {  	[sflag:s24] =	ssyncset.done $0x0  }
0x16f: {  	[sflag:s24] =	ssyncadd.s32 $0xFFFFC000  }
0x170: {  	[tilespmem:s16], [sflag:$0x3] =	stream.indirect.gather [hbm4b:s2+s10], $0x80, s30, s10, $0xb8;
	[tilespmem:$0x1B380] =	vst v63  }
0x171: {  	_ = 	snop  }
0x172: {  	[tilespmem:s17], [sflag:$0x5] =	stream.indirect.gather [hbm4b:s5+s10], $0x80, s31, s10, $0xb8;
	[tilespmem:$0x1B380] =	vst v63  }
0x173: {  	_ =	swait.ge [sflag:s18], $0x4000  }
0x174: {  	[sflag:s18] =	ssyncset.done $0x0  }
0x175: {  	s25 =	rddreg [dreg:$0xe];
	[sflag:s18] =	ssyncadd.s32 $0xFFFFC000  }
0x176: {  	[hbm4b:s25+s3] =	stream.linear.scatter [tilespmem:s16], [sflag:$0x7], $0x4000, $0x38;
	[tilespmem:$0x1B380] =	vst v63  }
0x177: {  	_ =	swait.ge [sflag:s19], $0x4000  }
0x178: {  	[sflag:s19] =	ssyncset.done $0x0  }
0x179: {  	s25 =	rddreg [dreg:$0xf];
	[sflag:s19] =	ssyncadd.s32 $0xFFFFC000  }
0x17a: {  	[hbm4b:s25+s3] =	stream.linear.scatter [tilespmem:s17], [sflag:$0x7], $0x4000, $0x38;
	[tilespmem:$0x1B380] =	vst v63  }
0x17b: {  	_ =	swait.ge [sflag:s0], $0x2000  }
0x17c: {  	[sflag:s0] =	ssyncset.done $0x0  }
0x17d: {  	[sflag:s0] =	ssyncadd.s32 $0xFFFFE000  }
0x17e: {  	_ =	swait.ge [sflag:s0], $0x2000  }
0x17f: {  	[sflag:s0] =	ssyncset.done $0x0  }
0x180: {  	[sflag:s0] =	ssyncadd.s32 $0xFFFFE000  }
0x181: {  	_ =	swait.ge [sflag:s0], $0x2000  }
0x182: {  	[sflag:s0] =	ssyncset.done $0x0  }
0x183: {  	[sflag:s0] =	ssyncadd.s32 $0xFFFFE000  }
0x184: {  	_ =	swait.ge [sflag:s0], $0x2000  }
0x185: {  	[sflag:s0] =	ssyncset.done $0x0  }
0x186: {  	[sflag:s0] =	ssyncadd.s32 $0xFFFFE000  }
0x187: {  	_ =	swait.ge [sflag:s0], $0x2000  }
0x188: {  	[sflag:s0] =	ssyncset.done $0x0  }
0x189: {  	s1 =	rddreg [dreg:$0x10];
	[sflag:s0] =	ssyncadd.s32 $0xFFFFE000  }
0x18a: {  	[hbm4b:s1+s3] =	stream.linear.scatter [tilespmem:s11], [sflag:$0x2], $0x2000, $0x38;
	[tilespmem:$0x1B380] =	vst v63  }
0x18b: {  	s25 =	rddreg [dreg:$0x11]  }
0x18c: {  	[hbm4b:s25+s3] =	stream.linear.scatter [tilespmem:s12], [sflag:$0x2], $0x2000, $0x38;
	[tilespmem:$0x1B380] =	vst v63  }
0x18d: {  	s1 =	rddreg [dreg:$0x12]  }
0x18e: {  	[hbm4b:s1+s3] =	stream.linear.scatter [tilespmem:s13], [sflag:$0x2], $0x2000, $0x38;
	[tilespmem:$0x1B380] =	vst v63  }
0x18f: {  	s25 =	rddreg [dreg:$0x13]  }
0x190: {  	[hbm4b:s25+s3] =	stream.linear.scatter [tilespmem:s14], [sflag:$0x2], $0x2000, $0x38;
	[tilespmem:$0x1B380] =	vst v63  }
0x191: {  	s1 =	rddreg [dreg:$0x14]  }
0x192: {  	[hbm4b:s1+s3] =	stream.linear.scatter [tilespmem:s15], [sflag:$0x2], $0x2000, $0x38;
	[tilespmem:$0x1B380] =	vst v63  }
0x193: {  	_ =	swait.ge [sflag:s26], $0x4000  }
0x194: {  	[sflag:s26] =	ssyncset.done $0x0  }
0x195: {  	[sflag:s26] =	ssyncadd.s32 $0xFFFFC000  }
0x196: {  	_ =	swait.ge [sflag:s26], $0x4000  }
0x197: {  	[sflag:s26] =	ssyncset.done $0x0  }
0x198: {  	[sflag:s26] =	ssyncadd.s32 $0xFFFFC000  }
0x199: {  	_ =	swait.ge [sflag:s24], $0x4000  }
0x19a: {  	[sflag:s24] =	ssyncset.done $0x0  }
0x19b: {  	[sflag:s24] =	ssyncadd.s32 $0xFFFFC000  }
0x19c: {  	_ =	swait.ge [sflag:s24], $0x4000  }
0x19d: {  	[sflag:s24] =	ssyncset.done $0x0  }
0x19e: {  	[sflag:s24] =	ssyncadd.s32 $0xFFFFC000  }
0x19f: {  	_ =	swait.ge [sflag:s0], $0x2000  }
0x1a0: {  	[sflag:s0] =	ssyncset.done $0x0  }
0x1a1: {  	[sflag:s0] =	ssyncadd.s32 $0xFFFFE000  }
0x1a2: {  	_ =	swait.ge [sflag:s0], $0x2000  }
0x1a3: {  	[sflag:s0] =	ssyncset.done $0x0  }
0x1a4: {  	[sflag:s0] =	ssyncadd.s32 $0xFFFFE000  }
0x1a5: {  	_ =	swait.ge [sflag:s0], $0x2000  }
0x1a6: {  	[sflag:s0] =	ssyncset.done $0x0  }
0x1a7: {  	[sflag:s0] =	ssyncadd.s32 $0xFFFFE000  }
0x1a8: {  	p0 =	sne.s32 s6, $0x1;
	_ =	swait.ge [sflag:s0], $0x2000  }
.Ltmp0:
0x1a9: {  	[sflag:s0] =	ssyncset.done $0x0;
	(pc) =	sbr.rel @p0 .LBB2_1-.Ltmp0, $4  }
0x1aa: {  	[sflag:s0] =	ssyncadd.s32 $0xFFFFE000  }
0x1ab: {  	_ =	swait.ge [sflag:s0], $0x2000  }
0x1ac: {  	[sflag:s0] =	ssyncset.done $0x0  }
0x1ad: {  	s6 =	sadd.s32 $0xFFFFFFFF, s6;
	[sflag:s0] =	ssyncadd.s32 $0xFFFFE000  }
0x1ae: {  	_ =	sfence.sel $0x180000  }
0x1af: {  	[bflag:$0x0] =	sbarrier.arrive $0xFFFF  }
0x1b0: {  	_ =	strace $0x90000047  }
0x1b1: {  	s0 =	stileid.u32;
	[bflag:$0x2] =	sbarrier.arrive $0xFFFF  }
0x1b2: {  	p0 =	sne.s32 s0, $0x0;
	s0 =	rddreg [dreg:$0x2]  }
0x1b3: {  	s0 =	sadd.s32 @!p0 $0x100000, s0  }
0x1b4: {  	[sflag:s0] =	ssyncadd.tile.s32 @!p0 $0x1;
	_ =	shalt  }
.Lfunc_end2:
_tile_overlayer_lowered:
.L_overlay_start_2:
0x1b5: {  	(tag) =	ssettag $0x2  }
0x1b6: {  	s0 =	rddreg [dreg:$0x0];
	s2 =	stileid.u32  }
0x1b7: {  	s1 =	rddreg [dreg:$0x1];
	p0 =	sne.s32 s2, $0x0  }
0x1b8: {  	s3 =	rddreg [dreg:$0x2];
	[bflag:$0x3] =	sbarrier.arrive $0xFFFF;
	s2 =	simm.s32 @!p0 $0x1C09  }
0x1b9: {  	[timem:s3], [sflag:s2] =	dma.local @!p0 [hbm:s0], s1  }
0x1ba: {  	s0 =	simm.s32 @!p0 $0x9  }
0x1bb: {  	_ =	swait.ge @!p0 [sflag:s0], s1  }
0x1bc: {  	s1 =	ssub.s32 @!p0 $0x0, s1;
	[sflag:s0] =	ssyncset.done @!p0 $0x0  }
0x1bd: {  	[sflag:s0] =	ssyncadd.s32 @!p0 s1  }
0x1be: {  	[bflag:$0x3] =	sbarrier.arrive $0xFFFF  }
0x1bf: {  	_ =	shalt  }

</sc_bundles>
